<compile_context>
chip_gen: v7x
topology: tpu7x:2x2x1
jax: 0.10.2.dev20260603
libtpu: 0.0.44.dev20260713+nightly
codegen_flags: <defaults>
</compile_context>

<pallas_src>
import jax
import jax.numpy as jnp
from jax import lax
from jax.experimental import pallas as pl
from jax.experimental.pallas import tpu as pltpu
from jax.experimental.pallas import tpu_sc as plsc

_B = 4096
_S = 200
_D = 128
_NC = 2
_NS = 16
_NW = _NC * _NS
_BW = _B // _NW
_L = 16
_DV = _D // _L


_NBUF = 4


def _body(resp_t, table, pos, out, idx_v, pos_v, bufs, gsems, ssems):
    wid = lax.axis_index("s") * _NC + lax.axis_index("c")
    b0 = wid * _BW

    pltpu.sync_copy(resp_t.at[:, pl.ds(b0, _BW)], idx_v)
    pltpu.async_copy(table.at[idx_v.at[0]], bufs[0], gsems[0])
    pltpu.async_copy(table.at[idx_v.at[1]], bufs[1], gsems[1])
    pltpu.sync_copy(pos, pos_v)

    def step(s, p):
        buf = bufs[p]
        pltpu.make_async_copy(table.at[idx_v.at[s]], buf, gsems[p]).wait()

        prow = [pos_v[s, pl.ds(_L * j, _L)] for j in range(_DV)]

        def add_row(r, carry):
            for j in range(_DV):
                sl = pl.ds(_L * j, _L)
                buf[r, sl] = buf[r, sl] + prow[j]
            return carry

        lax.fori_loop(0, _BW, add_row, 0, unroll=4)

        pltpu.async_copy(buf, out.at[pl.ds(b0, _BW), s], ssems[p])

        q = (p + 2) % _NBUF
        bufq = bufs[q]

        @pl.when(s >= 2)
        def _():
            pltpu.make_async_copy(
                bufq, out.at[pl.ds(b0, _BW), s - 2], ssems[q]).wait()

        @pl.when(s < _S - 2)
        def _():
            pltpu.async_copy(table.at[idx_v.at[s + 2]], bufq, gsems[q])

    def loop_body(i, carry):
        for b in range(_NBUF):
            step(_NBUF * i + b, b)
        return carry

    lax.fori_loop(0, _S // _NBUF, loop_body, 0)

    pltpu.make_async_copy(
        bufs[2], out.at[pl.ds(b0, _BW), _S - 2], ssems[2]).wait()
    pltpu.make_async_copy(
        bufs[3], out.at[pl.ds(b0, _BW), _S - 1], ssems[3]).wait()


@jax.jit
def _run(resp_t, table, pos):
    mesh = plsc.VectorSubcoreMesh(
        core_axis_name="c", subcore_axis_name="s",
        num_cores=_NC, num_subcores=_NS,
    )
    return pl.kernel(
        _body,
        out_type=jax.ShapeDtypeStruct((_B, _S, _D), jnp.float32),
        mesh=mesh,
        scratch_types=[
            pltpu.VMEM((_S, _BW), jnp.int32),
            pltpu.VMEM((_S, _D), jnp.float32),
            tuple(pltpu.VMEM((_BW, _D), jnp.float32) for _ in range(_NBUF)),
            tuple(pltpu.SemaphoreType.DMA for _ in range(_NBUF)),
            tuple(pltpu.SemaphoreType.DMA for _ in range(_NBUF)),
        ],
    )(resp_t, table, pos)


def kernel(responses, response_table, position_table):
    resp_t = responses.astype(jnp.int32).T
    return _run(resp_t, response_table, position_table)

# --- scband reference (transcript-rebuilt; emitter-appended) ---
"""Pipeline reference for scband-decoder-embedding-80668075753725 (READ-ONLY COPY).

The authoritative reference and input builder live on the scoring server;
editing this copy changes nothing except your own understanding.
"""

import jax, jax.numpy as jnp
import numpy as np

N_RESPONSES = 100000
N_DIMS = 128
SEQ_LEN = 200
BATCH = 4096


def setup_inputs(seed: int = 0) -> dict:
    key = jax.random.key(seed)
    k1, k2, k3 = jax.random.split(key, 3)
    responses = jax.random.randint(k1, (BATCH, SEQ_LEN), 0, N_RESPONSES, dtype=jnp.int64 if jax.config.jax_enable_x64 else jnp.int32)
    response_table = jax.random.normal(k2, (N_RESPONSES, N_DIMS), dtype=jnp.float32)
    position_table = jax.random.normal(k3, (SEQ_LEN, N_DIMS), dtype=jnp.float32)
    return {"responses": responses, "response_table": response_table, "position_table": position_table}


def reference(responses, response_table, position_table):
    # e = self.response_embed(responses)
    e = jnp.take(response_table, responses, axis=0)  # [B, S, D]
    # seq = torch.arange(self.seq_len).unsqueeze(0); p = self.position_embed(seq)
    seq = jnp.arange(SEQ_LEN)[None, :]  # [1, S]
    p = jnp.take(position_table, seq, axis=0)  # [1, S, D]
    return p + e

if __name__ == "__main__":
    import jax
    _d = setup_inputs()
    print(jax.jit(kernel)(*tuple(_d.values())))

</pallas_src>

<mosaic_0001>
#map = affine_map<(d0, d1) -> (0, 0)>
#map1 = affine_map<(d0, d1) -> (0, 0, 0)>
module attributes {stable_mosaic.version = 14 : i64} {
  func.func @_body(%arg0: i32, %arg1: i32, %arg2: memref<200x4096xi32, #tpu.memory_space<hbm>>, %arg3: memref<100000x128xf32, #tpu.memory_space<hbm>>, %arg4: memref<200x128xf32, #tpu.memory_space<hbm>>, %arg5: memref<4096x200x128xf32, #tpu.memory_space<hbm>>, %arg6: memref<200x128xi32, #tpu.memory_space<vmem>>, %arg7: memref<200x128xf32, #tpu.memory_space<vmem>>, %arg8: memref<128x128xf32, #tpu.memory_space<vmem>>, %arg9: memref<128x128xf32, #tpu.memory_space<vmem>>, %arg10: memref<128x128xf32, #tpu.memory_space<vmem>>, %arg11: memref<128x128xf32, #tpu.memory_space<vmem>>, %arg12: memref<!tpu.dma_semaphore, #tpu.memory_space<semaphore_mem>>, %arg13: memref<!tpu.dma_semaphore, #tpu.memory_space<semaphore_mem>>, %arg14: memref<!tpu.dma_semaphore, #tpu.memory_space<semaphore_mem>>, %arg15: memref<!tpu.dma_semaphore, #tpu.memory_space<semaphore_mem>>, %arg16: memref<!tpu.dma_semaphore, #tpu.memory_space<semaphore_mem>>, %arg17: memref<!tpu.dma_semaphore, #tpu.memory_space<semaphore_mem>>, %arg18: memref<!tpu.dma_semaphore, #tpu.memory_space<semaphore_mem>>, %arg19: memref<!tpu.dma_semaphore, #tpu.memory_space<semaphore_mem>>) attributes {dimension_semantics = [#tpu.dimension_semantics<core_parallel>, #tpu.dimension_semantics<subcore_parallel>], iteration_bounds = array<i64: 2, 16>, scalar_prefetch = 0 : i64, scratch_operands = 14 : i64, tpu.core_type = #tpu.core_type<sc_vector_subcore>, window_params = [{transform_indices = #map}, {transform_indices = #map}, {transform_indices = #map}, {transform_indices = #map1}]} {
    %mul3A = arith.constant 2 : i32
    %mul3A_0 = arith.muli %arg1, %mul3A : i32
    %add3A = arith.addi %mul3A_0, %arg0 : i32
    %mul3A_1 = arith.constant 128 : i32
    %mul3A_2 = arith.muli %add3A, %mul3A_1 : i32
    "tpu.region"() ({
      %run_scoped3A = tpu.sem_alloc : memref<!tpu.dma_semaphore, #tpu.memory_space<semaphore_mem>>
      %dma_start3A_34 = arith.constant 0 : i32
      %dma_start3A_35 = tpu.memref_slice %arg2[%dma_start3A_34, %mul3A_2] : memref<200x4096xi32, #tpu.memory_space<hbm>> -> memref<200x128xi32, #tpu.memory_space<hbm>>
      %dma_start3A_36 = arith.constant 0 : i32
      %dma_start3A_37 = tpu.memref_slice %arg2[%dma_start3A_36, %mul3A_2] : memref<200x4096xi32, #tpu.memory_space<hbm>> -> memref<200x128xi32, #tpu.memory_space<hbm>>
      tpu.enqueue_dma source(%dma_start3A_37 : memref<200x128xi32, #tpu.memory_space<hbm>>) target(%arg6 : memref<200x128xi32, #tpu.memory_space<vmem>>) target_semaphore(%run_scoped3A : memref<!tpu.dma_semaphore, #tpu.memory_space<semaphore_mem>>)
      %dma_wait3A_38 = arith.constant 0 : i32
      %dma_wait3A_39 = tpu.memref_slice %arg2[%dma_wait3A_38, %mul3A_2] : memref<200x4096xi32, #tpu.memory_space<hbm>> -> memref<200x128xi32, #tpu.memory_space<hbm>>
      %dma_wait3A_40 = arith.constant 0 : i32
      %dma_wait3A_41 = tpu.memref_slice %arg2[%dma_wait3A_40, %mul3A_2] : memref<200x4096xi32, #tpu.memory_space<hbm>> -> memref<200x128xi32, #tpu.memory_space<hbm>>
      tpu.wait_dma2 semaphore(%run_scoped3A : memref<!tpu.dma_semaphore, #tpu.memory_space<semaphore_mem>>) src(%dma_wait3A_41 : memref<200x128xi32, #tpu.memory_space<hbm>>) dst(%arg6 : memref<200x128xi32, #tpu.memory_space<vmem>>)
      tpu.yield
    }) : () -> ()
    %dma_start3A = arith.constant 0 : i32
    %dma_start3A_3 = arith.constant 0 : i32
    %dma_start3A_4 = tpu.memref_slice %arg6[%dma_start3A, %dma_start3A_3] : memref<200x128xi32, #tpu.memory_space<vmem>> -> memref<1x128xi32, #tpu.memory_space<vmem>>
    %dma_start3A_5 = tpu.memref_squeeze %dma_start3A_4 : memref<1x128xi32, #tpu.memory_space<vmem>> -> memref<128xi32, #tpu.memory_space<vmem>>
    %dma_start3A_6 = arith.constant 0 : i32
    %dma_start3A_7 = arith.constant 0 : i32
    %dma_start3A_8 = tpu.memref_slice %arg3[%dma_start3A_6, %dma_start3A_7] : memref<100000x128xf32, #tpu.memory_space<hbm>> -> memref<100000x128xf32, #tpu.memory_space<hbm>>
    tpu.enqueue_indirect_dma source(%dma_start3A_8 : memref<100000x128xf32, #tpu.memory_space<hbm>>) target(%arg8 : memref<128x128xf32, #tpu.memory_space<vmem>>) offsets(%dma_start3A_5 : memref<128xi32, #tpu.memory_space<vmem>>) semaphore(%arg12 : memref<!tpu.dma_semaphore, #tpu.memory_space<semaphore_mem>>)
    %dma_start3A_9 = arith.constant 1 : i32
    %dma_start3A_10 = arith.constant 0 : i32
    %dma_start3A_11 = tpu.memref_slice %arg6[%dma_start3A_9, %dma_start3A_10] : memref<200x128xi32, #tpu.memory_space<vmem>> -> memref<1x128xi32, #tpu.memory_space<vmem>>
    %dma_start3A_12 = tpu.memref_squeeze %dma_start3A_11 : memref<1x128xi32, #tpu.memory_space<vmem>> -> memref<128xi32, #tpu.memory_space<vmem>>
    %dma_start3A_13 = arith.constant 0 : i32
    %dma_start3A_14 = arith.constant 0 : i32
    %dma_start3A_15 = tpu.memref_slice %arg3[%dma_start3A_13, %dma_start3A_14] : memref<100000x128xf32, #tpu.memory_space<hbm>> -> memref<100000x128xf32, #tpu.memory_space<hbm>>
    tpu.enqueue_indirect_dma source(%dma_start3A_15 : memref<100000x128xf32, #tpu.memory_space<hbm>>) target(%arg9 : memref<128x128xf32, #tpu.memory_space<vmem>>) offsets(%dma_start3A_12 : memref<128xi32, #tpu.memory_space<vmem>>) semaphore(%arg13 : memref<!tpu.dma_semaphore, #tpu.memory_space<semaphore_mem>>)
    "tpu.region"() ({
      %run_scoped3A = tpu.sem_alloc : memref<!tpu.dma_semaphore, #tpu.memory_space<semaphore_mem>>
      tpu.enqueue_dma source(%arg4 : memref<200x128xf32, #tpu.memory_space<hbm>>) target(%arg7 : memref<200x128xf32, #tpu.memory_space<vmem>>) target_semaphore(%run_scoped3A : memref<!tpu.dma_semaphore, #tpu.memory_space<semaphore_mem>>)
      tpu.wait_dma2 semaphore(%run_scoped3A : memref<!tpu.dma_semaphore, #tpu.memory_space<semaphore_mem>>) src(%arg4 : memref<200x128xf32, #tpu.memory_space<hbm>>) dst(%arg7 : memref<200x128xf32, #tpu.memory_space<vmem>>)
      tpu.yield
    }) : () -> ()
    %scan3A = arith.constant 0 : i32
    %scan3A_16 = arith.constant 0 : i32
    %scan3A_17 = arith.constant 50 : i32
    %scan3A_18 = arith.addi %scan3A_16, %scan3A_17 : i32
    %scan3A_19 = arith.constant 1 : i32
    scf.for %scan3A_34 = %scan3A_16 to %scan3A_18 step %scan3A_19  : i32 {
      %mul3A_35 = arith.constant 4 : i32
      %mul3A_36 = arith.muli %mul3A_35, %scan3A_34 : i32
      %add3A_37 = arith.constant 0 : i32
      %add3A_38 = arith.addi %mul3A_36, %add3A_37 : i32
      %dma_wait3A_39 = arith.constant 0 : i32
      %dma_wait3A_40 = tpu.memref_slice %arg6[%add3A_38, %dma_wait3A_39] : memref<200x128xi32, #tpu.memory_space<vmem>> -> memref<1x128xi32, #tpu.memory_space<vmem>>
      %dma_wait3A_41 = tpu.memref_squeeze %dma_wait3A_40 : memref<1x128xi32, #tpu.memory_space<vmem>> -> memref<128xi32, #tpu.memory_space<vmem>>
      %dma_wait3A_42 = arith.constant 0 : i32
      %dma_wait3A_43 = arith.constant 0 : i32
      %dma_wait3A_44 = tpu.memref_slice %arg3[%dma_wait3A_42, %dma_wait3A_43] : memref<100000x128xf32, #tpu.memory_space<hbm>> -> memref<100000x128xf32, #tpu.memory_space<hbm>>
      tpu.wait_indirect_dma semaphore(%arg12 : memref<!tpu.dma_semaphore, #tpu.memory_space<semaphore_mem>>) src(%dma_wait3A_44 : memref<100000x128xf32, #tpu.memory_space<hbm>>) dst(%arg8 : memref<128x128xf32, #tpu.memory_space<vmem>>)
      %get3A = arith.index_cast %add3A_38 : i32 to index
      %get3A_45 = arith.constant 0 : index
      %get3A_46 = tpu.vector_load %arg7[%get3A, %get3A_45] {strides = array<i32>} : memref<200x128xf32, #tpu.memory_space<vmem>>, vector<1x16xf32>,
      %get3A_47 = vector.shape_cast %get3A_46 : vector<1x16xf32> to vector<16xf32>
      %get3A_48 = arith.index_cast %add3A_38 : i32 to index
      %get3A_49 = arith.constant 16 : index
      %get3A_50 = tpu.vector_load %arg7[%get3A_48, %get3A_49] {strides = array<i32>} : memref<200x128xf32, #tpu.memory_space<vmem>>, vector<1x16xf32>,
      %get3A_51 = vector.shape_cast %get3A_50 : vector<1x16xf32> to vector<16xf32>
      %get3A_52 = arith.index_cast %add3A_38 : i32 to index
      %get3A_53 = arith.constant 32 : index
      %get3A_54 = tpu.vector_load %arg7[%get3A_52, %get3A_53] {strides = array<i32>} : memref<200x128xf32, #tpu.memory_space<vmem>>, vector<1x16xf32>,
      %get3A_55 = vector.shape_cast %get3A_54 : vector<1x16xf32> to vector<16xf32>
      %get3A_56 = arith.index_cast %add3A_38 : i32 to index
      %get3A_57 = arith.constant 48 : index
      %get3A_58 = tpu.vector_load %arg7[%get3A_56, %get3A_57] {strides = array<i32>} : memref<200x128xf32, #tpu.memory_space<vmem>>, vector<1x16xf32>,
      %get3A_59 = vector.shape_cast %get3A_58 : vector<1x16xf32> to vector<16xf32>
      %get3A_60 = arith.index_cast %add3A_38 : i32 to index
      %get3A_61 = arith.constant 64 : index
      %get3A_62 = tpu.vector_load %arg7[%get3A_60, %get3A_61] {strides = array<i32>} : memref<200x128xf32, #tpu.memory_space<vmem>>, vector<1x16xf32>,
      %get3A_63 = vector.shape_cast %get3A_62 : vector<1x16xf32> to vector<16xf32>
      %get3A_64 = arith.index_cast %add3A_38 : i32 to index
      %get3A_65 = arith.constant 80 : index
      %get3A_66 = tpu.vector_load %arg7[%get3A_64, %get3A_65] {strides = array<i32>} : memref<200x128xf32, #tpu.memory_space<vmem>>, vector<1x16xf32>,
      %get3A_67 = vector.shape_cast %get3A_66 : vector<1x16xf32> to vector<16xf32>
      %get3A_68 = arith.index_cast %add3A_38 : i32 to index
      %get3A_69 = arith.constant 96 : index
      %get3A_70 = tpu.vector_load %arg7[%get3A_68, %get3A_69] {strides = array<i32>} : memref<200x128xf32, #tpu.memory_space<vmem>>, vector<1x16xf32>,
      %get3A_71 = vector.shape_cast %get3A_70 : vector<1x16xf32> to vector<16xf32>
      %get3A_72 = arith.index_cast %add3A_38 : i32 to index
      %get3A_73 = arith.constant 112 : index
      %get3A_74 = tpu.vector_load %arg7[%get3A_72, %get3A_73] {strides = array<i32>} : memref<200x128xf32, #tpu.memory_space<vmem>>, vector<1x16xf32>,
      %get3A_75 = vector.shape_cast %get3A_74 : vector<1x16xf32> to vector<16xf32>
      %scan3A_76 = arith.constant 0 : i32
      %scan3A_77 = arith.constant 0 : i32
      %scan3A_78 = arith.constant 128 : i32
      %scan3A_79 = arith.addi %scan3A_77, %scan3A_78 : i32
      %scan3A_80 = arith.constant 4 : i32
      scf.for %scan3A_286 = %scan3A_77 to %scan3A_79 step %scan3A_80  : i32 {
        %get3A_287 = arith.index_cast %scan3A_286 : i32 to index
        %get3A_288 = arith.constant 0 : index
        %get3A_289 = tpu.vector_load %arg8[%get3A_287, %get3A_288] {strides = array<i32>} : memref<128x128xf32, #tpu.memory_space<vmem>>, vector<1x16xf32>,
        %get3A_290 = vector.shape_cast %get3A_289 : vector<1x16xf32> to vector<16xf32>
        %add3A_291 = arith.addf %get3A_290, %get3A_47 : vector<16xf32>
        %swap3A = arith.index_cast %scan3A_286 : i32 to index
        %swap3A_292 = arith.constant 0 : index
        %swap3A_293 = tpu.vector_load %arg8[%swap3A, %swap3A_292] {strides = array<i32>} : memref<128x128xf32, #tpu.memory_space<vmem>>, vector<1x16xf32>,
        %swap3A_294 = vector.shape_cast %swap3A_293 : vector<1x16xf32> to vector<16xf32>
        %swap3A_295 = vector.shape_cast %add3A_291 : vector<16xf32> to vector<1x16xf32>
        tpu.vector_store %arg8[%swap3A, %swap3A_292], %swap3A_295 {strides = array<i32>} : memref<128x128xf32, #tpu.memory_space<vmem>>, vector<1x16xf32>,
        %get3A_296 = arith.index_cast %scan3A_286 : i32 to index
        %get3A_297 = arith.constant 16 : index
        %get3A_298 = tpu.vector_load %arg8[%get3A_296, %get3A_297] {strides = array<i32>} : memref<128x128xf32, #tpu.memory_space<vmem>>, vector<1x16xf32>,
        %get3A_299 = vector.shape_cast %get3A_298 : vector<1x16xf32> to vector<16xf32>
        %add3A_300 = arith.addf %get3A_299, %get3A_51 : vector<16xf32>
        %swap3A_301 = arith.index_cast %scan3A_286 : i32 to index
        %swap3A_302 = arith.constant 16 : index
        %swap3A_303 = tpu.vector_load %arg8[%swap3A_301, %swap3A_302] {strides = array<i32>} : memref<128x128xf32, #tpu.memory_space<vmem>>, vector<1x16xf32>,
        %swap3A_304 = vector.shape_cast %swap3A_303 : vector<1x16xf32> to vector<16xf32>
        %swap3A_305 = vector.shape_cast %add3A_300 : vector<16xf32> to vector<1x16xf32>
        tpu.vector_store %arg8[%swap3A_301, %swap3A_302], %swap3A_305 {strides = array<i32>} : memref<128x128xf32, #tpu.memory_space<vmem>>, vector<1x16xf32>,
        %get3A_306 = arith.index_cast %scan3A_286 : i32 to index
        %get3A_307 = arith.constant 32 : index
        %get3A_308 = tpu.vector_load %arg8[%get3A_306, %get3A_307] {strides = array<i32>} : memref<128x128xf32, #tpu.memory_space<vmem>>, vector<1x16xf32>,
        %get3A_309 = vector.shape_cast %get3A_308 : vector<1x16xf32> to vector<16xf32>
        %add3A_310 = arith.addf %get3A_309, %get3A_55 : vector<16xf32>
        %swap3A_311 = arith.index_cast %scan3A_286 : i32 to index
        %swap3A_312 = arith.constant 32 : index
        %swap3A_313 = tpu.vector_load %arg8[%swap3A_311, %swap3A_312] {strides = array<i32>} : memref<128x128xf32, #tpu.memory_space<vmem>>, vector<1x16xf32>,
        %swap3A_314 = vector.shape_cast %swap3A_313 : vector<1x16xf32> to vector<16xf32>
        %swap3A_315 = vector.shape_cast %add3A_310 : vector<16xf32> to vector<1x16xf32>
        tpu.vector_store %arg8[%swap3A_311, %swap3A_312], %swap3A_315 {strides = array<i32>} : memref<128x128xf32, #tpu.memory_space<vmem>>, vector<1x16xf32>,
        %get3A_316 = arith.index_cast %scan3A_286 : i32 to index
        %get3A_317 = arith.constant 48 : index
        %get3A_318 = tpu.vector_load %arg8[%get3A_316, %get3A_317] {strides = array<i32>} : memref<128x128xf32, #tpu.memory_space<vmem>>, vector<1x16xf32>,
        %get3A_319 = vector.shape_cast %get3A_318 : vector<1x16xf32> to vector<16xf32>
        %add3A_320 = arith.addf %get3A_319, %get3A_59 : vector<16xf32>
        %swap3A_321 = arith.index_cast %scan3A_286 : i32 to index
        %swap3A_322 = arith.constant 48 : index
        %swap3A_323 = tpu.vector_load %arg8[%swap3A_321, %swap3A_322] {strides = array<i32>} : memref<128x128xf32, #tpu.memory_space<vmem>>, vector<1x16xf32>,
        %swap3A_324 = vector.shape_cast %swap3A_323 : vector<1x16xf32> to vector<16xf32>
        %swap3A_325 = vector.shape_cast %add3A_320 : vector<16xf32> to vector<1x16xf32>
        tpu.vector_store %arg8[%swap3A_321, %swap3A_322], %swap3A_325 {strides = array<i32>} : memref<128x128xf32, #tpu.memory_space<vmem>>, vector<1x16xf32>,
        %get3A_326 = arith.index_cast %scan3A_286 : i32 to index
        %get3A_327 = arith.constant 64 : index
        %get3A_328 = tpu.vector_load %arg8[%get3A_326, %get3A_327] {strides = array<i32>} : memref<128x128xf32, #tpu.memory_space<vmem>>, vector<1x16xf32>,
        %get3A_329 = vector.shape_cast %get3A_328 : vector<1x16xf32> to vector<16xf32>
        %add3A_330 = arith.addf %get3A_329, %get3A_63 : vector<16xf32>
        %swap3A_331 = arith.index_cast %scan3A_286 : i32 to index
        %swap3A_332 = arith.constant 64 : index
        %swap3A_333 = tpu.vector_load %arg8[%swap3A_331, %swap3A_332] {strides = array<i32>} : memref<128x128xf32, #tpu.memory_space<vmem>>, vector<1x16xf32>,
        %swap3A_334 = vector.shape_cast %swap3A_333 : vector<1x16xf32> to vector<16xf32>
        %swap3A_335 = vector.shape_cast %add3A_330 : vector<16xf32> to vector<1x16xf32>
        tpu.vector_store %arg8[%swap3A_331, %swap3A_332], %swap3A_335 {strides = array<i32>} : memref<128x128xf32, #tpu.memory_space<vmem>>, vector<1x16xf32>,
        %get3A_336 = arith.index_cast %scan3A_286 : i32 to index
        %get3A_337 = arith.constant 80 : index
        %get3A_338 = tpu.vector_load %arg8[%get3A_336, %get3A_337] {strides = array<i32>} : memref<128x128xf32, #tpu.memory_space<vmem>>, vector<1x16xf32>,
        %get3A_339 = vector.shape_cast %get3A_338 : vector<1x16xf32> to vector<16xf32>
        %add3A_340 = arith.addf %get3A_339, %get3A_67 : vector<16xf32>
        %swap3A_341 = arith.index_cast %scan3A_286 : i32 to index
        %swap3A_342 = arith.constant 80 : index
        %swap3A_343 = tpu.vector_load %arg8[%swap3A_341, %swap3A_342] {strides = array<i32>} : memref<128x128xf32, #tpu.memory_space<vmem>>, vector<1x16xf32>,
        %swap3A_344 = vector.shape_cast %swap3A_343 : vector<1x16xf32> to vector<16xf32>
        %swap3A_345 = vector.shape_cast %add3A_340 : vector<16xf32> to vector<1x16xf32>
        tpu.vector_store %arg8[%swap3A_341, %swap3A_342], %swap3A_345 {strides = array<i32>} : memref<128x128xf32, #tpu.memory_space<vmem>>, vector<1x16xf32>,
        %get3A_346 = arith.index_cast %scan3A_286 : i32 to index
        %get3A_347 = arith.constant 96 : index
        %get3A_348 = tpu.vector_load %arg8[%get3A_346, %get3A_347] {strides = array<i32>} : memref<128x128xf32, #tpu.memory_space<vmem>>, vector<1x16xf32>,
        %get3A_349 = vector.shape_cast %get3A_348 : vector<1x16xf32> to vector<16xf32>
        %add3A_350 = arith.addf %get3A_349, %get3A_71 : vector<16xf32>
        %swap3A_351 = arith.index_cast %scan3A_286 : i32 to index
        %swap3A_352 = arith.constant 96 : index
        %swap3A_353 = tpu.vector_load %arg8[%swap3A_351, %swap3A_352] {strides = array<i32>} : memref<128x128xf32, #tpu.memory_space<vmem>>, vector<1x16xf32>,
        %swap3A_354 = vector.shape_cast %swap3A_353 : vector<1x16xf32> to vector<16xf32>
        %swap3A_355 = vector.shape_cast %add3A_350 : vector<16xf32> to vector<1x16xf32>
        tpu.vector_store %arg8[%swap3A_351, %swap3A_352], %swap3A_355 {strides = array<i32>} : memref<128x128xf32, #tpu.memory_space<vmem>>, vector<1x16xf32>,
        %get3A_356 = arith.index_cast %scan3A_286 : i32 to index
        %get3A_357 = arith.constant 112 : index
        %get3A_358 = tpu.vector_load %arg8[%get3A_356, %get3A_357] {strides = array<i32>} : memref<128x128xf32, #tpu.memory_space<vmem>>, vector<1x16xf32>,
        %get3A_359 = vector.shape_cast %get3A_358 : vector<1x16xf32> to vector<16xf32>
        %add3A_360 = arith.addf %get3A_359, %get3A_75 : vector<16xf32>
        %swap3A_361 = arith.index_cast %scan3A_286 : i32 to index
        %swap3A_362 = arith.constant 112 : index
        %swap3A_363 = tpu.vector_load %arg8[%swap3A_361, %swap3A_362] {strides = array<i32>} : memref<128x128xf32, #tpu.memory_space<vmem>>, vector<1x16xf32>,
        %swap3A_364 = vector.shape_cast %swap3A_363 : vector<1x16xf32> to vector<16xf32>
        %swap3A_365 = vector.shape_cast %add3A_360 : vector<16xf32> to vector<1x16xf32>
        tpu.vector_store %arg8[%swap3A_361, %swap3A_362], %swap3A_365 {strides = array<i32>} : memref<128x128xf32, #tpu.memory_space<vmem>>, vector<1x16xf32>,
        %scan3A_366 = arith.constant 1 : i32
        %scan3A_367 = arith.addi %scan3A_286, %scan3A_366 : i32
        %get3A_368 = arith.index_cast %scan3A_367 : i32 to index
        %get3A_369 = arith.constant 0 : index
        %get3A_370 = tpu.vector_load %arg8[%get3A_368, %get3A_369] {strides = array<i32>} : memref<128x128xf32, #tpu.memory_space<vmem>>, vector<1x16xf32>,
        %get3A_371 = vector.shape_cast %get3A_370 : vector<1x16xf32> to vector<16xf32>
        %add3A_372 = arith.addf %get3A_371, %get3A_47 : vector<16xf32>
        %swap3A_373 = arith.index_cast %scan3A_367 : i32 to index
        %swap3A_374 = arith.constant 0 : index
        %swap3A_375 = tpu.vector_load %arg8[%swap3A_373, %swap3A_374] {strides = array<i32>} : memref<128x128xf32, #tpu.memory_space<vmem>>, vector<1x16xf32>,
        %swap3A_376 = vector.shape_cast %swap3A_375 : vector<1x16xf32> to vector<16xf32>
        %swap3A_377 = vector.shape_cast %add3A_372 : vector<16xf32> to vector<1x16xf32>
        tpu.vector_store %arg8[%swap3A_373, %swap3A_374], %swap3A_377 {strides = array<i32>} : memref<128x128xf32, #tpu.memory_space<vmem>>, vector<1x16xf32>,
        %get3A_378 = arith.index_cast %scan3A_367 : i32 to index
        %get3A_379 = arith.constant 16 : index
        %get3A_380 = tpu.vector_load %arg8[%get3A_378, %get3A_379] {strides = array<i32>} : memref<128x128xf32, #tpu.memory_space<vmem>>, vector<1x16xf32>,
        %get3A_381 = vector.shape_cast %get3A_380 : vector<1x16xf32> to vector<16xf32>
        %add3A_382 = arith.addf %get3A_381, %get3A_51 : vector<16xf32>
        %swap3A_383 = arith.index_cast %scan3A_367 : i32 to index
        %swap3A_384 = arith.constant 16 : index
        %swap3A_385 = tpu.vector_load %arg8[%swap3A_383, %swap3A_384] {strides = array<i32>} : memref<128x128xf32, #tpu.memory_space<vmem>>, vector<1x16xf32>,
        %swap3A_386 = vector.shape_cast %swap3A_385 : vector<1x16xf32> to vector<16xf32>
        %swap3A_387 = vector.shape_cast %add3A_382 : vector<16xf32> to vector<1x16xf32>
        tpu.vector_store %arg8[%swap3A_383, %swap3A_384], %swap3A_387 {strides = array<i32>} : memref<128x128xf32, #tpu.memory_space<vmem>>, vector<1x16xf32>,
        %get3A_388 = arith.index_cast %scan3A_367 : i32 to index
        %get3A_389 = arith.constant 32 : index
        %get3A_390 = tpu.vector_load %arg8[%get3A_388, %get3A_389] {strides = array<i32>} : memref<128x128xf32, #tpu.memory_space<vmem>>, vector<1x16xf32>,
        %get3A_391 = vector.shape_cast %get3A_390 : vector<1x16xf32> to vector<16xf32>
        %add3A_392 = arith.addf %get3A_391, %get3A_55 : vector<16xf32>
        %swap3A_393 = arith.index_cast %scan3A_367 : i32 to index
        %swap3A_394 = arith.constant 32 : index
        %swap3A_395 = tpu.vector_load %arg8[%swap3A_393, %swap3A_394] {strides = array<i32>} : memref<128x128xf32, #tpu.memory_space<vmem>>, vector<1x16xf32>,
        %swap3A_396 = vector.shape_cast %swap3A_395 : vector<1x16xf32> to vector<16xf32>
        %swap3A_397 = vector.shape_cast %add3A_392 : vector<16xf32> to vector<1x16xf32>
        tpu.vector_store %arg8[%swap3A_393, %swap3A_394], %swap3A_397 {strides = array<i32>} : memref<128x128xf32, #tpu.memory_space<vmem>>, vector<1x16xf32>,
        %get3A_398 = arith.index_cast %scan3A_367 : i32 to index
        %get3A_399 = arith.constant 48 : index
        %get3A_400 = tpu.vector_load %arg8[%get3A_398, %get3A_399] {strides = array<i32>} : memref<128x128xf32, #tpu.memory_space<vmem>>, vector<1x16xf32>,
        %get3A_401 = vector.shape_cast %get3A_400 : vector<1x16xf32> to vector<16xf32>
        %add3A_402 = arith.addf %get3A_401, %get3A_59 : vector<16xf32>
        %swap3A_403 = arith.index_cast %scan3A_367 : i32 to index
        %swap3A_404 = arith.constant 48 : index
        %swap3A_405 = tpu.vector_load %arg8[%swap3A_403, %swap3A_404] {strides = array<i32>} : memref<128x128xf32, #tpu.memory_space<vmem>>, vector<1x16xf32>,
        %swap3A_406 = vector.shape_cast %swap3A_405 : vector<1x16xf32> to vector<16xf32>
        %swap3A_407 = vector.shape_cast %add3A_402 : vector<16xf32> to vector<1x16xf32>
        tpu.vector_store %arg8[%swap3A_403, %swap3A_404], %swap3A_407 {strides = array<i32>} : memref<128x128xf32, #tpu.memory_space<vmem>>, vector<1x16xf32>,
        %get3A_408 = arith.index_cast %scan3A_367 : i32 to index
        %get3A_409 = arith.constant 64 : index
        %get3A_410 = tpu.vector_load %arg8[%get3A_408, %get3A_409] {strides = array<i32>} : memref<128x128xf32, #tpu.memory_space<vmem>>, vector<1x16xf32>,
        %get3A_411 = vector.shape_cast %get3A_410 : vector<1x16xf32> to vector<16xf32>
        %add3A_412 = arith.addf %get3A_411, %get3A_63 : vector<16xf32>
        %swap3A_413 = arith.index_cast %scan3A_367 : i32 to index
        %swap3A_414 = arith.constant 64 : index
        %swap3A_415 = tpu.vector_load %arg8[%swap3A_413, %swap3A_414] {strides = array<i32>} : memref<128x128xf32, #tpu.memory_space<vmem>>, vector<1x16xf32>,
        %swap3A_416 = vector.shape_cast %swap3A_415 : vector<1x16xf32> to vector<16xf32>
        %swap3A_417 = vector.shape_cast %add3A_412 : vector<16xf32> to vector<1x16xf32>
        tpu.vector_store %arg8[%swap3A_413, %swap3A_414], %swap3A_417 {strides = array<i32>} : memref<128x128xf32, #tpu.memory_space<vmem>>, vector<1x16xf32>,
        %get3A_418 = arith.index_cast %scan3A_367 : i32 to index
        %get3A_419 = arith.constant 80 : index
        %get3A_420 = tpu.vector_load %arg8[%get3A_418, %get3A_419] {strides = array<i32>} : memref<128x128xf32, #tpu.memory_space<vmem>>, vector<1x16xf32>,
        %get3A_421 = vector.shape_cast %get3A_420 : vector<1x16xf32> to vector<16xf32>
        %add3A_422 = arith.addf %get3A_421, %get3A_67 : vector<16xf32>
        %swap3A_423 = arith.index_cast %scan3A_367 : i32 to index
        %swap3A_424 = arith.constant 80 : index
        %swap3A_425 = tpu.vector_load %arg8[%swap3A_423, %swap3A_424] {strides = array<i32>} : memref<128x128xf32, #tpu.memory_space<vmem>>, vector<1x16xf32>,
        %swap3A_426 = vector.shape_cast %swap3A_425 : vector<1x16xf32> to vector<16xf32>
        %swap3A_427 = vector.shape_cast %add3A_422 : vector<16xf32> to vector<1x16xf32>
        tpu.vector_store %arg8[%swap3A_423, %swap3A_424], %swap3A_427 {strides = array<i32>} : memref<128x128xf32, #tpu.memory_space<vmem>>, vector<1x16xf32>,
        %get3A_428 = arith.index_cast %scan3A_367 : i32 to index
        %get3A_429 = arith.constant 96 : index
        %get3A_430 = tpu.vector_load %arg8[%get3A_428, %get3A_429] {strides = array<i32>} : memref<128x128xf32, #tpu.memory_space<vmem>>, vector<1x16xf32>,
        %get3A_431 = vector.shape_cast %get3A_430 : vector<1x16xf32> to vector<16xf32>
        %add3A_432 = arith.addf %get3A_431, %get3A_71 : vector<16xf32>
        %swap3A_433 = arith.index_cast %scan3A_367 : i32 to index
        %swap3A_434 = arith.constant 96 : index
        %swap3A_435 = tpu.vector_load %arg8[%swap3A_433, %swap3A_434] {strides = array<i32>} : memref<128x128xf32, #tpu.memory_space<vmem>>, vector<1x16xf32>,
        %swap3A_436 = vector.shape_cast %swap3A_435 : vector<1x16xf32> to vector<16xf32>
        %swap3A_437 = vector.shape_cast %add3A_432 : vector<16xf32> to vector<1x16xf32>
        tpu.vector_store %arg8[%swap3A_433, %swap3A_434], %swap3A_437 {strides = array<i32>} : memref<128x128xf32, #tpu.memory_space<vmem>>, vector<1x16xf32>,
        %get3A_438 = arith.index_cast %scan3A_367 : i32 to index
        %get3A_439 = arith.constant 112 : index
        %get3A_440 = tpu.vector_load %arg8[%get3A_438, %get3A_439] {strides = array<i32>} : memref<128x128xf32, #tpu.memory_space<vmem>>, vector<1x16xf32>,
        %get3A_441 = vector.shape_cast %get3A_440 : vector<1x16xf32> to vector<16xf32>
        %add3A_442 = arith.addf %get3A_441, %get3A_75 : vector<16xf32>
        %swap3A_443 = arith.index_cast %scan3A_367 : i32 to index
        %swap3A_444 = arith.constant 112 : index
        %swap3A_445 = tpu.vector_load %arg8[%swap3A_443, %swap3A_444] {strides = array<i32>} : memref<128x128xf32, #tpu.memory_space<vmem>>, vector<1x16xf32>,
        %swap3A_446 = vector.shape_cast %swap3A_445 : vector<1x16xf32> to vector<16xf32>
        %swap3A_447 = vector.shape_cast %add3A_442 : vector<16xf32> to vector<1x16xf32>
        tpu.vector_store %arg8[%swap3A_443, %swap3A_444], %swap3A_447 {strides = array<i32>} : memref<128x128xf32, #tpu.memory_space<vmem>>, vector<1x16xf32>,
        %scan3A_448 = arith.constant 2 : i32
        %scan3A_449 = arith.addi %scan3A_286, %scan3A_448 : i32
        %get3A_450 = arith.index_cast %scan3A_449 : i32 to index
        %get3A_451 = arith.constant 0 : index
        %get3A_452 = tpu.vector_load %arg8[%get3A_450, %get3A_451] {strides = array<i32>} : memref<128x128xf32, #tpu.memory_space<vmem>>, vector<1x16xf32>,
        %get3A_453 = vector.shape_cast %get3A_452 : vector<1x16xf32> to vector<16xf32>
        %add3A_454 = arith.addf %get3A_453, %get3A_47 : vector<16xf32>
        %swap3A_455 = arith.index_cast %scan3A_449 : i32 to index
        %swap3A_456 = arith.constant 0 : index
        %swap3A_457 = tpu.vector_load %arg8[%swap3A_455, %swap3A_456] {strides = array<i32>} : memref<128x128xf32, #tpu.memory_space<vmem>>, vector<1x16xf32>,
        %swap3A_458 = vector.shape_cast %swap3A_457 : vector<1x16xf32> to vector<16xf32>
        %swap3A_459 = vector.shape_cast %add3A_454 : vector<16xf32> to vector<1x16xf32>
        tpu.vector_store %arg8[%swap3A_455, %swap3A_456], %swap3A_459 {strides = array<i32>} : memref<128x128xf32, #tpu.memory_space<vmem>>, vector<1x16xf32>,
        %get3A_460 = arith.index_cast %scan3A_449 : i32 to index
        %get3A_461 = arith.constant 16 : index
        %get3A_462 = tpu.vector_load %arg8[%get3A_460, %get3A_461] {strides = array<i32>} : memref<128x128xf32, #tpu.memory_space<vmem>>, vector<1x16xf32>,
        %get3A_463 = vector.shape_cast %get3A_462 : vector<1x16xf32> to vector<16xf32>
        %add3A_464 = arith.addf %get3A_463, %get3A_51 : vector<16xf32>
        %swap3A_465 = arith.index_cast %scan3A_449 : i32 to index
        %swap3A_466 = arith.constant 16 : index
        %swap3A_467 = tpu.vector_load %arg8[%swap3A_465, %swap3A_466] {strides = array<i32>} : memref<128x128xf32, #tpu.memory_space<vmem>>, vector<1x16xf32>,
        %swap3A_468 = vector.shape_cast %swap3A_467 : vector<1x16xf32> to vector<16xf32>
        %swap3A_469 = vector.shape_cast %add3A_464 : vector<16xf32> to vector<1x16xf32>
        tpu.vector_store %arg8[%swap3A_465, %swap3A_466], %swap3A_469 {strides = array<i32>} : memref<128x128xf32, #tpu.memory_space<vmem>>, vector<1x16xf32>,
        %get3A_470 = arith.index_cast %scan3A_449 : i32 to index
        %get3A_471 = arith.constant 32 : index
        %get3A_472 = tpu.vector_load %arg8[%get3A_470, %get3A_471] {strides = array<i32>} : memref<128x128xf32, #tpu.memory_space<vmem>>, vector<1x16xf32>,
        %get3A_473 = vector.shape_cast %get3A_472 : vector<1x16xf32> to vector<16xf32>
        %add3A_474 = arith.addf %get3A_473, %get3A_55 : vector<16xf32>
        %swap3A_475 = arith.index_cast %scan3A_449 : i32 to index
        %swap3A_476 = arith.constant 32 : index
        %swap3A_477 = tpu.vector_load %arg8[%swap3A_475, %swap3A_476] {strides = array<i32>} : memref<128x128xf32, #tpu.memory_space<vmem>>, vector<1x16xf32>,
        %swap3A_478 = vector.shape_cast %swap3A_477 : vector<1x16xf32> to vector<16xf32>
        %swap3A_479 = vector.shape_cast %add3A_474 : vector<16xf32> to vector<1x16xf32>
        tpu.vector_store %arg8[%swap3A_475, %swap3A_476], %swap3A_479 {strides = array<i32>} : memref<128x128xf32, #tpu.memory_space<vmem>>, vector<1x16xf32>,
        %get3A_480 = arith.index_cast %scan3A_449 : i32 to index
        %get3A_481 = arith.constant 48 : index
        %get3A_482 = tpu.vector_load %arg8[%get3A_480, %get3A_481] {strides = array<i32>} : memref<128x128xf32, #tpu.memory_space<vmem>>, vector<1x16xf32>,
        %get3A_483 = vector.shape_cast %get3A_482 : vector<1x16xf32> to vector<16xf32>
        %add3A_484 = arith.addf %get3A_483, %get3A_59 : vector<16xf32>
        %swap3A_485 = arith.index_cast %scan3A_449 : i32 to index
        %swap3A_486 = arith.constant 48 : index
        %swap3A_487 = tpu.vector_load %arg8[%swap3A_485, %swap3A_486] {strides = array<i32>} : memref<128x128xf32, #tpu.memory_space<vmem>>, vector<1x16xf32>,
        %swap3A_488 = vector.shape_cast %swap3A_487 : vector<1x16xf32> to vector<16xf32>
        %swap3A_489 = vector.shape_cast %add3A_484 : vector<16xf32> to vector<1x16xf32>
        tpu.vector_store %arg8[%swap3A_485, %swap3A_486], %swap3A_489 {strides = array<i32>} : memref<128x128xf32, #tpu.memory_space<vmem>>, vector<1x16xf32>,
        %get3A_490 = arith.index_cast %scan3A_449 : i32 to index
        %get3A_491 = arith.constant 64 : index
        %get3A_492 = tpu.vector_load %arg8[%get3A_490, %get3A_491] {strides = array<i32>} : memref<128x128xf32, #tpu.memory_space<vmem>>, vector<1x16xf32>,
        %get3A_493 = vector.shape_cast %get3A_492 : vector<1x16xf32> to vector<16xf32>
        %add3A_494 = arith.addf %get3A_493, %get3A_63 : vector<16xf32>
        %swap3A_495 = arith.index_cast %scan3A_449 : i32 to index
        %swap3A_496 = arith.constant 64 : index
        %swap3A_497 = tpu.vector_load %arg8[%swap3A_495, %swap3A_496] {strides = array<i32>} : memref<128x128xf32, #tpu.memory_space<vmem>>, vector<1x16xf32>,
        %swap3A_498 = vector.shape_cast %swap3A_497 : vector<1x16xf32> to vector<16xf32>
        %swap3A_499 = vector.shape_cast %add3A_494 : vector<16xf32> to vector<1x16xf32>
        tpu.vector_store %arg8[%swap3A_495, %swap3A_496], %swap3A_499 {strides = array<i32>} : memref<128x128xf32, #tpu.memory_space<vmem>>, vector<1x16xf32>,
        %get3A_500 = arith.index_cast %scan3A_449 : i32 to index
        %get3A_501 = arith.constant 80 : index
        %get3A_502 = tpu.vector_load %arg8[%get3A_500, %get3A_501] {strides = array<i32>} : memref<128x128xf32, #tpu.memory_space<vmem>>, vector<1x16xf32>,
        %get3A_503 = vector.shape_cast %get3A_502 : vector<1x16xf32> to vector<16xf32>
        %add3A_504 = arith.addf %get3A_503, %get3A_67 : vector<16xf32>
        %swap3A_505 = arith.index_cast %scan3A_449 : i32 to index
        %swap3A_506 = arith.constant 80 : index
        %swap3A_507 = tpu.vector_load %arg8[%swap3A_505, %swap3A_506] {strides = array<i32>} : memref<128x128xf32, #tpu.memory_space<vmem>>, vector<1x16xf32>,
        %swap3A_508 = vector.shape_cast %swap3A_507 : vector<1x16xf32> to vector<16xf32>
        %swap3A_509 = vector.shape_cast %add3A_504 : vector<16xf32> to vector<1x16xf32>
        tpu.vector_store %arg8[%swap3A_505, %swap3A_506], %swap3A_509 {strides = array<i32>} : memref<128x128xf32, #tpu.memory_space<vmem>>, vector<1x16xf32>,
        %get3A_510 = arith.index_cast %scan3A_449 : i32 to index
        %get3A_511 = arith.constant 96 : index
        %get3A_512 = tpu.vector_load %arg8[%get3A_510, %get3A_511] {strides = array<i32>} : memref<128x128xf32, #tpu.memory_space<vmem>>, vector<1x16xf32>,
        %get3A_513 = vector.shape_cast %get3A_512 : vector<1x16xf32> to vector<16xf32>
        %add3A_514 = arith.addf %get3A_513, %get3A_71 : vector<16xf32>
        %swap3A_515 = arith.index_cast %scan3A_449 : i32 to index
        %swap3A_516 = arith.constant 96 : index
        %swap3A_517 = tpu.vector_load %arg8[%swap3A_515, %swap3A_516] {strides = array<i32>} : memref<128x128xf32, #tpu.memory_space<vmem>>, vector<1x16xf32>,
        %swap3A_518 = vector.shape_cast %swap3A_517 : vector<1x16xf32> to vector<16xf32>
        %swap3A_519 = vector.shape_cast %add3A_514 : vector<16xf32> to vector<1x16xf32>
        tpu.vector_store %arg8[%swap3A_515, %swap3A_516], %swap3A_519 {strides = array<i32>} : memref<128x128xf32, #tpu.memory_space<vmem>>, vector<1x16xf32>,
        %get3A_520 = arith.index_cast %scan3A_449 : i32 to index
        %get3A_521 = arith.constant 112 : index
        %get3A_522 = tpu.vector_load %arg8[%get3A_520, %get3A_521] {strides = array<i32>} : memref<128x128xf32, #tpu.memory_space<vmem>>, vector<1x16xf32>,
        %get3A_523 = vector.shape_cast %get3A_522 : vector<1x16xf32> to vector<16xf32>
        %add3A_524 = arith.addf %get3A_523, %get3A_75 : vector<16xf32>
        %swap3A_525 = arith.index_cast %scan3A_449 : i32 to index
        %swap3A_526 = arith.constant 112 : index
        %swap3A_527 = tpu.vector_load %arg8[%swap3A_525, %swap3A_526] {strides = array<i32>} : memref<128x128xf32, #tpu.memory_space<vmem>>, vector<1x16xf32>,
        %swap3A_528 = vector.shape_cast %swap3A_527 : vector<1x16xf32> to vector<16xf32>
        %swap3A_529 = vector.shape_cast %add3A_524 : vector<16xf32> to vector<1x16xf32>
        tpu.vector_store %arg8[%swap3A_525, %swap3A_526], %swap3A_529 {strides = array<i32>} : memref<128x128xf32, #tpu.memory_space<vmem>>, vector<1x16xf32>,
        %scan3A_530 = arith.constant 3 : i32
        %scan3A_531 = arith.addi %scan3A_286, %scan3A_530 : i32
        %get3A_532 = arith.index_cast %scan3A_531 : i32 to index
        %get3A_533 = arith.constant 0 : index
        %get3A_534 = tpu.vector_load %arg8[%get3A_532, %get3A_533] {strides = array<i32>} : memref<128x128xf32, #tpu.memory_space<vmem>>, vector<1x16xf32>,
        %get3A_535 = vector.shape_cast %get3A_534 : vector<1x16xf32> to vector<16xf32>
        %add3A_536 = arith.addf %get3A_535, %get3A_47 : vector<16xf32>
        %swap3A_537 = arith.index_cast %scan3A_531 : i32 to index
        %swap3A_538 = arith.constant 0 : index
        %swap3A_539 = tpu.vector_load %arg8[%swap3A_537, %swap3A_538] {strides = array<i32>} : memref<128x128xf32, #tpu.memory_space<vmem>>, vector<1x16xf32>,
        %swap3A_540 = vector.shape_cast %swap3A_539 : vector<1x16xf32> to vector<16xf32>
        %swap3A_541 = vector.shape_cast %add3A_536 : vector<16xf32> to vector<1x16xf32>
        tpu.vector_store %arg8[%swap3A_537, %swap3A_538], %swap3A_541 {strides = array<i32>} : memref<128x128xf32, #tpu.memory_space<vmem>>, vector<1x16xf32>,
        %get3A_542 = arith.index_cast %scan3A_531 : i32 to index
        %get3A_543 = arith.constant 16 : index
        %get3A_544 = tpu.vector_load %arg8[%get3A_542, %get3A_543] {strides = array<i32>} : memref<128x128xf32, #tpu.memory_space<vmem>>, vector<1x16xf32>,
        %get3A_545 = vector.shape_cast %get3A_544 : vector<1x16xf32> to vector<16xf32>
        %add3A_546 = arith.addf %get3A_545, %get3A_51 : vector<16xf32>
        %swap3A_547 = arith.index_cast %scan3A_531 : i32 to index
        %swap3A_548 = arith.constant 16 : index
        %swap3A_549 = tpu.vector_load %arg8[%swap3A_547, %swap3A_548] {strides = array<i32>} : memref<128x128xf32, #tpu.memory_space<vmem>>, vector<1x16xf32>,
        %swap3A_550 = vector.shape_cast %swap3A_549 : vector<1x16xf32> to vector<16xf32>
        %swap3A_551 = vector.shape_cast %add3A_546 : vector<16xf32> to vector<1x16xf32>
        tpu.vector_store %arg8[%swap3A_547, %swap3A_548], %swap3A_551 {strides = array<i32>} : memref<128x128xf32, #tpu.memory_space<vmem>>, vector<1x16xf32>,
        %get3A_552 = arith.index_cast %scan3A_531 : i32 to index
        %get3A_553 = arith.constant 32 : index
        %get3A_554 = tpu.vector_load %arg8[%get3A_552, %get3A_553] {strides = array<i32>} : memref<128x128xf32, #tpu.memory_space<vmem>>, vector<1x16xf32>,
        %get3A_555 = vector.shape_cast %get3A_554 : vector<1x16xf32> to vector<16xf32>
        %add3A_556 = arith.addf %get3A_555, %get3A_55 : vector<16xf32>
        %swap3A_557 = arith.index_cast %scan3A_531 : i32 to index
        %swap3A_558 = arith.constant 32 : index
        %swap3A_559 = tpu.vector_load %arg8[%swap3A_557, %swap3A_558] {strides = array<i32>} : memref<128x128xf32, #tpu.memory_space<vmem>>, vector<1x16xf32>,
        %swap3A_560 = vector.shape_cast %swap3A_559 : vector<1x16xf32> to vector<16xf32>
        %swap3A_561 = vector.shape_cast %add3A_556 : vector<16xf32> to vector<1x16xf32>
        tpu.vector_store %arg8[%swap3A_557, %swap3A_558], %swap3A_561 {strides = array<i32>} : memref<128x128xf32, #tpu.memory_space<vmem>>, vector<1x16xf32>,
        %get3A_562 = arith.index_cast %scan3A_531 : i32 to index
        %get3A_563 = arith.constant 48 : index
        %get3A_564 = tpu.vector_load %arg8[%get3A_562, %get3A_563] {strides = array<i32>} : memref<128x128xf32, #tpu.memory_space<vmem>>, vector<1x16xf32>,
        %get3A_565 = vector.shape_cast %get3A_564 : vector<1x16xf32> to vector<16xf32>
        %add3A_566 = arith.addf %get3A_565, %get3A_59 : vector<16xf32>
        %swap3A_567 = arith.index_cast %scan3A_531 : i32 to index
        %swap3A_568 = arith.constant 48 : index
        %swap3A_569 = tpu.vector_load %arg8[%swap3A_567, %swap3A_568] {strides = array<i32>} : memref<128x128xf32, #tpu.memory_space<vmem>>, vector<1x16xf32>,
        %swap3A_570 = vector.shape_cast %swap3A_569 : vector<1x16xf32> to vector<16xf32>
        %swap3A_571 = vector.shape_cast %add3A_566 : vector<16xf32> to vector<1x16xf32>
        tpu.vector_store %arg8[%swap3A_567, %swap3A_568], %swap3A_571 {strides = array<i32>} : memref<128x128xf32, #tpu.memory_space<vmem>>, vector<1x16xf32>,
        %get3A_572 = arith.index_cast %scan3A_531 : i32 to index
        %get3A_573 = arith.constant 64 : index
        %get3A_574 = tpu.vector_load %arg8[%get3A_572, %get3A_573] {strides = array<i32>} : memref<128x128xf32, #tpu.memory_space<vmem>>, vector<1x16xf32>,
        %get3A_575 = vector.shape_cast %get3A_574 : vector<1x16xf32> to vector<16xf32>
        %add3A_576 = arith.addf %get3A_575, %get3A_63 : vector<16xf32>
        %swap3A_577 = arith.index_cast %scan3A_531 : i32 to index
        %swap3A_578 = arith.constant 64 : index
        %swap3A_579 = tpu.vector_load %arg8[%swap3A_577, %swap3A_578] {strides = array<i32>} : memref<128x128xf32, #tpu.memory_space<vmem>>, vector<1x16xf32>,
        %swap3A_580 = vector.shape_cast %swap3A_579 : vector<1x16xf32> to vector<16xf32>
        %swap3A_581 = vector.shape_cast %add3A_576 : vector<16xf32> to vector<1x16xf32>
        tpu.vector_store %arg8[%swap3A_577, %swap3A_578], %swap3A_581 {strides = array<i32>} : memref<128x128xf32, #tpu.memory_space<vmem>>, vector<1x16xf32>,
        %get3A_582 = arith.index_cast %scan3A_531 : i32 to index
        %get3A_583 = arith.constant 80 : index
        %get3A_584 = tpu.vector_load %arg8[%get3A_582, %get3A_583] {strides = array<i32>} : memref<128x128xf32, #tpu.memory_space<vmem>>, vector<1x16xf32>,
        %get3A_585 = vector.shape_cast %get3A_584 : vector<1x16xf32> to vector<16xf32>
        %add3A_586 = arith.addf %get3A_585, %get3A_67 : vector<16xf32>
        %swap3A_587 = arith.index_cast %scan3A_531 : i32 to index
        %swap3A_588 = arith.constant 80 : index
        %swap3A_589 = tpu.vector_load %arg8[%swap3A_587, %swap3A_588] {strides = array<i32>} : memref<128x128xf32, #tpu.memory_space<vmem>>, vector<1x16xf32>,
        %swap3A_590 = vector.shape_cast %swap3A_589 : vector<1x16xf32> to vector<16xf32>
        %swap3A_591 = vector.shape_cast %add3A_586 : vector<16xf32> to vector<1x16xf32>
        tpu.vector_store %arg8[%swap3A_587, %swap3A_588], %swap3A_591 {strides = array<i32>} : memref<128x128xf32, #tpu.memory_space<vmem>>, vector<1x16xf32>,
        %get3A_592 = arith.index_cast %scan3A_531 : i32 to index
        %get3A_593 = arith.constant 96 : index
        %get3A_594 = tpu.vector_load %arg8[%get3A_592, %get3A_593] {strides = array<i32>} : memref<128x128xf32, #tpu.memory_space<vmem>>, vector<1x16xf32>,
        %get3A_595 = vector.shape_cast %get3A_594 : vector<1x16xf32> to vector<16xf32>
        %add3A_596 = arith.addf %get3A_595, %get3A_71 : vector<16xf32>
        %swap3A_597 = arith.index_cast %scan3A_531 : i32 to index
        %swap3A_598 = arith.constant 96 : index
        %swap3A_599 = tpu.vector_load %arg8[%swap3A_597, %swap3A_598] {strides = array<i32>} : memref<128x128xf32, #tpu.memory_space<vmem>>, vector<1x16xf32>,
        %swap3A_600 = vector.shape_cast %swap3A_599 : vector<1x16xf32> to vector<16xf32>
        %swap3A_601 = vector.shape_cast %add3A_596 : vector<16xf32> to vector<1x16xf32>
        tpu.vector_store %arg8[%swap3A_597, %swap3A_598], %swap3A_601 {strides = array<i32>} : memref<128x128xf32, #tpu.memory_space<vmem>>, vector<1x16xf32>,
        %get3A_602 = arith.index_cast %scan3A_531 : i32 to index
        %get3A_603 = arith.constant 112 : index
        %get3A_604 = tpu.vector_load %arg8[%get3A_602, %get3A_603] {strides = array<i32>} : memref<128x128xf32, #tpu.memory_space<vmem>>, vector<1x16xf32>,
        %get3A_605 = vector.shape_cast %get3A_604 : vector<1x16xf32> to vector<16xf32>
        %add3A_606 = arith.addf %get3A_605, %get3A_75 : vector<16xf32>
        %swap3A_607 = arith.index_cast %scan3A_531 : i32 to index
        %swap3A_608 = arith.constant 112 : index
        %swap3A_609 = tpu.vector_load %arg8[%swap3A_607, %swap3A_608] {strides = array<i32>} : memref<128x128xf32, #tpu.memory_space<vmem>>, vector<1x16xf32>,
        %swap3A_610 = vector.shape_cast %swap3A_609 : vector<1x16xf32> to vector<16xf32>
        %swap3A_611 = vector.shape_cast %add3A_606 : vector<16xf32> to vector<1x16xf32>
        tpu.vector_store %arg8[%swap3A_607, %swap3A_608], %swap3A_611 {strides = array<i32>} : memref<128x128xf32, #tpu.memory_space<vmem>>, vector<1x16xf32>,
      }
      %scan3A_81 = arith.constant 128 : i32
      %dma_start3A_82 = arith.constant 0 : i32
      %dma_start3A_83 = tpu.memref_slice %arg5[%mul3A_2, %add3A_38, %dma_start3A_82] : memref<4096x200x128xf32, #tpu.memory_space<hbm>> -> memref<128x1x128xf32, #tpu.memory_space<hbm>>
      %dma_start3A_84 = tpu.memref_squeeze %dma_start3A_83 : memref<128x1x128xf32, #tpu.memory_space<hbm>> -> memref<128x128xf32, #tpu.memory_space<hbm>>
      %dma_start3A_85 = arith.constant 0 : i32
      %dma_start3A_86 = tpu.memref_slice %arg5[%mul3A_2, %add3A_38, %dma_start3A_85] : memref<4096x200x128xf32, #tpu.memory_space<hbm>> -> memref<128x1x128xf32, #tpu.memory_space<hbm>>
      %dma_start3A_87 = tpu.memref_squeeze %dma_start3A_86 : memref<128x1x128xf32, #tpu.memory_space<hbm>> -> memref<128x128xf32, #tpu.memory_space<hbm>>
      tpu.enqueue_dma source(%arg8 : memref<128x128xf32, #tpu.memory_space<vmem>>) target(%dma_start3A_87 : memref<128x128xf32, #tpu.memory_space<hbm>>) target_semaphore(%arg16 : memref<!tpu.dma_semaphore, #tpu.memory_space<semaphore_mem>>)
      %ge3A = arith.constant 2 : i32
      %ge3A_88 = arith.cmpi sge, %add3A_38, %ge3A : i32
      %convert_element_type3A = arith.extui %ge3A_88 : i1 to i32
      %cond3A = arith.constant 0 : i32
      %cond3A_89 = arith.cmpi ne, %convert_element_type3A, %cond3A : i32
      scf.if %cond3A_89 {
        %sub3A = arith.constant 2 : i32
        %sub3A_286 = arith.subi %add3A_38, %sub3A : i32
        %dma_wait3A_287 = arith.constant 0 : i32
        %dma_wait3A_288 = tpu.memref_slice %arg5[%mul3A_2, %sub3A_286, %dma_wait3A_287] : memref<4096x200x128xf32, #tpu.memory_space<hbm>> -> memref<128x1x128xf32, #tpu.memory_space<hbm>>
        %dma_wait3A_289 = tpu.memref_squeeze %dma_wait3A_288 : memref<128x1x128xf32, #tpu.memory_space<hbm>> -> memref<128x128xf32, #tpu.memory_space<hbm>>
        %dma_wait3A_290 = arith.constant 0 : i32
        %dma_wait3A_291 = tpu.memref_slice %arg5[%mul3A_2, %sub3A_286, %dma_wait3A_290] : memref<4096x200x128xf32, #tpu.memory_space<hbm>> -> memref<128x1x128xf32, #tpu.memory_space<hbm>>
        %dma_wait3A_292 = tpu.memref_squeeze %dma_wait3A_291 : memref<128x1x128xf32, #tpu.memory_space<hbm>> -> memref<128x128xf32, #tpu.memory_space<hbm>>
        tpu.wait_dma2 semaphore(%arg18 : memref<!tpu.dma_semaphore, #tpu.memory_space<semaphore_mem>>) src(%arg10 : memref<128x128xf32, #tpu.memory_space<vmem>>) dst(%dma_wait3A_292 : memref<128x128xf32, #tpu.memory_space<hbm>>)
      } else {
      }
      %lt3A = arith.constant 198 : i32
      %lt3A_90 = arith.cmpi slt, %add3A_38, %lt3A : i32
      %convert_element_type3A_91 = arith.extui %lt3A_90 : i1 to i32
      %cond3A_92 = arith.constant 0 : i32
      %cond3A_93 = arith.cmpi ne, %convert_element_type3A_91, %cond3A_92 : i32
      scf.if %cond3A_93 {
        %add3A_286 = arith.constant 2 : i32
        %add3A_287 = arith.addi %add3A_38, %add3A_286 : i32
        %dma_start3A_288 = arith.constant 0 : i32
        %dma_start3A_289 = tpu.memref_slice %arg6[%add3A_287, %dma_start3A_288] : memref<200x128xi32, #tpu.memory_space<vmem>> -> memref<1x128xi32, #tpu.memory_space<vmem>>
        %dma_start3A_290 = tpu.memref_squeeze %dma_start3A_289 : memref<1x128xi32, #tpu.memory_space<vmem>> -> memref<128xi32, #tpu.memory_space<vmem>>
        %dma_start3A_291 = arith.constant 0 : i32
        %dma_start3A_292 = arith.constant 0 : i32
        %dma_start3A_293 = tpu.memref_slice %arg3[%dma_start3A_291, %dma_start3A_292] : memref<100000x128xf32, #tpu.memory_space<hbm>> -> memref<100000x128xf32, #tpu.memory_space<hbm>>
        tpu.enqueue_indirect_dma source(%dma_start3A_293 : memref<100000x128xf32, #tpu.memory_space<hbm>>) target(%arg10 : memref<128x128xf32, #tpu.memory_space<vmem>>) offsets(%dma_start3A_290 : memref<128xi32, #tpu.memory_space<vmem>>) semaphore(%arg14 : memref<!tpu.dma_semaphore, #tpu.memory_space<semaphore_mem>>)
      } else {
      }
      %mul3A_94 = arith.constant 4 : i32
      %mul3A_95 = arith.muli %mul3A_94, %scan3A_34 : i32
      %add3A_96 = arith.constant 1 : i32
      %add3A_97 = arith.addi %mul3A_95, %add3A_96 : i32
      %dma_wait3A_98 = arith.constant 0 : i32
      %dma_wait3A_99 = tpu.memref_slice %arg6[%add3A_97, %dma_wait3A_98] : memref<200x128xi32, #tpu.memory_space<vmem>> -> memref<1x128xi32, #tpu.memory_space<vmem>>
      %dma_wait3A_100 = tpu.memref_squeeze %dma_wait3A_99 : memref<1x128xi32, #tpu.memory_space<vmem>> -> memref<128xi32, #tpu.memory_space<vmem>>
      %dma_wait3A_101 = arith.constant 0 : i32
      %dma_wait3A_102 = arith.constant 0 : i32
      %dma_wait3A_103 = tpu.memref_slice %arg3[%dma_wait3A_101, %dma_wait3A_102] : memref<100000x128xf32, #tpu.memory_space<hbm>> -> memref<100000x128xf32, #tpu.memory_space<hbm>>
      tpu.wait_indirect_dma semaphore(%arg13 : memref<!tpu.dma_semaphore, #tpu.memory_space<semaphore_mem>>) src(%dma_wait3A_103 : memref<100000x128xf32, #tpu.memory_space<hbm>>) dst(%arg9 : memref<128x128xf32, #tpu.memory_space<vmem>>)
      %get3A_104 = arith.index_cast %add3A_97 : i32 to index
      %get3A_105 = arith.constant 0 : index
      %get3A_106 = tpu.vector_load %arg7[%get3A_104, %get3A_105] {strides = array<i32>} : memref<200x128xf32, #tpu.memory_space<vmem>>, vector<1x16xf32>,
      %get3A_107 = vector.shape_cast %get3A_106 : vector<1x16xf32> to vector<16xf32>
      %get3A_108 = arith.index_cast %add3A_97 : i32 to index
      %get3A_109 = arith.constant 16 : index
      %get3A_110 = tpu.vector_load %arg7[%get3A_108, %get3A_109] {strides = array<i32>} : memref<200x128xf32, #tpu.memory_space<vmem>>, vector<1x16xf32>,
      %get3A_111 = vector.shape_cast %get3A_110 : vector<1x16xf32> to vector<16xf32>
      %get3A_112 = arith.index_cast %add3A_97 : i32 to index
      %get3A_113 = arith.constant 32 : index
      %get3A_114 = tpu.vector_load %arg7[%get3A_112, %get3A_113] {strides = array<i32>} : memref<200x128xf32, #tpu.memory_space<vmem>>, vector<1x16xf32>,
      %get3A_115 = vector.shape_cast %get3A_114 : vector<1x16xf32> to vector<16xf32>
      %get3A_116 = arith.index_cast %add3A_97 : i32 to index
      %get3A_117 = arith.constant 48 : index
      %get3A_118 = tpu.vector_load %arg7[%get3A_116, %get3A_117] {strides = array<i32>} : memref<200x128xf32, #tpu.memory_space<vmem>>, vector<1x16xf32>,
      %get3A_119 = vector.shape_cast %get3A_118 : vector<1x16xf32> to vector<16xf32>
      %get3A_120 = arith.index_cast %add3A_97 : i32 to index
      %get3A_121 = arith.constant 64 : index
      %get3A_122 = tpu.vector_load %arg7[%get3A_120, %get3A_121] {strides = array<i32>} : memref<200x128xf32, #tpu.memory_space<vmem>>, vector<1x16xf32>,
      %get3A_123 = vector.shape_cast %get3A_122 : vector<1x16xf32> to vector<16xf32>
      %get3A_124 = arith.index_cast %add3A_97 : i32 to index
      %get3A_125 = arith.constant 80 : index
      %get3A_126 = tpu.vector_load %arg7[%get3A_124, %get3A_125] {strides = array<i32>} : memref<200x128xf32, #tpu.memory_space<vmem>>, vector<1x16xf32>,
      %get3A_127 = vector.shape_cast %get3A_126 : vector<1x16xf32> to vector<16xf32>
      %get3A_128 = arith.index_cast %add3A_97 : i32 to index
      %get3A_129 = arith.constant 96 : index
      %get3A_130 = tpu.vector_load %arg7[%get3A_128, %get3A_129] {strides = array<i32>} : memref<200x128xf32, #tpu.memory_space<vmem>>, vector<1x16xf32>,
      %get3A_131 = vector.shape_cast %get3A_130 : vector<1x16xf32> to vector<16xf32>
      %get3A_132 = arith.index_cast %add3A_97 : i32 to index
      %get3A_133 = arith.constant 112 : index
      %get3A_134 = tpu.vector_load %arg7[%get3A_132, %get3A_133] {strides = array<i32>} : memref<200x128xf32, #tpu.memory_space<vmem>>, vector<1x16xf32>,
      %get3A_135 = vector.shape_cast %get3A_134 : vector<1x16xf32> to vector<16xf32>
      %scan3A_136 = arith.constant 0 : i32
      %scan3A_137 = arith.constant 0 : i32
      %scan3A_138 = arith.constant 128 : i32
      %scan3A_139 = arith.addi %scan3A_137, %scan3A_138 : i32
      %scan3A_140 = arith.constant 4 : i32
      scf.for %scan3A_286 = %scan3A_137 to %scan3A_139 step %scan3A_140  : i32 {
        %get3A_287 = arith.index_cast %scan3A_286 : i32 to index
        %get3A_288 = arith.constant 0 : index
        %get3A_289 = tpu.vector_load %arg9[%get3A_287, %get3A_288] {strides = array<i32>} : memref<128x128xf32, #tpu.memory_space<vmem>>, vector<1x16xf32>,
        %get3A_290 = vector.shape_cast %get3A_289 : vector<1x16xf32> to vector<16xf32>
        %add3A_291 = arith.addf %get3A_290, %get3A_107 : vector<16xf32>
        %swap3A = arith.index_cast %scan3A_286 : i32 to index
        %swap3A_292 = arith.constant 0 : index
        %swap3A_293 = tpu.vector_load %arg9[%swap3A, %swap3A_292] {strides = array<i32>} : memref<128x128xf32, #tpu.memory_space<vmem>>, vector<1x16xf32>,
        %swap3A_294 = vector.shape_cast %swap3A_293 : vector<1x16xf32> to vector<16xf32>
        %swap3A_295 = vector.shape_cast %add3A_291 : vector<16xf32> to vector<1x16xf32>
        tpu.vector_store %arg9[%swap3A, %swap3A_292], %swap3A_295 {strides = array<i32>} : memref<128x128xf32, #tpu.memory_space<vmem>>, vector<1x16xf32>,
        %get3A_296 = arith.index_cast %scan3A_286 : i32 to index
        %get3A_297 = arith.constant 16 : index
        %get3A_298 = tpu.vector_load %arg9[%get3A_296, %get3A_297] {strides = array<i32>} : memref<128x128xf32, #tpu.memory_space<vmem>>, vector<1x16xf32>,
        %get3A_299 = vector.shape_cast %get3A_298 : vector<1x16xf32> to vector<16xf32>
        %add3A_300 = arith.addf %get3A_299, %get3A_111 : vector<16xf32>
        %swap3A_301 = arith.index_cast %scan3A_286 : i32 to index
        %swap3A_302 = arith.constant 16 : index
        %swap3A_303 = tpu.vector_load %arg9[%swap3A_301, %swap3A_302] {strides = array<i32>} : memref<128x128xf32, #tpu.memory_space<vmem>>, vector<1x16xf32>,
        %swap3A_304 = vector.shape_cast %swap3A_303 : vector<1x16xf32> to vector<16xf32>
        %swap3A_305 = vector.shape_cast %add3A_300 : vector<16xf32> to vector<1x16xf32>
        tpu.vector_store %arg9[%swap3A_301, %swap3A_302], %swap3A_305 {strides = array<i32>} : memref<128x128xf32, #tpu.memory_space<vmem>>, vector<1x16xf32>,
        %get3A_306 = arith.index_cast %scan3A_286 : i32 to index
        %get3A_307 = arith.constant 32 : index
        %get3A_308 = tpu.vector_load %arg9[%get3A_306, %get3A_307] {strides = array<i32>} : memref<128x128xf32, #tpu.memory_space<vmem>>, vector<1x16xf32>,
        %get3A_309 = vector.shape_cast %get3A_308 : vector<1x16xf32> to vector<16xf32>
        %add3A_310 = arith.addf %get3A_309, %get3A_115 : vector<16xf32>
        %swap3A_311 = arith.index_cast %scan3A_286 : i32 to index
        %swap3A_312 = arith.constant 32 : index
        %swap3A_313 = tpu.vector_load %arg9[%swap3A_311, %swap3A_312] {strides = array<i32>} : memref<128x128xf32, #tpu.memory_space<vmem>>, vector<1x16xf32>,
        %swap3A_314 = vector.shape_cast %swap3A_313 : vector<1x16xf32> to vector<16xf32>
        %swap3A_315 = vector.shape_cast %add3A_310 : vector<16xf32> to vector<1x16xf32>
        tpu.vector_store %arg9[%swap3A_311, %swap3A_312], %swap3A_315 {strides = array<i32>} : memref<128x128xf32, #tpu.memory_space<vmem>>, vector<1x16xf32>,
        %get3A_316 = arith.index_cast %scan3A_286 : i32 to index
        %get3A_317 = arith.constant 48 : index
        %get3A_318 = tpu.vector_load %arg9[%get3A_316, %get3A_317] {strides = array<i32>} : memref<128x128xf32, #tpu.memory_space<vmem>>, vector<1x16xf32>,
        %get3A_319 = vector.shape_cast %get3A_318 : vector<1x16xf32> to vector<16xf32>
        %add3A_320 = arith.addf %get3A_319, %get3A_119 : vector<16xf32>
        %swap3A_321 = arith.index_cast %scan3A_286 : i32 to index
        %swap3A_322 = arith.constant 48 : index
        %swap3A_323 = tpu.vector_load %arg9[%swap3A_321, %swap3A_322] {strides = array<i32>} : memref<128x128xf32, #tpu.memory_space<vmem>>, vector<1x16xf32>,
        %swap3A_324 = vector.shape_cast %swap3A_323 : vector<1x16xf32> to vector<16xf32>
        %swap3A_325 = vector.shape_cast %add3A_320 : vector<16xf32> to vector<1x16xf32>
        tpu.vector_store %arg9[%swap3A_321, %swap3A_322], %swap3A_325 {strides = array<i32>} : memref<128x128xf32, #tpu.memory_space<vmem>>, vector<1x16xf32>,
        %get3A_326 = arith.index_cast %scan3A_286 : i32 to index
        %get3A_327 = arith.constant 64 : index
        %get3A_328 = tpu.vector_load %arg9[%get3A_326, %get3A_327] {strides = array<i32>} : memref<128x128xf32, #tpu.memory_space<vmem>>, vector<1x16xf32>,
        %get3A_329 = vector.shape_cast %get3A_328 : vector<1x16xf32> to vector<16xf32>
        %add3A_330 = arith.addf %get3A_329, %get3A_123 : vector<16xf32>
        %swap3A_331 = arith.index_cast %scan3A_286 : i32 to index
        %swap3A_332 = arith.constant 64 : index
        %swap3A_333 = tpu.vector_load %arg9[%swap3A_331, %swap3A_332] {strides = array<i32>} : memref<128x128xf32, #tpu.memory_space<vmem>>, vector<1x16xf32>,
        %swap3A_334 = vector.shape_cast %swap3A_333 : vector<1x16xf32> to vector<16xf32>
        %swap3A_335 = vector.shape_cast %add3A_330 : vector<16xf32> to vector<1x16xf32>
        tpu.vector_store %arg9[%swap3A_331, %swap3A_332], %swap3A_335 {strides = array<i32>} : memref<128x128xf32, #tpu.memory_space<vmem>>, vector<1x16xf32>,
        %get3A_336 = arith.index_cast %scan3A_286 : i32 to index
        %get3A_337 = arith.constant 80 : index
        %get3A_338 = tpu.vector_load %arg9[%get3A_336, %get3A_337] {strides = array<i32>} : memref<128x128xf32, #tpu.memory_space<vmem>>, vector<1x16xf32>,
        %get3A_339 = vector.shape_cast %get3A_338 : vector<1x16xf32> to vector<16xf32>
        %add3A_340 = arith.addf %get3A_339, %get3A_127 : vector<16xf32>
        %swap3A_341 = arith.index_cast %scan3A_286 : i32 to index
        %swap3A_342 = arith.constant 80 : index
        %swap3A_343 = tpu.vector_load %arg9[%swap3A_341, %swap3A_342] {strides = array<i32>} : memref<128x128xf32, #tpu.memory_space<vmem>>, vector<1x16xf32>,
        %swap3A_344 = vector.shape_cast %swap3A_343 : vector<1x16xf32> to vector<16xf32>
        %swap3A_345 = vector.shape_cast %add3A_340 : vector<16xf32> to vector<1x16xf32>
        tpu.vector_store %arg9[%swap3A_341, %swap3A_342], %swap3A_345 {strides = array<i32>} : memref<128x128xf32, #tpu.memory_space<vmem>>, vector<1x16xf32>,
        %get3A_346 = arith.index_cast %scan3A_286 : i32 to index
        %get3A_347 = arith.constant 96 : index
        %get3A_348 = tpu.vector_load %arg9[%get3A_346, %get3A_347] {strides = array<i32>} : memref<128x128xf32, #tpu.memory_space<vmem>>, vector<1x16xf32>,
        %get3A_349 = vector.shape_cast %get3A_348 : vector<1x16xf32> to vector<16xf32>
        %add3A_350 = arith.addf %get3A_349, %get3A_131 : vector<16xf32>
        %swap3A_351 = arith.index_cast %scan3A_286 : i32 to index
        %swap3A_352 = arith.constant 96 : index
        %swap3A_353 = tpu.vector_load %arg9[%swap3A_351, %swap3A_352] {strides = array<i32>} : memref<128x128xf32, #tpu.memory_space<vmem>>, vector<1x16xf32>,
        %swap3A_354 = vector.shape_cast %swap3A_353 : vector<1x16xf32> to vector<16xf32>
        %swap3A_355 = vector.shape_cast %add3A_350 : vector<16xf32> to vector<1x16xf32>
        tpu.vector_store %arg9[%swap3A_351, %swap3A_352], %swap3A_355 {strides = array<i32>} : memref<128x128xf32, #tpu.memory_space<vmem>>, vector<1x16xf32>,
        %get3A_356 = arith.index_cast %scan3A_286 : i32 to index
        %get3A_357 = arith.constant 112 : index
        %get3A_358 = tpu.vector_load %arg9[%get3A_356, %get3A_357] {strides = array<i32>} : memref<128x128xf32, #tpu.memory_space<vmem>>, vector<1x16xf32>,
        %get3A_359 = vector.shape_cast %get3A_358 : vector<1x16xf32> to vector<16xf32>
        %add3A_360 = arith.addf %get3A_359, %get3A_135 : vector<16xf32>
        %swap3A_361 = arith.index_cast %scan3A_286 : i32 to index
        %swap3A_362 = arith.constant 112 : index
        %swap3A_363 = tpu.vector_load %arg9[%swap3A_361, %swap3A_362] {strides = array<i32>} : memref<128x128xf32, #tpu.memory_space<vmem>>, vector<1x16xf32>,
        %swap3A_364 = vector.shape_cast %swap3A_363 : vector<1x16xf32> to vector<16xf32>
        %swap3A_365 = vector.shape_cast %add3A_360 : vector<16xf32> to vector<1x16xf32>
        tpu.vector_store %arg9[%swap3A_361, %swap3A_362], %swap3A_365 {strides = array<i32>} : memref<128x128xf32, #tpu.memory_space<vmem>>, vector<1x16xf32>,
        %scan3A_366 = arith.constant 1 : i32
        %scan3A_367 = arith.addi %scan3A_286, %scan3A_366 : i32
        %get3A_368 = arith.index_cast %scan3A_367 : i32 to index
        %get3A_369 = arith.constant 0 : index
        %get3A_370 = tpu.vector_load %arg9[%get3A_368, %get3A_369] {strides = array<i32>} : memref<128x128xf32, #tpu.memory_space<vmem>>, vector<1x16xf32>,
        %get3A_371 = vector.shape_cast %get3A_370 : vector<1x16xf32> to vector<16xf32>
        %add3A_372 = arith.addf %get3A_371, %get3A_107 : vector<16xf32>
        %swap3A_373 = arith.index_cast %scan3A_367 : i32 to index
        %swap3A_374 = arith.constant 0 : index
        %swap3A_375 = tpu.vector_load %arg9[%swap3A_373, %swap3A_374] {strides = array<i32>} : memref<128x128xf32, #tpu.memory_space<vmem>>, vector<1x16xf32>,
        %swap3A_376 = vector.shape_cast %swap3A_375 : vector<1x16xf32> to vector<16xf32>
        %swap3A_377 = vector.shape_cast %add3A_372 : vector<16xf32> to vector<1x16xf32>
        tpu.vector_store %arg9[%swap3A_373, %swap3A_374], %swap3A_377 {strides = array<i32>} : memref<128x128xf32, #tpu.memory_space<vmem>>, vector<1x16xf32>,
        %get3A_378 = arith.index_cast %scan3A_367 : i32 to index
        %get3A_379 = arith.constant 16 : index
        %get3A_380 = tpu.vector_load %arg9[%get3A_378, %get3A_379] {strides = array<i32>} : memref<128x128xf32, #tpu.memory_space<vmem>>, vector<1x16xf32>,
        %get3A_381 = vector.shape_cast %get3A_380 : vector<1x16xf32> to vector<16xf32>
        %add3A_382 = arith.addf %get3A_381, %get3A_111 : vector<16xf32>
        %swap3A_383 = arith.index_cast %scan3A_367 : i32 to index
        %swap3A_384 = arith.constant 16 : index
        %swap3A_385 = tpu.vector_load %arg9[%swap3A_383, %swap3A_384] {strides = array<i32>} : memref<128x128xf32, #tpu.memory_space<vmem>>, vector<1x16xf32>,
        %swap3A_386 = vector.shape_cast %swap3A_385 : vector<1x16xf32> to vector<16xf32>
        %swap3A_387 = vector.shape_cast %add3A_382 : vector<16xf32> to vector<1x16xf32>
        tpu.vector_store %arg9[%swap3A_383, %swap3A_384], %swap3A_387 {strides = array<i32>} : memref<128x128xf32, #tpu.memory_space<vmem>>, vector<1x16xf32>,
        %get3A_388 = arith.index_cast %scan3A_367 : i32 to index
        %get3A_389 = arith.constant 32 : index
        %get3A_390 = tpu.vector_load %arg9[%get3A_388, %get3A_389] {strides = array<i32>} : memref<128x128xf32, #tpu.memory_space<vmem>>, vector<1x16xf32>,
        %get3A_391 = vector.shape_cast %get3A_390 : vector<1x16xf32> to vector<16xf32>
        %add3A_392 = arith.addf %get3A_391, %get3A_115 : vector<16xf32>
        %swap3A_393 = arith.index_cast %scan3A_367 : i32 to index
        %swap3A_394 = arith.constant 32 : index
        %swap3A_395 = tpu.vector_load %arg9[%swap3A_393, %swap3A_394] {strides = array<i32>} : memref<128x128xf32, #tpu.memory_space<vmem>>, vector<1x16xf32>,
        %swap3A_396 = vector.shape_cast %swap3A_395 : vector<1x16xf32> to vector<16xf32>
        %swap3A_397 = vector.shape_cast %add3A_392 : vector<16xf32> to vector<1x16xf32>
        tpu.vector_store %arg9[%swap3A_393, %swap3A_394], %swap3A_397 {strides = array<i32>} : memref<128x128xf32, #tpu.memory_space<vmem>>, vector<1x16xf32>,
        %get3A_398 = arith.index_cast %scan3A_367 : i32 to index
        %get3A_399 = arith.constant 48 : index
        %get3A_400 = tpu.vector_load %arg9[%get3A_398, %get3A_399] {strides = array<i32>} : memref<128x128xf32, #tpu.memory_space<vmem>>, vector<1x16xf32>,
        %get3A_401 = vector.shape_cast %get3A_400 : vector<1x16xf32> to vector<16xf32>
        %add3A_402 = arith.addf %get3A_401, %get3A_119 : vector<16xf32>
        %swap3A_403 = arith.index_cast %scan3A_367 : i32 to index
        %swap3A_404 = arith.constant 48 : index
        %swap3A_405 = tpu.vector_load %arg9[%swap3A_403, %swap3A_404] {strides = array<i32>} : memref<128x128xf32, #tpu.memory_space<vmem>>, vector<1x16xf32>,
        %swap3A_406 = vector.shape_cast %swap3A_405 : vector<1x16xf32> to vector<16xf32>
        %swap3A_407 = vector.shape_cast %add3A_402 : vector<16xf32> to vector<1x16xf32>
        tpu.vector_store %arg9[%swap3A_403, %swap3A_404], %swap3A_407 {strides = array<i32>} : memref<128x128xf32, #tpu.memory_space<vmem>>, vector<1x16xf32>,
        %get3A_408 = arith.index_cast %scan3A_367 : i32 to index
        %get3A_409 = arith.constant 64 : index
        %get3A_410 = tpu.vector_load %arg9[%get3A_408, %get3A_409] {strides = array<i32>} : memref<128x128xf32, #tpu.memory_space<vmem>>, vector<1x16xf32>,
        %get3A_411 = vector.shape_cast %get3A_410 : vector<1x16xf32> to vector<16xf32>
        %add3A_412 = arith.addf %get3A_411, %get3A_123 : vector<16xf32>
        %swap3A_413 = arith.index_cast %scan3A_367 : i32 to index
        %swap3A_414 = arith.constant 64 : index
        %swap3A_415 = tpu.vector_load %arg9[%swap3A_413, %swap3A_414] {strides = array<i32>} : memref<128x128xf32, #tpu.memory_space<vmem>>, vector<1x16xf32>,
        %swap3A_416 = vector.shape_cast %swap3A_415 : vector<1x16xf32> to vector<16xf32>
        %swap3A_417 = vector.shape_cast %add3A_412 : vector<16xf32> to vector<1x16xf32>
        tpu.vector_store %arg9[%swap3A_413, %swap3A_414], %swap3A_417 {strides = array<i32>} : memref<128x128xf32, #tpu.memory_space<vmem>>, vector<1x16xf32>,
        %get3A_418 = arith.index_cast %scan3A_367 : i32 to index
        %get3A_419 = arith.constant 80 : index
        %get3A_420 = tpu.vector_load %arg9[%get3A_418, %get3A_419] {strides = array<i32>} : memref<128x128xf32, #tpu.memory_space<vmem>>, vector<1x16xf32>,
        %get3A_421 = vector.shape_cast %get3A_420 : vector<1x16xf32> to vector<16xf32>
        %add3A_422 = arith.addf %get3A_421, %get3A_127 : vector<16xf32>
        %swap3A_423 = arith.index_cast %scan3A_367 : i32 to index
        %swap3A_424 = arith.constant 80 : index
        %swap3A_425 = tpu.vector_load %arg9[%swap3A_423, %swap3A_424] {strides = array<i32>} : memref<128x128xf32, #tpu.memory_space<vmem>>, vector<1x16xf32>,
        %swap3A_426 = vector.shape_cast %swap3A_425 : vector<1x16xf32> to vector<16xf32>
        %swap3A_427 = vector.shape_cast %add3A_422 : vector<16xf32> to vector<1x16xf32>
        tpu.vector_store %arg9[%swap3A_423, %swap3A_424], %swap3A_427 {strides = array<i32>} : memref<128x128xf32, #tpu.memory_space<vmem>>, vector<1x16xf32>,
        %get3A_428 = arith.index_cast %scan3A_367 : i32 to index
        %get3A_429 = arith.constant 96 : index
        %get3A_430 = tpu.vector_load %arg9[%get3A_428, %get3A_429] {strides = array<i32>} : memref<128x128xf32, #tpu.memory_space<vmem>>, vector<1x16xf32>,
        %get3A_431 = vector.shape_cast %get3A_430 : vector<1x16xf32> to vector<16xf32>
        %add3A_432 = arith.addf %get3A_431, %get3A_131 : vector<16xf32>
        %swap3A_433 = arith.index_cast %scan3A_367 : i32 to index
        %swap3A_434 = arith.constant 96 : index
        %swap3A_435 = tpu.vector_load %arg9[%swap3A_433, %swap3A_434] {strides = array<i32>} : memref<128x128xf32, #tpu.memory_space<vmem>>, vector<1x16xf32>,
        %swap3A_436 = vector.shape_cast %swap3A_435 : vector<1x16xf32> to vector<16xf32>
        %swap3A_437 = vector.shape_cast %add3A_432 : vector<16xf32> to vector<1x16xf32>
        tpu.vector_store %arg9[%swap3A_433, %swap3A_434], %swap3A_437 {strides = array<i32>} : memref<128x128xf32, #tpu.memory_space<vmem>>, vector<1x16xf32>,
        %get3A_438 = arith.index_cast %scan3A_367 : i32 to index
        %get3A_439 = arith.constant 112 : index
        %get3A_440 = tpu.vector_load %arg9[%get3A_438, %get3A_439] {strides = array<i32>} : memref<128x128xf32, #tpu.memory_space<vmem>>, vector<1x16xf32>,
        %get3A_441 = vector.shape_cast %get3A_440 : vector<1x16xf32> to vector<16xf32>
        %add3A_442 = arith.addf %get3A_441, %get3A_135 : vector<16xf32>
        %swap3A_443 = arith.index_cast %scan3A_367 : i32 to index
        %swap3A_444 = arith.constant 112 : index
        %swap3A_445 = tpu.vector_load %arg9[%swap3A_443, %swap3A_444] {strides = array<i32>} : memref<128x128xf32, #tpu.memory_space<vmem>>, vector<1x16xf32>,
        %swap3A_446 = vector.shape_cast %swap3A_445 : vector<1x16xf32> to vector<16xf32>
        %swap3A_447 = vector.shape_cast %add3A_442 : vector<16xf32> to vector<1x16xf32>
        tpu.vector_store %arg9[%swap3A_443, %swap3A_444], %swap3A_447 {strides = array<i32>} : memref<128x128xf32, #tpu.memory_space<vmem>>, vector<1x16xf32>,
        %scan3A_448 = arith.constant 2 : i32
        %scan3A_449 = arith.addi %scan3A_286, %scan3A_448 : i32
        %get3A_450 = arith.index_cast %scan3A_449 : i32 to index
        %get3A_451 = arith.constant 0 : index
        %get3A_452 = tpu.vector_load %arg9[%get3A_450, %get3A_451] {strides = array<i32>} : memref<128x128xf32, #tpu.memory_space<vmem>>, vector<1x16xf32>,
        %get3A_453 = vector.shape_cast %get3A_452 : vector<1x16xf32> to vector<16xf32>
        %add3A_454 = arith.addf %get3A_453, %get3A_107 : vector<16xf32>
        %swap3A_455 = arith.index_cast %scan3A_449 : i32 to index
        %swap3A_456 = arith.constant 0 : index
        %swap3A_457 = tpu.vector_load %arg9[%swap3A_455, %swap3A_456] {strides = array<i32>} : memref<128x128xf32, #tpu.memory_space<vmem>>, vector<1x16xf32>,
        %swap3A_458 = vector.shape_cast %swap3A_457 : vector<1x16xf32> to vector<16xf32>
        %swap3A_459 = vector.shape_cast %add3A_454 : vector<16xf32> to vector<1x16xf32>
        tpu.vector_store %arg9[%swap3A_455, %swap3A_456], %swap3A_459 {strides = array<i32>} : memref<128x128xf32, #tpu.memory_space<vmem>>, vector<1x16xf32>,
        %get3A_460 = arith.index_cast %scan3A_449 : i32 to index
        %get3A_461 = arith.constant 16 : index
        %get3A_462 = tpu.vector_load %arg9[%get3A_460, %get3A_461] {strides = array<i32>} : memref<128x128xf32, #tpu.memory_space<vmem>>, vector<1x16xf32>,
        %get3A_463 = vector.shape_cast %get3A_462 : vector<1x16xf32> to vector<16xf32>
        %add3A_464 = arith.addf %get3A_463, %get3A_111 : vector<16xf32>
        %swap3A_465 = arith.index_cast %scan3A_449 : i32 to index
        %swap3A_466 = arith.constant 16 : index
        %swap3A_467 = tpu.vector_load %arg9[%swap3A_465, %swap3A_466] {strides = array<i32>} : memref<128x128xf32, #tpu.memory_space<vmem>>, vector<1x16xf32>,
        %swap3A_468 = vector.shape_cast %swap3A_467 : vector<1x16xf32> to vector<16xf32>
        %swap3A_469 = vector.shape_cast %add3A_464 : vector<16xf32> to vector<1x16xf32>
        tpu.vector_store %arg9[%swap3A_465, %swap3A_466], %swap3A_469 {strides = array<i32>} : memref<128x128xf32, #tpu.memory_space<vmem>>, vector<1x16xf32>,
        %get3A_470 = arith.index_cast %scan3A_449 : i32 to index
        %get3A_471 = arith.constant 32 : index
        %get3A_472 = tpu.vector_load %arg9[%get3A_470, %get3A_471] {strides = array<i32>} : memref<128x128xf32, #tpu.memory_space<vmem>>, vector<1x16xf32>,
        %get3A_473 = vector.shape_cast %get3A_472 : vector<1x16xf32> to vector<16xf32>
        %add3A_474 = arith.addf %get3A_473, %get3A_115 : vector<16xf32>
        %swap3A_475 = arith.index_cast %scan3A_449 : i32 to index
        %swap3A_476 = arith.constant 32 : index
        %swap3A_477 = tpu.vector_load %arg9[%swap3A_475, %swap3A_476] {strides = array<i32>} : memref<128x128xf32, #tpu.memory_space<vmem>>, vector<1x16xf32>,
        %swap3A_478 = vector.shape_cast %swap3A_477 : vector<1x16xf32> to vector<16xf32>
        %swap3A_479 = vector.shape_cast %add3A_474 : vector<16xf32> to vector<1x16xf32>
        tpu.vector_store %arg9[%swap3A_475, %swap3A_476], %swap3A_479 {strides = array<i32>} : memref<128x128xf32, #tpu.memory_space<vmem>>, vector<1x16xf32>,
        %get3A_480 = arith.index_cast %scan3A_449 : i32 to index
        %get3A_481 = arith.constant 48 : index
        %get3A_482 = tpu.vector_load %arg9[%get3A_480, %get3A_481] {strides = array<i32>} : memref<128x128xf32, #tpu.memory_space<vmem>>, vector<1x16xf32>,
        %get3A_483 = vector.shape_cast %get3A_482 : vector<1x16xf32> to vector<16xf32>
        %add3A_484 = arith.addf %get3A_483, %get3A_119 : vector<16xf32>
        %swap3A_485 = arith.index_cast %scan3A_449 : i32 to index
        %swap3A_486 = arith.constant 48 : index
        %swap3A_487 = tpu.vector_load %arg9[%swap3A_485, %swap3A_486] {strides = array<i32>} : memref<128x128xf32, #tpu.memory_space<vmem>>, vector<1x16xf32>,
        %swap3A_488 = vector.shape_cast %swap3A_487 : vector<1x16xf32> to vector<16xf32>
        %swap3A_489 = vector.shape_cast %add3A_484 : vector<16xf32> to vector<1x16xf32>
        tpu.vector_store %arg9[%swap3A_485, %swap3A_486], %swap3A_489 {strides = array<i32>} : memref<128x128xf32, #tpu.memory_space<vmem>>, vector<1x16xf32>,
        %get3A_490 = arith.index_cast %scan3A_449 : i32 to index
        %get3A_491 = arith.constant 64 : index
        %get3A_492 = tpu.vector_load %arg9[%get3A_490, %get3A_491] {strides = array<i32>} : memref<128x128xf32, #tpu.memory_space<vmem>>, vector<1x16xf32>,
        %get3A_493 = vector.shape_cast %get3A_492 : vector<1x16xf32> to vector<16xf32>
        %add3A_494 = arith.addf %get3A_493, %get3A_123 : vector<16xf32>
        %swap3A_495 = arith.index_cast %scan3A_449 : i32 to index
        %swap3A_496 = arith.constant 64 : index
        %swap3A_497 = tpu.vector_load %arg9[%swap3A_495, %swap3A_496] {strides = array<i32>} : memref<128x128xf32, #tpu.memory_space<vmem>>, vector<1x16xf32>,
        %swap3A_498 = vector.shape_cast %swap3A_497 : vector<1x16xf32> to vector<16xf32>
        %swap3A_499 = vector.shape_cast %add3A_494 : vector<16xf32> to vector<1x16xf32>
        tpu.vector_store %arg9[%swap3A_495, %swap3A_496], %swap3A_499 {strides = array<i32>} : memref<128x128xf32, #tpu.memory_space<vmem>>, vector<1x16xf32>,
        %get3A_500 = arith.index_cast %scan3A_449 : i32 to index
        %get3A_501 = arith.constant 80 : index
        %get3A_502 = tpu.vector_load %arg9[%get3A_500, %get3A_501] {strides = array<i32>} : memref<128x128xf32, #tpu.memory_space<vmem>>, vector<1x16xf32>,
        %get3A_503 = vector.shape_cast %get3A_502 : vector<1x16xf32> to vector<16xf32>
        %add3A_504 = arith.addf %get3A_503, %get3A_127 : vector<16xf32>
        %swap3A_505 = arith.index_cast %scan3A_449 : i32 to index
        %swap3A_506 = arith.constant 80 : index
        %swap3A_507 = tpu.vector_load %arg9[%swap3A_505, %swap3A_506] {strides = array<i32>} : memref<128x128xf32, #tpu.memory_space<vmem>>, vector<1x16xf32>,
        %swap3A_508 = vector.shape_cast %swap3A_507 : vector<1x16xf32> to vector<16xf32>
        %swap3A_509 = vector.shape_cast %add3A_504 : vector<16xf32> to vector<1x16xf32>
        tpu.vector_store %arg9[%swap3A_505, %swap3A_506], %swap3A_509 {strides = array<i32>} : memref<128x128xf32, #tpu.memory_space<vmem>>, vector<1x16xf32>,
        %get3A_510 = arith.index_cast %scan3A_449 : i32 to index
        %get3A_511 = arith.constant 96 : index
        %get3A_512 = tpu.vector_load %arg9[%get3A_510, %get3A_511] {strides = array<i32>} : memref<128x128xf32, #tpu.memory_space<vmem>>, vector<1x16xf32>,
        %get3A_513 = vector.shape_cast %get3A_512 : vector<1x16xf32> to vector<16xf32>
        %add3A_514 = arith.addf %get3A_513, %get3A_131 : vector<16xf32>
        %swap3A_515 = arith.index_cast %scan3A_449 : i32 to index
        %swap3A_516 = arith.constant 96 : index
        %swap3A_517 = tpu.vector_load %arg9[%swap3A_515, %swap3A_516] {strides = array<i32>} : memref<128x128xf32, #tpu.memory_space<vmem>>, vector<1x16xf32>,
        %swap3A_518 = vector.shape_cast %swap3A_517 : vector<1x16xf32> to vector<16xf32>
        %swap3A_519 = vector.shape_cast %add3A_514 : vector<16xf32> to vector<1x16xf32>
        tpu.vector_store %arg9[%swap3A_515, %swap3A_516], %swap3A_519 {strides = array<i32>} : memref<128x128xf32, #tpu.memory_space<vmem>>, vector<1x16xf32>,
        %get3A_520 = arith.index_cast %scan3A_449 : i32 to index
        %get3A_521 = arith.constant 112 : index
        %get3A_522 = tpu.vector_load %arg9[%get3A_520, %get3A_521] {strides = array<i32>} : memref<128x128xf32, #tpu.memory_space<vmem>>, vector<1x16xf32>,
        %get3A_523 = vector.shape_cast %get3A_522 : vector<1x16xf32> to vector<16xf32>
        %add3A_524 = arith.addf %get3A_523, %get3A_135 : vector<16xf32>
        %swap3A_525 = arith.index_cast %scan3A_449 : i32 to index
        %swap3A_526 = arith.constant 112 : index
        %swap3A_527 = tpu.vector_load %arg9[%swap3A_525, %swap3A_526] {strides = array<i32>} : memref<128x128xf32, #tpu.memory_space<vmem>>, vector<1x16xf32>,
        %swap3A_528 = vector.shape_cast %swap3A_527 : vector<1x16xf32> to vector<16xf32>
        %swap3A_529 = vector.shape_cast %add3A_524 : vector<16xf32> to vector<1x16xf32>
        tpu.vector_store %arg9[%swap3A_525, %swap3A_526], %swap3A_529 {strides = array<i32>} : memref<128x128xf32, #tpu.memory_space<vmem>>, vector<1x16xf32>,
        %scan3A_530 = arith.constant 3 : i32
        %scan3A_531 = arith.addi %scan3A_286, %scan3A_530 : i32
        %get3A_532 = arith.index_cast %scan3A_531 : i32 to index
        %get3A_533 = arith.constant 0 : index
        %get3A_534 = tpu.vector_load %arg9[%get3A_532, %get3A_533] {strides = array<i32>} : memref<128x128xf32, #tpu.memory_space<vmem>>, vector<1x16xf32>,
        %get3A_535 = vector.shape_cast %get3A_534 : vector<1x16xf32> to vector<16xf32>
        %add3A_536 = arith.addf %get3A_535, %get3A_107 : vector<16xf32>
        %swap3A_537 = arith.index_cast %scan3A_531 : i32 to index
        %swap3A_538 = arith.constant 0 : index
        %swap3A_539 = tpu.vector_load %arg9[%swap3A_537, %swap3A_538] {strides = array<i32>} : memref<128x128xf32, #tpu.memory_space<vmem>>, vector<1x16xf32>,
        %swap3A_540 = vector.shape_cast %swap3A_539 : vector<1x16xf32> to vector<16xf32>
        %swap3A_541 = vector.shape_cast %add3A_536 : vector<16xf32> to vector<1x16xf32>
        tpu.vector_store %arg9[%swap3A_537, %swap3A_538], %swap3A_541 {strides = array<i32>} : memref<128x128xf32, #tpu.memory_space<vmem>>, vector<1x16xf32>,
        %get3A_542 = arith.index_cast %scan3A_531 : i32 to index
        %get3A_543 = arith.constant 16 : index
        %get3A_544 = tpu.vector_load %arg9[%get3A_542, %get3A_543] {strides = array<i32>} : memref<128x128xf32, #tpu.memory_space<vmem>>, vector<1x16xf32>,
        %get3A_545 = vector.shape_cast %get3A_544 : vector<1x16xf32> to vector<16xf32>
        %add3A_546 = arith.addf %get3A_545, %get3A_111 : vector<16xf32>
        %swap3A_547 = arith.index_cast %scan3A_531 : i32 to index
        %swap3A_548 = arith.constant 16 : index
        %swap3A_549 = tpu.vector_load %arg9[%swap3A_547, %swap3A_548] {strides = array<i32>} : memref<128x128xf32, #tpu.memory_space<vmem>>, vector<1x16xf32>,
        %swap3A_550 = vector.shape_cast %swap3A_549 : vector<1x16xf32> to vector<16xf32>
        %swap3A_551 = vector.shape_cast %add3A_546 : vector<16xf32> to vector<1x16xf32>
        tpu.vector_store %arg9[%swap3A_547, %swap3A_548], %swap3A_551 {strides = array<i32>} : memref<128x128xf32, #tpu.memory_space<vmem>>, vector<1x16xf32>,
        %get3A_552 = arith.index_cast %scan3A_531 : i32 to index
        %get3A_553 = arith.constant 32 : index
        %get3A_554 = tpu.vector_load %arg9[%get3A_552, %get3A_553] {strides = array<i32>} : memref<128x128xf32, #tpu.memory_space<vmem>>, vector<1x16xf32>,
        %get3A_555 = vector.shape_cast %get3A_554 : vector<1x16xf32> to vector<16xf32>
        %add3A_556 = arith.addf %get3A_555, %get3A_115 : vector<16xf32>
        %swap3A_557 = arith.index_cast %scan3A_531 : i32 to index
        %swap3A_558 = arith.constant 32 : index
        %swap3A_559 = tpu.vector_load %arg9[%swap3A_557, %swap3A_558] {strides = array<i32>} : memref<128x128xf32, #tpu.memory_space<vmem>>, vector<1x16xf32>,
        %swap3A_560 = vector.shape_cast %swap3A_559 : vector<1x16xf32> to vector<16xf32>
        %swap3A_561 = vector.shape_cast %add3A_556 : vector<16xf32> to vector<1x16xf32>
        tpu.vector_store %arg9[%swap3A_557, %swap3A_558], %swap3A_561 {strides = array<i32>} : memref<128x128xf32, #tpu.memory_space<vmem>>, vector<1x16xf32>,
        %get3A_562 = arith.index_cast %scan3A_531 : i32 to index
        %get3A_563 = arith.constant 48 : index
        %get3A_564 = tpu.vector_load %arg9[%get3A_562, %get3A_563] {strides = array<i32>} : memref<128x128xf32, #tpu.memory_space<vmem>>, vector<1x16xf32>,
        %get3A_565 = vector.shape_cast %get3A_564 : vector<1x16xf32> to vector<16xf32>
        %add3A_566 = arith.addf %get3A_565, %get3A_119 : vector<16xf32>
        %swap3A_567 = arith.index_cast %scan3A_531 : i32 to index
        %swap3A_568 = arith.constant 48 : index
        %swap3A_569 = tpu.vector_load %arg9[%swap3A_567, %swap3A_568] {strides = array<i32>} : memref<128x128xf32, #tpu.memory_space<vmem>>, vector<1x16xf32>,
        %swap3A_570 = vector.shape_cast %swap3A_569 : vector<1x16xf32> to vector<16xf32>
        %swap3A_571 = vector.shape_cast %add3A_566 : vector<16xf32> to vector<1x16xf32>
        tpu.vector_store %arg9[%swap3A_567, %swap3A_568], %swap3A_571 {strides = array<i32>} : memref<128x128xf32, #tpu.memory_space<vmem>>, vector<1x16xf32>,
        %get3A_572 = arith.index_cast %scan3A_531 : i32 to index
        %get3A_573 = arith.constant 64 : index
        %get3A_574 = tpu.vector_load %arg9[%get3A_572, %get3A_573] {strides = array<i32>} : memref<128x128xf32, #tpu.memory_space<vmem>>, vector<1x16xf32>,
        %get3A_575 = vector.shape_cast %get3A_574 : vector<1x16xf32> to vector<16xf32>
        %add3A_576 = arith.addf %get3A_575, %get3A_123 : vector<16xf32>
        %swap3A_577 = arith.index_cast %scan3A_531 : i32 to index
        %swap3A_578 = arith.constant 64 : index
        %swap3A_579 = tpu.vector_load %arg9[%swap3A_577, %swap3A_578] {strides = array<i32>} : memref<128x128xf32, #tpu.memory_space<vmem>>, vector<1x16xf32>,
        %swap3A_580 = vector.shape_cast %swap3A_579 : vector<1x16xf32> to vector<16xf32>
        %swap3A_581 = vector.shape_cast %add3A_576 : vector<16xf32> to vector<1x16xf32>
        tpu.vector_store %arg9[%swap3A_577, %swap3A_578], %swap3A_581 {strides = array<i32>} : memref<128x128xf32, #tpu.memory_space<vmem>>, vector<1x16xf32>,
        %get3A_582 = arith.index_cast %scan3A_531 : i32 to index
        %get3A_583 = arith.constant 80 : index
        %get3A_584 = tpu.vector_load %arg9[%get3A_582, %get3A_583] {strides = array<i32>} : memref<128x128xf32, #tpu.memory_space<vmem>>, vector<1x16xf32>,
        %get3A_585 = vector.shape_cast %get3A_584 : vector<1x16xf32> to vector<16xf32>
        %add3A_586 = arith.addf %get3A_585, %get3A_127 : vector<16xf32>
        %swap3A_587 = arith.index_cast %scan3A_531 : i32 to index
        %swap3A_588 = arith.constant 80 : index
        %swap3A_589 = tpu.vector_load %arg9[%swap3A_587, %swap3A_588] {strides = array<i32>} : memref<128x128xf32, #tpu.memory_space<vmem>>, vector<1x16xf32>,
        %swap3A_590 = vector.shape_cast %swap3A_589 : vector<1x16xf32> to vector<16xf32>
        %swap3A_591 = vector.shape_cast %add3A_586 : vector<16xf32> to vector<1x16xf32>
        tpu.vector_store %arg9[%swap3A_587, %swap3A_588], %swap3A_591 {strides = array<i32>} : memref<128x128xf32, #tpu.memory_space<vmem>>, vector<1x16xf32>,
        %get3A_592 = arith.index_cast %scan3A_531 : i32 to index
        %get3A_593 = arith.constant 96 : index
        %get3A_594 = tpu.vector_load %arg9[%get3A_592, %get3A_593] {strides = array<i32>} : memref<128x128xf32, #tpu.memory_space<vmem>>, vector<1x16xf32>,
        %get3A_595 = vector.shape_cast %get3A_594 : vector<1x16xf32> to vector<16xf32>
        %add3A_596 = arith.addf %get3A_595, %get3A_131 : vector<16xf32>
        %swap3A_597 = arith.index_cast %scan3A_531 : i32 to index
        %swap3A_598 = arith.constant 96 : index
        %swap3A_599 = tpu.vector_load %arg9[%swap3A_597, %swap3A_598] {strides = array<i32>} : memref<128x128xf32, #tpu.memory_space<vmem>>, vector<1x16xf32>,
        %swap3A_600 = vector.shape_cast %swap3A_599 : vector<1x16xf32> to vector<16xf32>
        %swap3A_601 = vector.shape_cast %add3A_596 : vector<16xf32> to vector<1x16xf32>
        tpu.vector_store %arg9[%swap3A_597, %swap3A_598], %swap3A_601 {strides = array<i32>} : memref<128x128xf32, #tpu.memory_space<vmem>>, vector<1x16xf32>,
        %get3A_602 = arith.index_cast %scan3A_531 : i32 to index
        %get3A_603 = arith.constant 112 : index
        %get3A_604 = tpu.vector_load %arg9[%get3A_602, %get3A_603] {strides = array<i32>} : memref<128x128xf32, #tpu.memory_space<vmem>>, vector<1x16xf32>,
        %get3A_605 = vector.shape_cast %get3A_604 : vector<1x16xf32> to vector<16xf32>
        %add3A_606 = arith.addf %get3A_605, %get3A_135 : vector<16xf32>
        %swap3A_607 = arith.index_cast %scan3A_531 : i32 to index
        %swap3A_608 = arith.constant 112 : index
        %swap3A_609 = tpu.vector_load %arg9[%swap3A_607, %swap3A_608] {strides = array<i32>} : memref<128x128xf32, #tpu.memory_space<vmem>>, vector<1x16xf32>,
        %swap3A_610 = vector.shape_cast %swap3A_609 : vector<1x16xf32> to vector<16xf32>
        %swap3A_611 = vector.shape_cast %add3A_606 : vector<16xf32> to vector<1x16xf32>
        tpu.vector_store %arg9[%swap3A_607, %swap3A_608], %swap3A_611 {strides = array<i32>} : memref<128x128xf32, #tpu.memory_space<vmem>>, vector<1x16xf32>,
      }
      %scan3A_141 = arith.constant 128 : i32
      %dma_start3A_142 = arith.constant 0 : i32
      %dma_start3A_143 = tpu.memref_slice %arg5[%mul3A_2, %add3A_97, %dma_start3A_142] : memref<4096x200x128xf32, #tpu.memory_space<hbm>> -> memref<128x1x128xf32, #tpu.memory_space<hbm>>
      %dma_start3A_144 = tpu.memref_squeeze %dma_start3A_143 : memref<128x1x128xf32, #tpu.memory_space<hbm>> -> memref<128x128xf32, #tpu.memory_space<hbm>>
      %dma_start3A_145 = arith.constant 0 : i32
      %dma_start3A_146 = tpu.memref_slice %arg5[%mul3A_2, %add3A_97, %dma_start3A_145] : memref<4096x200x128xf32, #tpu.memory_space<hbm>> -> memref<128x1x128xf32, #tpu.memory_space<hbm>>
      %dma_start3A_147 = tpu.memref_squeeze %dma_start3A_146 : memref<128x1x128xf32, #tpu.memory_space<hbm>> -> memref<128x128xf32, #tpu.memory_space<hbm>>
      tpu.enqueue_dma source(%arg9 : memref<128x128xf32, #tpu.memory_space<vmem>>) target(%dma_start3A_147 : memref<128x128xf32, #tpu.memory_space<hbm>>) target_semaphore(%arg17 : memref<!tpu.dma_semaphore, #tpu.memory_space<semaphore_mem>>)
      %ge3A_148 = arith.constant 2 : i32
      %ge3A_149 = arith.cmpi sge, %add3A_97, %ge3A_148 : i32
      %convert_element_type3A_150 = arith.extui %ge3A_149 : i1 to i32
      %cond3A_151 = arith.constant 0 : i32
      %cond3A_152 = arith.cmpi ne, %convert_element_type3A_150, %cond3A_151 : i32
      scf.if %cond3A_152 {
        %sub3A = arith.constant 2 : i32
        %sub3A_286 = arith.subi %add3A_97, %sub3A : i32
        %dma_wait3A_287 = arith.constant 0 : i32
        %dma_wait3A_288 = tpu.memref_slice %arg5[%mul3A_2, %sub3A_286, %dma_wait3A_287] : memref<4096x200x128xf32, #tpu.memory_space<hbm>> -> memref<128x1x128xf32, #tpu.memory_space<hbm>>
        %dma_wait3A_289 = tpu.memref_squeeze %dma_wait3A_288 : memref<128x1x128xf32, #tpu.memory_space<hbm>> -> memref<128x128xf32, #tpu.memory_space<hbm>>
        %dma_wait3A_290 = arith.constant 0 : i32
        %dma_wait3A_291 = tpu.memref_slice %arg5[%mul3A_2, %sub3A_286, %dma_wait3A_290] : memref<4096x200x128xf32, #tpu.memory_space<hbm>> -> memref<128x1x128xf32, #tpu.memory_space<hbm>>
        %dma_wait3A_292 = tpu.memref_squeeze %dma_wait3A_291 : memref<128x1x128xf32, #tpu.memory_space<hbm>> -> memref<128x128xf32, #tpu.memory_space<hbm>>
        tpu.wait_dma2 semaphore(%arg19 : memref<!tpu.dma_semaphore, #tpu.memory_space<semaphore_mem>>) src(%arg11 : memref<128x128xf32, #tpu.memory_space<vmem>>) dst(%dma_wait3A_292 : memref<128x128xf32, #tpu.memory_space<hbm>>)
      } else {
      }
      %lt3A_153 = arith.constant 198 : i32
      %lt3A_154 = arith.cmpi slt, %add3A_97, %lt3A_153 : i32
      %convert_element_type3A_155 = arith.extui %lt3A_154 : i1 to i32
      %cond3A_156 = arith.constant 0 : i32
      %cond3A_157 = arith.cmpi ne, %convert_element_type3A_155, %cond3A_156 : i32
      scf.if %cond3A_157 {
        %add3A_286 = arith.constant 2 : i32
        %add3A_287 = arith.addi %add3A_97, %add3A_286 : i32
        %dma_start3A_288 = arith.constant 0 : i32
        %dma_start3A_289 = tpu.memref_slice %arg6[%add3A_287, %dma_start3A_288] : memref<200x128xi32, #tpu.memory_space<vmem>> -> memref<1x128xi32, #tpu.memory_space<vmem>>
        %dma_start3A_290 = tpu.memref_squeeze %dma_start3A_289 : memref<1x128xi32, #tpu.memory_space<vmem>> -> memref<128xi32, #tpu.memory_space<vmem>>
        %dma_start3A_291 = arith.constant 0 : i32
        %dma_start3A_292 = arith.constant 0 : i32
        %dma_start3A_293 = tpu.memref_slice %arg3[%dma_start3A_291, %dma_start3A_292] : memref<100000x128xf32, #tpu.memory_space<hbm>> -> memref<100000x128xf32, #tpu.memory_space<hbm>>
        tpu.enqueue_indirect_dma source(%dma_start3A_293 : memref<100000x128xf32, #tpu.memory_space<hbm>>) target(%arg11 : memref<128x128xf32, #tpu.memory_space<vmem>>) offsets(%dma_start3A_290 : memref<128xi32, #tpu.memory_space<vmem>>) semaphore(%arg15 : memref<!tpu.dma_semaphore, #tpu.memory_space<semaphore_mem>>)
      } else {
      }
      %mul3A_158 = arith.constant 4 : i32
      %mul3A_159 = arith.muli %mul3A_158, %scan3A_34 : i32
      %add3A_160 = arith.constant 2 : i32
      %add3A_161 = arith.addi %mul3A_159, %add3A_160 : i32
      %dma_wait3A_162 = arith.constant 0 : i32
      %dma_wait3A_163 = tpu.memref_slice %arg6[%add3A_161, %dma_wait3A_162] : memref<200x128xi32, #tpu.memory_space<vmem>> -> memref<1x128xi32, #tpu.memory_space<vmem>>
      %dma_wait3A_164 = tpu.memref_squeeze %dma_wait3A_163 : memref<1x128xi32, #tpu.memory_space<vmem>> -> memref<128xi32, #tpu.memory_space<vmem>>
      %dma_wait3A_165 = arith.constant 0 : i32
      %dma_wait3A_166 = arith.constant 0 : i32
      %dma_wait3A_167 = tpu.memref_slice %arg3[%dma_wait3A_165, %dma_wait3A_166] : memref<100000x128xf32, #tpu.memory_space<hbm>> -> memref<100000x128xf32, #tpu.memory_space<hbm>>
      tpu.wait_indirect_dma semaphore(%arg14 : memref<!tpu.dma_semaphore, #tpu.memory_space<semaphore_mem>>) src(%dma_wait3A_167 : memref<100000x128xf32, #tpu.memory_space<hbm>>) dst(%arg10 : memref<128x128xf32, #tpu.memory_space<vmem>>)
      %get3A_168 = arith.index_cast %add3A_161 : i32 to index
      %get3A_169 = arith.constant 0 : index
      %get3A_170 = tpu.vector_load %arg7[%get3A_168, %get3A_169] {strides = array<i32>} : memref<200x128xf32, #tpu.memory_space<vmem>>, vector<1x16xf32>,
      %get3A_171 = vector.shape_cast %get3A_170 : vector<1x16xf32> to vector<16xf32>
      %get3A_172 = arith.index_cast %add3A_161 : i32 to index
      %get3A_173 = arith.constant 16 : index
      %get3A_174 = tpu.vector_load %arg7[%get3A_172, %get3A_173] {strides = array<i32>} : memref<200x128xf32, #tpu.memory_space<vmem>>, vector<1x16xf32>,
      %get3A_175 = vector.shape_cast %get3A_174 : vector<1x16xf32> to vector<16xf32>
      %get3A_176 = arith.index_cast %add3A_161 : i32 to index
      %get3A_177 = arith.constant 32 : index
      %get3A_178 = tpu.vector_load %arg7[%get3A_176, %get3A_177] {strides = array<i32>} : memref<200x128xf32, #tpu.memory_space<vmem>>, vector<1x16xf32>,
      %get3A_179 = vector.shape_cast %get3A_178 : vector<1x16xf32> to vector<16xf32>
      %get3A_180 = arith.index_cast %add3A_161 : i32 to index
      %get3A_181 = arith.constant 48 : index
      %get3A_182 = tpu.vector_load %arg7[%get3A_180, %get3A_181] {strides = array<i32>} : memref<200x128xf32, #tpu.memory_space<vmem>>, vector<1x16xf32>,
      %get3A_183 = vector.shape_cast %get3A_182 : vector<1x16xf32> to vector<16xf32>
      %get3A_184 = arith.index_cast %add3A_161 : i32 to index
      %get3A_185 = arith.constant 64 : index
      %get3A_186 = tpu.vector_load %arg7[%get3A_184, %get3A_185] {strides = array<i32>} : memref<200x128xf32, #tpu.memory_space<vmem>>, vector<1x16xf32>,
      %get3A_187 = vector.shape_cast %get3A_186 : vector<1x16xf32> to vector<16xf32>
      %get3A_188 = arith.index_cast %add3A_161 : i32 to index
      %get3A_189 = arith.constant 80 : index
      %get3A_190 = tpu.vector_load %arg7[%get3A_188, %get3A_189] {strides = array<i32>} : memref<200x128xf32, #tpu.memory_space<vmem>>, vector<1x16xf32>,
      %get3A_191 = vector.shape_cast %get3A_190 : vector<1x16xf32> to vector<16xf32>
      %get3A_192 = arith.index_cast %add3A_161 : i32 to index
      %get3A_193 = arith.constant 96 : index
      %get3A_194 = tpu.vector_load %arg7[%get3A_192, %get3A_193] {strides = array<i32>} : memref<200x128xf32, #tpu.memory_space<vmem>>, vector<1x16xf32>,
      %get3A_195 = vector.shape_cast %get3A_194 : vector<1x16xf32> to vector<16xf32>
      %get3A_196 = arith.index_cast %add3A_161 : i32 to index
      %get3A_197 = arith.constant 112 : index
      %get3A_198 = tpu.vector_load %arg7[%get3A_196, %get3A_197] {strides = array<i32>} : memref<200x128xf32, #tpu.memory_space<vmem>>, vector<1x16xf32>,
      %get3A_199 = vector.shape_cast %get3A_198 : vector<1x16xf32> to vector<16xf32>
      %scan3A_200 = arith.constant 0 : i32
      %scan3A_201 = arith.constant 0 : i32
      %scan3A_202 = arith.constant 128 : i32
      %scan3A_203 = arith.addi %scan3A_201, %scan3A_202 : i32
      %scan3A_204 = arith.constant 4 : i32
      scf.for %scan3A_286 = %scan3A_201 to %scan3A_203 step %scan3A_204  : i32 {
        %get3A_287 = arith.index_cast %scan3A_286 : i32 to index
        %get3A_288 = arith.constant 0 : index
        %get3A_289 = tpu.vector_load %arg10[%get3A_287, %get3A_288] {strides = array<i32>} : memref<128x128xf32, #tpu.memory_space<vmem>>, vector<1x16xf32>,
        %get3A_290 = vector.shape_cast %get3A_289 : vector<1x16xf32> to vector<16xf32>
        %add3A_291 = arith.addf %get3A_290, %get3A_171 : vector<16xf32>
        %swap3A = arith.index_cast %scan3A_286 : i32 to index
        %swap3A_292 = arith.constant 0 : index
        %swap3A_293 = tpu.vector_load %arg10[%swap3A, %swap3A_292] {strides = array<i32>} : memref<128x128xf32, #tpu.memory_space<vmem>>, vector<1x16xf32>,
        %swap3A_294 = vector.shape_cast %swap3A_293 : vector<1x16xf32> to vector<16xf32>
        %swap3A_295 = vector.shape_cast %add3A_291 : vector<16xf32> to vector<1x16xf32>
        tpu.vector_store %arg10[%swap3A, %swap3A_292], %swap3A_295 {strides = array<i32>} : memref<128x128xf32, #tpu.memory_space<vmem>>, vector<1x16xf32>,
        %get3A_296 = arith.index_cast %scan3A_286 : i32 to index
        %get3A_297 = arith.constant 16 : index
        %get3A_298 = tpu.vector_load %arg10[%get3A_296, %get3A_297] {strides = array<i32>} : memref<128x128xf32, #tpu.memory_space<vmem>>, vector<1x16xf32>,
        %get3A_299 = vector.shape_cast %get3A_298 : vector<1x16xf32> to vector<16xf32>
        %add3A_300 = arith.addf %get3A_299, %get3A_175 : vector<16xf32>
        %swap3A_301 = arith.index_cast %scan3A_286 : i32 to index
        %swap3A_302 = arith.constant 16 : index
        %swap3A_303 = tpu.vector_load %arg10[%swap3A_301, %swap3A_302] {strides = array<i32>} : memref<128x128xf32, #tpu.memory_space<vmem>>, vector<1x16xf32>,
        %swap3A_304 = vector.shape_cast %swap3A_303 : vector<1x16xf32> to vector<16xf32>
        %swap3A_305 = vector.shape_cast %add3A_300 : vector<16xf32> to vector<1x16xf32>
        tpu.vector_store %arg10[%swap3A_301, %swap3A_302], %swap3A_305 {strides = array<i32>} : memref<128x128xf32, #tpu.memory_space<vmem>>, vector<1x16xf32>,
        %get3A_306 = arith.index_cast %scan3A_286 : i32 to index
        %get3A_307 = arith.constant 32 : index
        %get3A_308 = tpu.vector_load %arg10[%get3A_306, %get3A_307] {strides = array<i32>} : memref<128x128xf32, #tpu.memory_space<vmem>>, vector<1x16xf32>,
        %get3A_309 = vector.shape_cast %get3A_308 : vector<1x16xf32> to vector<16xf32>
        %add3A_310 = arith.addf %get3A_309, %get3A_179 : vector<16xf32>
        %swap3A_311 = arith.index_cast %scan3A_286 : i32 to index
        %swap3A_312 = arith.constant 32 : index
        %swap3A_313 = tpu.vector_load %arg10[%swap3A_311, %swap3A_312] {strides = array<i32>} : memref<128x128xf32, #tpu.memory_space<vmem>>, vector<1x16xf32>,
        %swap3A_314 = vector.shape_cast %swap3A_313 : vector<1x16xf32> to vector<16xf32>
        %swap3A_315 = vector.shape_cast %add3A_310 : vector<16xf32> to vector<1x16xf32>
        tpu.vector_store %arg10[%swap3A_311, %swap3A_312], %swap3A_315 {strides = array<i32>} : memref<128x128xf32, #tpu.memory_space<vmem>>, vector<1x16xf32>,
        %get3A_316 = arith.index_cast %scan3A_286 : i32 to index
        %get3A_317 = arith.constant 48 : index
        %get3A_318 = tpu.vector_load %arg10[%get3A_316, %get3A_317] {strides = array<i32>} : memref<128x128xf32, #tpu.memory_space<vmem>>, vector<1x16xf32>,
        %get3A_319 = vector.shape_cast %get3A_318 : vector<1x16xf32> to vector<16xf32>
        %add3A_320 = arith.addf %get3A_319, %get3A_183 : vector<16xf32>
        %swap3A_321 = arith.index_cast %scan3A_286 : i32 to index
        %swap3A_322 = arith.constant 48 : index
        %swap3A_323 = tpu.vector_load %arg10[%swap3A_321, %swap3A_322] {strides = array<i32>} : memref<128x128xf32, #tpu.memory_space<vmem>>, vector<1x16xf32>,
        %swap3A_324 = vector.shape_cast %swap3A_323 : vector<1x16xf32> to vector<16xf32>
        %swap3A_325 = vector.shape_cast %add3A_320 : vector<16xf32> to vector<1x16xf32>
        tpu.vector_store %arg10[%swap3A_321, %swap3A_322], %swap3A_325 {strides = array<i32>} : memref<128x128xf32, #tpu.memory_space<vmem>>, vector<1x16xf32>,
        %get3A_326 = arith.index_cast %scan3A_286 : i32 to index
        %get3A_327 = arith.constant 64 : index
        %get3A_328 = tpu.vector_load %arg10[%get3A_326, %get3A_327] {strides = array<i32>} : memref<128x128xf32, #tpu.memory_space<vmem>>, vector<1x16xf32>,
        %get3A_329 = vector.shape_cast %get3A_328 : vector<1x16xf32> to vector<16xf32>
        %add3A_330 = arith.addf %get3A_329, %get3A_187 : vector<16xf32>
        %swap3A_331 = arith.index_cast %scan3A_286 : i32 to index
        %swap3A_332 = arith.constant 64 : index
        %swap3A_333 = tpu.vector_load %arg10[%swap3A_331, %swap3A_332] {strides = array<i32>} : memref<128x128xf32, #tpu.memory_space<vmem>>, vector<1x16xf32>,
        %swap3A_334 = vector.shape_cast %swap3A_333 : vector<1x16xf32> to vector<16xf32>
        %swap3A_335 = vector.shape_cast %add3A_330 : vector<16xf32> to vector<1x16xf32>
        tpu.vector_store %arg10[%swap3A_331, %swap3A_332], %swap3A_335 {strides = array<i32>} : memref<128x128xf32, #tpu.memory_space<vmem>>, vector<1x16xf32>,
        %get3A_336 = arith.index_cast %scan3A_286 : i32 to index
        %get3A_337 = arith.constant 80 : index
        %get3A_338 = tpu.vector_load %arg10[%get3A_336, %get3A_337] {strides = array<i32>} : memref<128x128xf32, #tpu.memory_space<vmem>>, vector<1x16xf32>,
        %get3A_339 = vector.shape_cast %get3A_338 : vector<1x16xf32> to vector<16xf32>
        %add3A_340 = arith.addf %get3A_339, %get3A_191 : vector<16xf32>
        %swap3A_341 = arith.index_cast %scan3A_286 : i32 to index
        %swap3A_342 = arith.constant 80 : index
        %swap3A_343 = tpu.vector_load %arg10[%swap3A_341, %swap3A_342] {strides = array<i32>} : memref<128x128xf32, #tpu.memory_space<vmem>>, vector<1x16xf32>,
        %swap3A_344 = vector.shape_cast %swap3A_343 : vector<1x16xf32> to vector<16xf32>
        %swap3A_345 = vector.shape_cast %add3A_340 : vector<16xf32> to vector<1x16xf32>
        tpu.vector_store %arg10[%swap3A_341, %swap3A_342], %swap3A_345 {strides = array<i32>} : memref<128x128xf32, #tpu.memory_space<vmem>>, vector<1x16xf32>,
        %get3A_346 = arith.index_cast %scan3A_286 : i32 to index
        %get3A_347 = arith.constant 96 : index
        %get3A_348 = tpu.vector_load %arg10[%get3A_346, %get3A_347] {strides = array<i32>} : memref<128x128xf32, #tpu.memory_space<vmem>>, vector<1x16xf32>,
        %get3A_349 = vector.shape_cast %get3A_348 : vector<1x16xf32> to vector<16xf32>
        %add3A_350 = arith.addf %get3A_349, %get3A_195 : vector<16xf32>
        %swap3A_351 = arith.index_cast %scan3A_286 : i32 to index
        %swap3A_352 = arith.constant 96 : index
        %swap3A_353 = tpu.vector_load %arg10[%swap3A_351, %swap3A_352] {strides = array<i32>} : memref<128x128xf32, #tpu.memory_space<vmem>>, vector<1x16xf32>,
        %swap3A_354 = vector.shape_cast %swap3A_353 : vector<1x16xf32> to vector<16xf32>
        %swap3A_355 = vector.shape_cast %add3A_350 : vector<16xf32> to vector<1x16xf32>
        tpu.vector_store %arg10[%swap3A_351, %swap3A_352], %swap3A_355 {strides = array<i32>} : memref<128x128xf32, #tpu.memory_space<vmem>>, vector<1x16xf32>,
        %get3A_356 = arith.index_cast %scan3A_286 : i32 to index
        %get3A_357 = arith.constant 112 : index
        %get3A_358 = tpu.vector_load %arg10[%get3A_356, %get3A_357] {strides = array<i32>} : memref<128x128xf32, #tpu.memory_space<vmem>>, vector<1x16xf32>,
        %get3A_359 = vector.shape_cast %get3A_358 : vector<1x16xf32> to vector<16xf32>
        %add3A_360 = arith.addf %get3A_359, %get3A_199 : vector<16xf32>
        %swap3A_361 = arith.index_cast %scan3A_286 : i32 to index
        %swap3A_362 = arith.constant 112 : index
        %swap3A_363 = tpu.vector_load %arg10[%swap3A_361, %swap3A_362] {strides = array<i32>} : memref<128x128xf32, #tpu.memory_space<vmem>>, vector<1x16xf32>,
        %swap3A_364 = vector.shape_cast %swap3A_363 : vector<1x16xf32> to vector<16xf32>
        %swap3A_365 = vector.shape_cast %add3A_360 : vector<16xf32> to vector<1x16xf32>
        tpu.vector_store %arg10[%swap3A_361, %swap3A_362], %swap3A_365 {strides = array<i32>} : memref<128x128xf32, #tpu.memory_space<vmem>>, vector<1x16xf32>,
        %scan3A_366 = arith.constant 1 : i32
        %scan3A_367 = arith.addi %scan3A_286, %scan3A_366 : i32
        %get3A_368 = arith.index_cast %scan3A_367 : i32 to index
        %get3A_369 = arith.constant 0 : index
        %get3A_370 = tpu.vector_load %arg10[%get3A_368, %get3A_369] {strides = array<i32>} : memref<128x128xf32, #tpu.memory_space<vmem>>, vector<1x16xf32>,
        %get3A_371 = vector.shape_cast %get3A_370 : vector<1x16xf32> to vector<16xf32>
        %add3A_372 = arith.addf %get3A_371, %get3A_171 : vector<16xf32>
        %swap3A_373 = arith.index_cast %scan3A_367 : i32 to index
        %swap3A_374 = arith.constant 0 : index
        %swap3A_375 = tpu.vector_load %arg10[%swap3A_373, %swap3A_374] {strides = array<i32>} : memref<128x128xf32, #tpu.memory_space<vmem>>, vector<1x16xf32>,
        %swap3A_376 = vector.shape_cast %swap3A_375 : vector<1x16xf32> to vector<16xf32>
        %swap3A_377 = vector.shape_cast %add3A_372 : vector<16xf32> to vector<1x16xf32>
        tpu.vector_store %arg10[%swap3A_373, %swap3A_374], %swap3A_377 {strides = array<i32>} : memref<128x128xf32, #tpu.memory_space<vmem>>, vector<1x16xf32>,
        %get3A_378 = arith.index_cast %scan3A_367 : i32 to index
        %get3A_379 = arith.constant 16 : index
        %get3A_380 = tpu.vector_load %arg10[%get3A_378, %get3A_379] {strides = array<i32>} : memref<128x128xf32, #tpu.memory_space<vmem>>, vector<1x16xf32>,
        %get3A_381 = vector.shape_cast %get3A_380 : vector<1x16xf32> to vector<16xf32>
        %add3A_382 = arith.addf %get3A_381, %get3A_175 : vector<16xf32>
        %swap3A_383 = arith.index_cast %scan3A_367 : i32 to index
        %swap3A_384 = arith.constant 16 : index
        %swap3A_385 = tpu.vector_load %arg10[%swap3A_383, %swap3A_384] {strides = array<i32>} : memref<128x128xf32, #tpu.memory_space<vmem>>, vector<1x16xf32>,
        %swap3A_386 = vector.shape_cast %swap3A_385 : vector<1x16xf32> to vector<16xf32>
        %swap3A_387 = vector.shape_cast %add3A_382 : vector<16xf32> to vector<1x16xf32>
        tpu.vector_store %arg10[%swap3A_383, %swap3A_384], %swap3A_387 {strides = array<i32>} : memref<128x128xf32, #tpu.memory_space<vmem>>, vector<1x16xf32>,
        %get3A_388 = arith.index_cast %scan3A_367 : i32 to index
        %get3A_389 = arith.constant 32 : index
        %get3A_390 = tpu.vector_load %arg10[%get3A_388, %get3A_389] {strides = array<i32>} : memref<128x128xf32, #tpu.memory_space<vmem>>, vector<1x16xf32>,
        %get3A_391 = vector.shape_cast %get3A_390 : vector<1x16xf32> to vector<16xf32>
        %add3A_392 = arith.addf %get3A_391, %get3A_179 : vector<16xf32>
        %swap3A_393 = arith.index_cast %scan3A_367 : i32 to index
        %swap3A_394 = arith.constant 32 : index
        %swap3A_395 = tpu.vector_load %arg10[%swap3A_393, %swap3A_394] {strides = array<i32>} : memref<128x128xf32, #tpu.memory_space<vmem>>, vector<1x16xf32>,
        %swap3A_396 = vector.shape_cast %swap3A_395 : vector<1x16xf32> to vector<16xf32>
        %swap3A_397 = vector.shape_cast %add3A_392 : vector<16xf32> to vector<1x16xf32>
        tpu.vector_store %arg10[%swap3A_393, %swap3A_394], %swap3A_397 {strides = array<i32>} : memref<128x128xf32, #tpu.memory_space<vmem>>, vector<1x16xf32>,
        %get3A_398 = arith.index_cast %scan3A_367 : i32 to index
        %get3A_399 = arith.constant 48 : index
        %get3A_400 = tpu.vector_load %arg10[%get3A_398, %get3A_399] {strides = array<i32>} : memref<128x128xf32, #tpu.memory_space<vmem>>, vector<1x16xf32>,
        %get3A_401 = vector.shape_cast %get3A_400 : vector<1x16xf32> to vector<16xf32>
        %add3A_402 = arith.addf %get3A_401, %get3A_183 : vector<16xf32>
        %swap3A_403 = arith.index_cast %scan3A_367 : i32 to index
        %swap3A_404 = arith.constant 48 : index
        %swap3A_405 = tpu.vector_load %arg10[%swap3A_403, %swap3A_404] {strides = array<i32>} : memref<128x128xf32, #tpu.memory_space<vmem>>, vector<1x16xf32>,
        %swap3A_406 = vector.shape_cast %swap3A_405 : vector<1x16xf32> to vector<16xf32>
        %swap3A_407 = vector.shape_cast %add3A_402 : vector<16xf32> to vector<1x16xf32>
        tpu.vector_store %arg10[%swap3A_403, %swap3A_404], %swap3A_407 {strides = array<i32>} : memref<128x128xf32, #tpu.memory_space<vmem>>, vector<1x16xf32>,
        %get3A_408 = arith.index_cast %scan3A_367 : i32 to index
        %get3A_409 = arith.constant 64 : index
        %get3A_410 = tpu.vector_load %arg10[%get3A_408, %get3A_409] {strides = array<i32>} : memref<128x128xf32, #tpu.memory_space<vmem>>, vector<1x16xf32>,
        %get3A_411 = vector.shape_cast %get3A_410 : vector<1x16xf32> to vector<16xf32>
        %add3A_412 = arith.addf %get3A_411, %get3A_187 : vector<16xf32>
        %swap3A_413 = arith.index_cast %scan3A_367 : i32 to index
        %swap3A_414 = arith.constant 64 : index
        %swap3A_415 = tpu.vector_load %arg10[%swap3A_413, %swap3A_414] {strides = array<i32>} : memref<128x128xf32, #tpu.memory_space<vmem>>, vector<1x16xf32>,
        %swap3A_416 = vector.shape_cast %swap3A_415 : vector<1x16xf32> to vector<16xf32>
        %swap3A_417 = vector.shape_cast %add3A_412 : vector<16xf32> to vector<1x16xf32>
        tpu.vector_store %arg10[%swap3A_413, %swap3A_414], %swap3A_417 {strides = array<i32>} : memref<128x128xf32, #tpu.memory_space<vmem>>, vector<1x16xf32>,
        %get3A_418 = arith.index_cast %scan3A_367 : i32 to index
        %get3A_419 = arith.constant 80 : index
        %get3A_420 = tpu.vector_load %arg10[%get3A_418, %get3A_419] {strides = array<i32>} : memref<128x128xf32, #tpu.memory_space<vmem>>, vector<1x16xf32>,
        %get3A_421 = vector.shape_cast %get3A_420 : vector<1x16xf32> to vector<16xf32>
        %add3A_422 = arith.addf %get3A_421, %get3A_191 : vector<16xf32>
        %swap3A_423 = arith.index_cast %scan3A_367 : i32 to index
        %swap3A_424 = arith.constant 80 : index
        %swap3A_425 = tpu.vector_load %arg10[%swap3A_423, %swap3A_424] {strides = array<i32>} : memref<128x128xf32, #tpu.memory_space<vmem>>, vector<1x16xf32>,
        %swap3A_426 = vector.shape_cast %swap3A_425 : vector<1x16xf32> to vector<16xf32>
        %swap3A_427 = vector.shape_cast %add3A_422 : vector<16xf32> to vector<1x16xf32>
        tpu.vector_store %arg10[%swap3A_423, %swap3A_424], %swap3A_427 {strides = array<i32>} : memref<128x128xf32, #tpu.memory_space<vmem>>, vector<1x16xf32>,
        %get3A_428 = arith.index_cast %scan3A_367 : i32 to index
        %get3A_429 = arith.constant 96 : index
        %get3A_430 = tpu.vector_load %arg10[%get3A_428, %get3A_429] {strides = array<i32>} : memref<128x128xf32, #tpu.memory_space<vmem>>, vector<1x16xf32>,
        %get3A_431 = vector.shape_cast %get3A_430 : vector<1x16xf32> to vector<16xf32>
        %add3A_432 = arith.addf %get3A_431, %get3A_195 : vector<16xf32>
        %swap3A_433 = arith.index_cast %scan3A_367 : i32 to index
        %swap3A_434 = arith.constant 96 : index
        %swap3A_435 = tpu.vector_load %arg10[%swap3A_433, %swap3A_434] {strides = array<i32>} : memref<128x128xf32, #tpu.memory_space<vmem>>, vector<1x16xf32>,
        %swap3A_436 = vector.shape_cast %swap3A_435 : vector<1x16xf32> to vector<16xf32>
        %swap3A_437 = vector.shape_cast %add3A_432 : vector<16xf32> to vector<1x16xf32>
        tpu.vector_store %arg10[%swap3A_433, %swap3A_434], %swap3A_437 {strides = array<i32>} : memref<128x128xf32, #tpu.memory_space<vmem>>, vector<1x16xf32>,
        %get3A_438 = arith.index_cast %scan3A_367 : i32 to index
        %get3A_439 = arith.constant 112 : index
        %get3A_440 = tpu.vector_load %arg10[%get3A_438, %get3A_439] {strides = array<i32>} : memref<128x128xf32, #tpu.memory_space<vmem>>, vector<1x16xf32>,
        %get3A_441 = vector.shape_cast %get3A_440 : vector<1x16xf32> to vector<16xf32>
        %add3A_442 = arith.addf %get3A_441, %get3A_199 : vector<16xf32>
        %swap3A_443 = arith.index_cast %scan3A_367 : i32 to index
        %swap3A_444 = arith.constant 112 : index
        %swap3A_445 = tpu.vector_load %arg10[%swap3A_443, %swap3A_444] {strides = array<i32>} : memref<128x128xf32, #tpu.memory_space<vmem>>, vector<1x16xf32>,
        %swap3A_446 = vector.shape_cast %swap3A_445 : vector<1x16xf32> to vector<16xf32>
        %swap3A_447 = vector.shape_cast %add3A_442 : vector<16xf32> to vector<1x16xf32>
        tpu.vector_store %arg10[%swap3A_443, %swap3A_444], %swap3A_447 {strides = array<i32>} : memref<128x128xf32, #tpu.memory_space<vmem>>, vector<1x16xf32>,
        %scan3A_448 = arith.constant 2 : i32
        %scan3A_449 = arith.addi %scan3A_286, %scan3A_448 : i32
        %get3A_450 = arith.index_cast %scan3A_449 : i32 to index
        %get3A_451 = arith.constant 0 : index
        %get3A_452 = tpu.vector_load %arg10[%get3A_450, %get3A_451] {strides = array<i32>} : memref<128x128xf32, #tpu.memory_space<vmem>>, vector<1x16xf32>,
        %get3A_453 = vector.shape_cast %get3A_452 : vector<1x16xf32> to vector<16xf32>
        %add3A_454 = arith.addf %get3A_453, %get3A_171 : vector<16xf32>
        %swap3A_455 = arith.index_cast %scan3A_449 : i32 to index
        %swap3A_456 = arith.constant 0 : index
        %swap3A_457 = tpu.vector_load %arg10[%swap3A_455, %swap3A_456] {strides = array<i32>} : memref<128x128xf32, #tpu.memory_space<vmem>>, vector<1x16xf32>,
        %swap3A_458 = vector.shape_cast %swap3A_457 : vector<1x16xf32> to vector<16xf32>
        %swap3A_459 = vector.shape_cast %add3A_454 : vector<16xf32> to vector<1x16xf32>
        tpu.vector_store %arg10[%swap3A_455, %swap3A_456], %swap3A_459 {strides = array<i32>} : memref<128x128xf32, #tpu.memory_space<vmem>>, vector<1x16xf32>,
        %get3A_460 = arith.index_cast %scan3A_449 : i32 to index
        %get3A_461 = arith.constant 16 : index
        %get3A_462 = tpu.vector_load %arg10[%get3A_460, %get3A_461] {strides = array<i32>} : memref<128x128xf32, #tpu.memory_space<vmem>>, vector<1x16xf32>,
        %get3A_463 = vector.shape_cast %get3A_462 : vector<1x16xf32> to vector<16xf32>
        %add3A_464 = arith.addf %get3A_463, %get3A_175 : vector<16xf32>
        %swap3A_465 = arith.index_cast %scan3A_449 : i32 to index
        %swap3A_466 = arith.constant 16 : index
        %swap3A_467 = tpu.vector_load %arg10[%swap3A_465, %swap3A_466] {strides = array<i32>} : memref<128x128xf32, #tpu.memory_space<vmem>>, vector<1x16xf32>,
        %swap3A_468 = vector.shape_cast %swap3A_467 : vector<1x16xf32> to vector<16xf32>
        %swap3A_469 = vector.shape_cast %add3A_464 : vector<16xf32> to vector<1x16xf32>
        tpu.vector_store %arg10[%swap3A_465, %swap3A_466], %swap3A_469 {strides = array<i32>} : memref<128x128xf32, #tpu.memory_space<vmem>>, vector<1x16xf32>,
        %get3A_470 = arith.index_cast %scan3A_449 : i32 to index
        %get3A_471 = arith.constant 32 : index
        %get3A_472 = tpu.vector_load %arg10[%get3A_470, %get3A_471] {strides = array<i32>} : memref<128x128xf32, #tpu.memory_space<vmem>>, vector<1x16xf32>,
        %get3A_473 = vector.shape_cast %get3A_472 : vector<1x16xf32> to vector<16xf32>
        %add3A_474 = arith.addf %get3A_473, %get3A_179 : vector<16xf32>
        %swap3A_475 = arith.index_cast %scan3A_449 : i32 to index
        %swap3A_476 = arith.constant 32 : index
        %swap3A_477 = tpu.vector_load %arg10[%swap3A_475, %swap3A_476] {strides = array<i32>} : memref<128x128xf32, #tpu.memory_space<vmem>>, vector<1x16xf32>,
        %swap3A_478 = vector.shape_cast %swap3A_477 : vector<1x16xf32> to vector<16xf32>
        %swap3A_479 = vector.shape_cast %add3A_474 : vector<16xf32> to vector<1x16xf32>
        tpu.vector_store %arg10[%swap3A_475, %swap3A_476], %swap3A_479 {strides = array<i32>} : memref<128x128xf32, #tpu.memory_space<vmem>>, vector<1x16xf32>,
        %get3A_480 = arith.index_cast %scan3A_449 : i32 to index
        %get3A_481 = arith.constant 48 : index
        %get3A_482 = tpu.vector_load %arg10[%get3A_480, %get3A_481] {strides = array<i32>} : memref<128x128xf32, #tpu.memory_space<vmem>>, vector<1x16xf32>,
        %get3A_483 = vector.shape_cast %get3A_482 : vector<1x16xf32> to vector<16xf32>
        %add3A_484 = arith.addf %get3A_483, %get3A_183 : vector<16xf32>
        %swap3A_485 = arith.index_cast %scan3A_449 : i32 to index
        %swap3A_486 = arith.constant 48 : index
        %swap3A_487 = tpu.vector_load %arg10[%swap3A_485, %swap3A_486] {strides = array<i32>} : memref<128x128xf32, #tpu.memory_space<vmem>>, vector<1x16xf32>,
        %swap3A_488 = vector.shape_cast %swap3A_487 : vector<1x16xf32> to vector<16xf32>
        %swap3A_489 = vector.shape_cast %add3A_484 : vector<16xf32> to vector<1x16xf32>
        tpu.vector_store %arg10[%swap3A_485, %swap3A_486], %swap3A_489 {strides = array<i32>} : memref<128x128xf32, #tpu.memory_space<vmem>>, vector<1x16xf32>,
        %get3A_490 = arith.index_cast %scan3A_449 : i32 to index
        %get3A_491 = arith.constant 64 : index
        %get3A_492 = tpu.vector_load %arg10[%get3A_490, %get3A_491] {strides = array<i32>} : memref<128x128xf32, #tpu.memory_space<vmem>>, vector<1x16xf32>,
        %get3A_493 = vector.shape_cast %get3A_492 : vector<1x16xf32> to vector<16xf32>
        %add3A_494 = arith.addf %get3A_493, %get3A_187 : vector<16xf32>
        %swap3A_495 = arith.index_cast %scan3A_449 : i32 to index
        %swap3A_496 = arith.constant 64 : index
        %swap3A_497 = tpu.vector_load %arg10[%swap3A_495, %swap3A_496] {strides = array<i32>} : memref<128x128xf32, #tpu.memory_space<vmem>>, vector<1x16xf32>,
        %swap3A_498 = vector.shape_cast %swap3A_497 : vector<1x16xf32> to vector<16xf32>
        %swap3A_499 = vector.shape_cast %add3A_494 : vector<16xf32> to vector<1x16xf32>
        tpu.vector_store %arg10[%swap3A_495, %swap3A_496], %swap3A_499 {strides = array<i32>} : memref<128x128xf32, #tpu.memory_space<vmem>>, vector<1x16xf32>,
        %get3A_500 = arith.index_cast %scan3A_449 : i32 to index
        %get3A_501 = arith.constant 80 : index
        %get3A_502 = tpu.vector_load %arg10[%get3A_500, %get3A_501] {strides = array<i32>} : memref<128x128xf32, #tpu.memory_space<vmem>>, vector<1x16xf32>,
        %get3A_503 = vector.shape_cast %get3A_502 : vector<1x16xf32> to vector<16xf32>
        %add3A_504 = arith.addf %get3A_503, %get3A_191 : vector<16xf32>
        %swap3A_505 = arith.index_cast %scan3A_449 : i32 to index
        %swap3A_506 = arith.constant 80 : index
        %swap3A_507 = tpu.vector_load %arg10[%swap3A_505, %swap3A_506] {strides = array<i32>} : memref<128x128xf32, #tpu.memory_space<vmem>>, vector<1x16xf32>,
        %swap3A_508 = vector.shape_cast %swap3A_507 : vector<1x16xf32> to vector<16xf32>
        %swap3A_509 = vector.shape_cast %add3A_504 : vector<16xf32> to vector<1x16xf32>
        tpu.vector_store %arg10[%swap3A_505, %swap3A_506], %swap3A_509 {strides = array<i32>} : memref<128x128xf32, #tpu.memory_space<vmem>>, vector<1x16xf32>,
        %get3A_510 = arith.index_cast %scan3A_449 : i32 to index
        %get3A_511 = arith.constant 96 : index
        %get3A_512 = tpu.vector_load %arg10[%get3A_510, %get3A_511] {strides = array<i32>} : memref<128x128xf32, #tpu.memory_space<vmem>>, vector<1x16xf32>,
        %get3A_513 = vector.shape_cast %get3A_512 : vector<1x16xf32> to vector<16xf32>
        %add3A_514 = arith.addf %get3A_513, %get3A_195 : vector<16xf32>
        %swap3A_515 = arith.index_cast %scan3A_449 : i32 to index
        %swap3A_516 = arith.constant 96 : index
        %swap3A_517 = tpu.vector_load %arg10[%swap3A_515, %swap3A_516] {strides = array<i32>} : memref<128x128xf32, #tpu.memory_space<vmem>>, vector<1x16xf32>,
        %swap3A_518 = vector.shape_cast %swap3A_517 : vector<1x16xf32> to vector<16xf32>
        %swap3A_519 = vector.shape_cast %add3A_514 : vector<16xf32> to vector<1x16xf32>
        tpu.vector_store %arg10[%swap3A_515, %swap3A_516], %swap3A_519 {strides = array<i32>} : memref<128x128xf32, #tpu.memory_space<vmem>>, vector<1x16xf32>,
        %get3A_520 = arith.index_cast %scan3A_449 : i32 to index
        %get3A_521 = arith.constant 112 : index
        %get3A_522 = tpu.vector_load %arg10[%get3A_520, %get3A_521] {strides = array<i32>} : memref<128x128xf32, #tpu.memory_space<vmem>>, vector<1x16xf32>,
        %get3A_523 = vector.shape_cast %get3A_522 : vector<1x16xf32> to vector<16xf32>
        %add3A_524 = arith.addf %get3A_523, %get3A_199 : vector<16xf32>
        %swap3A_525 = arith.index_cast %scan3A_449 : i32 to index
        %swap3A_526 = arith.constant 112 : index
        %swap3A_527 = tpu.vector_load %arg10[%swap3A_525, %swap3A_526] {strides = array<i32>} : memref<128x128xf32, #tpu.memory_space<vmem>>, vector<1x16xf32>,
        %swap3A_528 = vector.shape_cast %swap3A_527 : vector<1x16xf32> to vector<16xf32>
        %swap3A_529 = vector.shape_cast %add3A_524 : vector<16xf32> to vector<1x16xf32>
        tpu.vector_store %arg10[%swap3A_525, %swap3A_526], %swap3A_529 {strides = array<i32>} : memref<128x128xf32, #tpu.memory_space<vmem>>, vector<1x16xf32>,
        %scan3A_530 = arith.constant 3 : i32
        %scan3A_531 = arith.addi %scan3A_286, %scan3A_530 : i32
        %get3A_532 = arith.index_cast %scan3A_531 : i32 to index
        %get3A_533 = arith.constant 0 : index
        %get3A_534 = tpu.vector_load %arg10[%get3A_532, %get3A_533] {strides = array<i32>} : memref<128x128xf32, #tpu.memory_space<vmem>>, vector<1x16xf32>,
        %get3A_535 = vector.shape_cast %get3A_534 : vector<1x16xf32> to vector<16xf32>
        %add3A_536 = arith.addf %get3A_535, %get3A_171 : vector<16xf32>
        %swap3A_537 = arith.index_cast %scan3A_531 : i32 to index
        %swap3A_538 = arith.constant 0 : index
        %swap3A_539 = tpu.vector_load %arg10[%swap3A_537, %swap3A_538] {strides = array<i32>} : memref<128x128xf32, #tpu.memory_space<vmem>>, vector<1x16xf32>,
        %swap3A_540 = vector.shape_cast %swap3A_539 : vector<1x16xf32> to vector<16xf32>
        %swap3A_541 = vector.shape_cast %add3A_536 : vector<16xf32> to vector<1x16xf32>
        tpu.vector_store %arg10[%swap3A_537, %swap3A_538], %swap3A_541 {strides = array<i32>} : memref<128x128xf32, #tpu.memory_space<vmem>>, vector<1x16xf32>,
        %get3A_542 = arith.index_cast %scan3A_531 : i32 to index
        %get3A_543 = arith.constant 16 : index
        %get3A_544 = tpu.vector_load %arg10[%get3A_542, %get3A_543] {strides = array<i32>} : memref<128x128xf32, #tpu.memory_space<vmem>>, vector<1x16xf32>,
        %get3A_545 = vector.shape_cast %get3A_544 : vector<1x16xf32> to vector<16xf32>
        %add3A_546 = arith.addf %get3A_545, %get3A_175 : vector<16xf32>
        %swap3A_547 = arith.index_cast %scan3A_531 : i32 to index
        %swap3A_548 = arith.constant 16 : index
        %swap3A_549 = tpu.vector_load %arg10[%swap3A_547, %swap3A_548] {strides = array<i32>} : memref<128x128xf32, #tpu.memory_space<vmem>>, vector<1x16xf32>,
        %swap3A_550 = vector.shape_cast %swap3A_549 : vector<1x16xf32> to vector<16xf32>
        %swap3A_551 = vector.shape_cast %add3A_546 : vector<16xf32> to vector<1x16xf32>
        tpu.vector_store %arg10[%swap3A_547, %swap3A_548], %swap3A_551 {strides = array<i32>} : memref<128x128xf32, #tpu.memory_space<vmem>>, vector<1x16xf32>,
        %get3A_552 = arith.index_cast %scan3A_531 : i32 to index
        %get3A_553 = arith.constant 32 : index
        %get3A_554 = tpu.vector_load %arg10[%get3A_552, %get3A_553] {strides = array<i32>} : memref<128x128xf32, #tpu.memory_space<vmem>>, vector<1x16xf32>,
        %get3A_555 = vector.shape_cast %get3A_554 : vector<1x16xf32> to vector<16xf32>
        %add3A_556 = arith.addf %get3A_555, %get3A_179 : vector<16xf32>
        %swap3A_557 = arith.index_cast %scan3A_531 : i32 to index
        %swap3A_558 = arith.constant 32 : index
        %swap3A_559 = tpu.vector_load %arg10[%swap3A_557, %swap3A_558] {strides = array<i32>} : memref<128x128xf32, #tpu.memory_space<vmem>>, vector<1x16xf32>,
        %swap3A_560 = vector.shape_cast %swap3A_559 : vector<1x16xf32> to vector<16xf32>
        %swap3A_561 = vector.shape_cast %add3A_556 : vector<16xf32> to vector<1x16xf32>
        tpu.vector_store %arg10[%swap3A_557, %swap3A_558], %swap3A_561 {strides = array<i32>} : memref<128x128xf32, #tpu.memory_space<vmem>>, vector<1x16xf32>,
        %get3A_562 = arith.index_cast %scan3A_531 : i32 to index
        %get3A_563 = arith.constant 48 : index
        %get3A_564 = tpu.vector_load %arg10[%get3A_562, %get3A_563] {strides = array<i32>} : memref<128x128xf32, #tpu.memory_space<vmem>>, vector<1x16xf32>,
        %get3A_565 = vector.shape_cast %get3A_564 : vector<1x16xf32> to vector<16xf32>
        %add3A_566 = arith.addf %get3A_565, %get3A_183 : vector<16xf32>
        %swap3A_567 = arith.index_cast %scan3A_531 : i32 to index
        %swap3A_568 = arith.constant 48 : index
        %swap3A_569 = tpu.vector_load %arg10[%swap3A_567, %swap3A_568] {strides = array<i32>} : memref<128x128xf32, #tpu.memory_space<vmem>>, vector<1x16xf32>,
        %swap3A_570 = vector.shape_cast %swap3A_569 : vector<1x16xf32> to vector<16xf32>
        %swap3A_571 = vector.shape_cast %add3A_566 : vector<16xf32> to vector<1x16xf32>
        tpu.vector_store %arg10[%swap3A_567, %swap3A_568], %swap3A_571 {strides = array<i32>} : memref<128x128xf32, #tpu.memory_space<vmem>>, vector<1x16xf32>,
        %get3A_572 = arith.index_cast %scan3A_531 : i32 to index
        %get3A_573 = arith.constant 64 : index
        %get3A_574 = tpu.vector_load %arg10[%get3A_572, %get3A_573] {strides = array<i32>} : memref<128x128xf32, #tpu.memory_space<vmem>>, vector<1x16xf32>,
        %get3A_575 = vector.shape_cast %get3A_574 : vector<1x16xf32> to vector<16xf32>
        %add3A_576 = arith.addf %get3A_575, %get3A_187 : vector<16xf32>
        %swap3A_577 = arith.index_cast %scan3A_531 : i32 to index
        %swap3A_578 = arith.constant 64 : index
        %swap3A_579 = tpu.vector_load %arg10[%swap3A_577, %swap3A_578] {strides = array<i32>} : memref<128x128xf32, #tpu.memory_space<vmem>>, vector<1x16xf32>,
        %swap3A_580 = vector.shape_cast %swap3A_579 : vector<1x16xf32> to vector<16xf32>
        %swap3A_581 = vector.shape_cast %add3A_576 : vector<16xf32> to vector<1x16xf32>
        tpu.vector_store %arg10[%swap3A_577, %swap3A_578], %swap3A_581 {strides = array<i32>} : memref<128x128xf32, #tpu.memory_space<vmem>>, vector<1x16xf32>,
        %get3A_582 = arith.index_cast %scan3A_531 : i32 to index
        %get3A_583 = arith.constant 80 : index
        %get3A_584 = tpu.vector_load %arg10[%get3A_582, %get3A_583] {strides = array<i32>} : memref<128x128xf32, #tpu.memory_space<vmem>>, vector<1x16xf32>,
        %get3A_585 = vector.shape_cast %get3A_584 : vector<1x16xf32> to vector<16xf32>
        %add3A_586 = arith.addf %get3A_585, %get3A_191 : vector<16xf32>
        %swap3A_587 = arith.index_cast %scan3A_531 : i32 to index
        %swap3A_588 = arith.constant 80 : index
        %swap3A_589 = tpu.vector_load %arg10[%swap3A_587, %swap3A_588] {strides = array<i32>} : memref<128x128xf32, #tpu.memory_space<vmem>>, vector<1x16xf32>,
        %swap3A_590 = vector.shape_cast %swap3A_589 : vector<1x16xf32> to vector<16xf32>
        %swap3A_591 = vector.shape_cast %add3A_586 : vector<16xf32> to vector<1x16xf32>
        tpu.vector_store %arg10[%swap3A_587, %swap3A_588], %swap3A_591 {strides = array<i32>} : memref<128x128xf32, #tpu.memory_space<vmem>>, vector<1x16xf32>,
        %get3A_592 = arith.index_cast %scan3A_531 : i32 to index
        %get3A_593 = arith.constant 96 : index
        %get3A_594 = tpu.vector_load %arg10[%get3A_592, %get3A_593] {strides = array<i32>} : memref<128x128xf32, #tpu.memory_space<vmem>>, vector<1x16xf32>,
        %get3A_595 = vector.shape_cast %get3A_594 : vector<1x16xf32> to vector<16xf32>
        %add3A_596 = arith.addf %get3A_595, %get3A_195 : vector<16xf32>
        %swap3A_597 = arith.index_cast %scan3A_531 : i32 to index
        %swap3A_598 = arith.constant 96 : index
        %swap3A_599 = tpu.vector_load %arg10[%swap3A_597, %swap3A_598] {strides = array<i32>} : memref<128x128xf32, #tpu.memory_space<vmem>>, vector<1x16xf32>,
        %swap3A_600 = vector.shape_cast %swap3A_599 : vector<1x16xf32> to vector<16xf32>
        %swap3A_601 = vector.shape_cast %add3A_596 : vector<16xf32> to vector<1x16xf32>
        tpu.vector_store %arg10[%swap3A_597, %swap3A_598], %swap3A_601 {strides = array<i32>} : memref<128x128xf32, #tpu.memory_space<vmem>>, vector<1x16xf32>,
        %get3A_602 = arith.index_cast %scan3A_531 : i32 to index
        %get3A_603 = arith.constant 112 : index
        %get3A_604 = tpu.vector_load %arg10[%get3A_602, %get3A_603] {strides = array<i32>} : memref<128x128xf32, #tpu.memory_space<vmem>>, vector<1x16xf32>,
        %get3A_605 = vector.shape_cast %get3A_604 : vector<1x16xf32> to vector<16xf32>
        %add3A_606 = arith.addf %get3A_605, %get3A_199 : vector<16xf32>
        %swap3A_607 = arith.index_cast %scan3A_531 : i32 to index
        %swap3A_608 = arith.constant 112 : index
        %swap3A_609 = tpu.vector_load %arg10[%swap3A_607, %swap3A_608] {strides = array<i32>} : memref<128x128xf32, #tpu.memory_space<vmem>>, vector<1x16xf32>,
        %swap3A_610 = vector.shape_cast %swap3A_609 : vector<1x16xf32> to vector<16xf32>
        %swap3A_611 = vector.shape_cast %add3A_606 : vector<16xf32> to vector<1x16xf32>
        tpu.vector_store %arg10[%swap3A_607, %swap3A_608], %swap3A_611 {strides = array<i32>} : memref<128x128xf32, #tpu.memory_space<vmem>>, vector<1x16xf32>,
      }
      %scan3A_205 = arith.constant 128 : i32
      %dma_start3A_206 = arith.constant 0 : i32
      %dma_start3A_207 = tpu.memref_slice %arg5[%mul3A_2, %add3A_161, %dma_start3A_206] : memref<4096x200x128xf32, #tpu.memory_space<hbm>> -> memref<128x1x128xf32, #tpu.memory_space<hbm>>
      %dma_start3A_208 = tpu.memref_squeeze %dma_start3A_207 : memref<128x1x128xf32, #tpu.memory_space<hbm>> -> memref<128x128xf32, #tpu.memory_space<hbm>>
      %dma_start3A_209 = arith.constant 0 : i32
      %dma_start3A_210 = tpu.memref_slice %arg5[%mul3A_2, %add3A_161, %dma_start3A_209] : memref<4096x200x128xf32, #tpu.memory_space<hbm>> -> memref<128x1x128xf32, #tpu.memory_space<hbm>>
      %dma_start3A_211 = tpu.memref_squeeze %dma_start3A_210 : memref<128x1x128xf32, #tpu.memory_space<hbm>> -> memref<128x128xf32, #tpu.memory_space<hbm>>
      tpu.enqueue_dma source(%arg10 : memref<128x128xf32, #tpu.memory_space<vmem>>) target(%dma_start3A_211 : memref<128x128xf32, #tpu.memory_space<hbm>>) target_semaphore(%arg18 : memref<!tpu.dma_semaphore, #tpu.memory_space<semaphore_mem>>)
      %ge3A_212 = arith.constant 2 : i32
      %ge3A_213 = arith.cmpi sge, %add3A_161, %ge3A_212 : i32
      %convert_element_type3A_214 = arith.extui %ge3A_213 : i1 to i32
      %cond3A_215 = arith.constant 0 : i32
      %cond3A_216 = arith.cmpi ne, %convert_element_type3A_214, %cond3A_215 : i32
      scf.if %cond3A_216 {
        %sub3A = arith.constant 2 : i32
        %sub3A_286 = arith.subi %add3A_161, %sub3A : i32
        %dma_wait3A_287 = arith.constant 0 : i32
        %dma_wait3A_288 = tpu.memref_slice %arg5[%mul3A_2, %sub3A_286, %dma_wait3A_287] : memref<4096x200x128xf32, #tpu.memory_space<hbm>> -> memref<128x1x128xf32, #tpu.memory_space<hbm>>
        %dma_wait3A_289 = tpu.memref_squeeze %dma_wait3A_288 : memref<128x1x128xf32, #tpu.memory_space<hbm>> -> memref<128x128xf32, #tpu.memory_space<hbm>>
        %dma_wait3A_290 = arith.constant 0 : i32
        %dma_wait3A_291 = tpu.memref_slice %arg5[%mul3A_2, %sub3A_286, %dma_wait3A_290] : memref<4096x200x128xf32, #tpu.memory_space<hbm>> -> memref<128x1x128xf32, #tpu.memory_space<hbm>>
        %dma_wait3A_292 = tpu.memref_squeeze %dma_wait3A_291 : memref<128x1x128xf32, #tpu.memory_space<hbm>> -> memref<128x128xf32, #tpu.memory_space<hbm>>
        tpu.wait_dma2 semaphore(%arg16 : memref<!tpu.dma_semaphore, #tpu.memory_space<semaphore_mem>>) src(%arg8 : memref<128x128xf32, #tpu.memory_space<vmem>>) dst(%dma_wait3A_292 : memref<128x128xf32, #tpu.memory_space<hbm>>)
      } else {
      }
      %lt3A_217 = arith.constant 198 : i32
      %lt3A_218 = arith.cmpi slt, %add3A_161, %lt3A_217 : i32
      %convert_element_type3A_219 = arith.extui %lt3A_218 : i1 to i32
      %cond3A_220 = arith.constant 0 : i32
      %cond3A_221 = arith.cmpi ne, %convert_element_type3A_219, %cond3A_220 : i32
      scf.if %cond3A_221 {
        %add3A_286 = arith.constant 2 : i32
        %add3A_287 = arith.addi %add3A_161, %add3A_286 : i32
        %dma_start3A_288 = arith.constant 0 : i32
        %dma_start3A_289 = tpu.memref_slice %arg6[%add3A_287, %dma_start3A_288] : memref<200x128xi32, #tpu.memory_space<vmem>> -> memref<1x128xi32, #tpu.memory_space<vmem>>
        %dma_start3A_290 = tpu.memref_squeeze %dma_start3A_289 : memref<1x128xi32, #tpu.memory_space<vmem>> -> memref<128xi32, #tpu.memory_space<vmem>>
        %dma_start3A_291 = arith.constant 0 : i32
        %dma_start3A_292 = arith.constant 0 : i32
        %dma_start3A_293 = tpu.memref_slice %arg3[%dma_start3A_291, %dma_start3A_292] : memref<100000x128xf32, #tpu.memory_space<hbm>> -> memref<100000x128xf32, #tpu.memory_space<hbm>>
        tpu.enqueue_indirect_dma source(%dma_start3A_293 : memref<100000x128xf32, #tpu.memory_space<hbm>>) target(%arg8 : memref<128x128xf32, #tpu.memory_space<vmem>>) offsets(%dma_start3A_290 : memref<128xi32, #tpu.memory_space<vmem>>) semaphore(%arg12 : memref<!tpu.dma_semaphore, #tpu.memory_space<semaphore_mem>>)
      } else {
      }
      %mul3A_222 = arith.constant 4 : i32
      %mul3A_223 = arith.muli %mul3A_222, %scan3A_34 : i32
      %add3A_224 = arith.constant 3 : i32
      %add3A_225 = arith.addi %mul3A_223, %add3A_224 : i32
      %dma_wait3A_226 = arith.constant 0 : i32
      %dma_wait3A_227 = tpu.memref_slice %arg6[%add3A_225, %dma_wait3A_226] : memref<200x128xi32, #tpu.memory_space<vmem>> -> memref<1x128xi32, #tpu.memory_space<vmem>>
      %dma_wait3A_228 = tpu.memref_squeeze %dma_wait3A_227 : memref<1x128xi32, #tpu.memory_space<vmem>> -> memref<128xi32, #tpu.memory_space<vmem>>
      %dma_wait3A_229 = arith.constant 0 : i32
      %dma_wait3A_230 = arith.constant 0 : i32
      %dma_wait3A_231 = tpu.memref_slice %arg3[%dma_wait3A_229, %dma_wait3A_230] : memref<100000x128xf32, #tpu.memory_space<hbm>> -> memref<100000x128xf32, #tpu.memory_space<hbm>>
      tpu.wait_indirect_dma semaphore(%arg15 : memref<!tpu.dma_semaphore, #tpu.memory_space<semaphore_mem>>) src(%dma_wait3A_231 : memref<100000x128xf32, #tpu.memory_space<hbm>>) dst(%arg11 : memref<128x128xf32, #tpu.memory_space<vmem>>)
      %get3A_232 = arith.index_cast %add3A_225 : i32 to index
      %get3A_233 = arith.constant 0 : index
      %get3A_234 = tpu.vector_load %arg7[%get3A_232, %get3A_233] {strides = array<i32>} : memref<200x128xf32, #tpu.memory_space<vmem>>, vector<1x16xf32>,
      %get3A_235 = vector.shape_cast %get3A_234 : vector<1x16xf32> to vector<16xf32>
      %get3A_236 = arith.index_cast %add3A_225 : i32 to index
      %get3A_237 = arith.constant 16 : index
      %get3A_238 = tpu.vector_load %arg7[%get3A_236, %get3A_237] {strides = array<i32>} : memref<200x128xf32, #tpu.memory_space<vmem>>, vector<1x16xf32>,
      %get3A_239 = vector.shape_cast %get3A_238 : vector<1x16xf32> to vector<16xf32>
      %get3A_240 = arith.index_cast %add3A_225 : i32 to index
      %get3A_241 = arith.constant 32 : index
      %get3A_242 = tpu.vector_load %arg7[%get3A_240, %get3A_241] {strides = array<i32>} : memref<200x128xf32, #tpu.memory_space<vmem>>, vector<1x16xf32>,
      %get3A_243 = vector.shape_cast %get3A_242 : vector<1x16xf32> to vector<16xf32>
      %get3A_244 = arith.index_cast %add3A_225 : i32 to index
      %get3A_245 = arith.constant 48 : index
      %get3A_246 = tpu.vector_load %arg7[%get3A_244, %get3A_245] {strides = array<i32>} : memref<200x128xf32, #tpu.memory_space<vmem>>, vector<1x16xf32>,
      %get3A_247 = vector.shape_cast %get3A_246 : vector<1x16xf32> to vector<16xf32>
      %get3A_248 = arith.index_cast %add3A_225 : i32 to index
      %get3A_249 = arith.constant 64 : index
      %get3A_250 = tpu.vector_load %arg7[%get3A_248, %get3A_249] {strides = array<i32>} : memref<200x128xf32, #tpu.memory_space<vmem>>, vector<1x16xf32>,
      %get3A_251 = vector.shape_cast %get3A_250 : vector<1x16xf32> to vector<16xf32>
      %get3A_252 = arith.index_cast %add3A_225 : i32 to index
      %get3A_253 = arith.constant 80 : index
      %get3A_254 = tpu.vector_load %arg7[%get3A_252, %get3A_253] {strides = array<i32>} : memref<200x128xf32, #tpu.memory_space<vmem>>, vector<1x16xf32>,
      %get3A_255 = vector.shape_cast %get3A_254 : vector<1x16xf32> to vector<16xf32>
      %get3A_256 = arith.index_cast %add3A_225 : i32 to index
      %get3A_257 = arith.constant 96 : index
      %get3A_258 = tpu.vector_load %arg7[%get3A_256, %get3A_257] {strides = array<i32>} : memref<200x128xf32, #tpu.memory_space<vmem>>, vector<1x16xf32>,
      %get3A_259 = vector.shape_cast %get3A_258 : vector<1x16xf32> to vector<16xf32>
      %get3A_260 = arith.index_cast %add3A_225 : i32 to index
      %get3A_261 = arith.constant 112 : index
      %get3A_262 = tpu.vector_load %arg7[%get3A_260, %get3A_261] {strides = array<i32>} : memref<200x128xf32, #tpu.memory_space<vmem>>, vector<1x16xf32>,
      %get3A_263 = vector.shape_cast %get3A_262 : vector<1x16xf32> to vector<16xf32>
      %scan3A_264 = arith.constant 0 : i32
      %scan3A_265 = arith.constant 0 : i32
      %scan3A_266 = arith.constant 128 : i32
      %scan3A_267 = arith.addi %scan3A_265, %scan3A_266 : i32
      %scan3A_268 = arith.constant 4 : i32
      scf.for %scan3A_286 = %scan3A_265 to %scan3A_267 step %scan3A_268  : i32 {
        %get3A_287 = arith.index_cast %scan3A_286 : i32 to index
        %get3A_288 = arith.constant 0 : index
        %get3A_289 = tpu.vector_load %arg11[%get3A_287, %get3A_288] {strides = array<i32>} : memref<128x128xf32, #tpu.memory_space<vmem>>, vector<1x16xf32>,
        %get3A_290 = vector.shape_cast %get3A_289 : vector<1x16xf32> to vector<16xf32>
        %add3A_291 = arith.addf %get3A_290, %get3A_235 : vector<16xf32>
        %swap3A = arith.index_cast %scan3A_286 : i32 to index
        %swap3A_292 = arith.constant 0 : index
        %swap3A_293 = tpu.vector_load %arg11[%swap3A, %swap3A_292] {strides = array<i32>} : memref<128x128xf32, #tpu.memory_space<vmem>>, vector<1x16xf32>,
        %swap3A_294 = vector.shape_cast %swap3A_293 : vector<1x16xf32> to vector<16xf32>
        %swap3A_295 = vector.shape_cast %add3A_291 : vector<16xf32> to vector<1x16xf32>
        tpu.vector_store %arg11[%swap3A, %swap3A_292], %swap3A_295 {strides = array<i32>} : memref<128x128xf32, #tpu.memory_space<vmem>>, vector<1x16xf32>,
        %get3A_296 = arith.index_cast %scan3A_286 : i32 to index
        %get3A_297 = arith.constant 16 : index
        %get3A_298 = tpu.vector_load %arg11[%get3A_296, %get3A_297] {strides = array<i32>} : memref<128x128xf32, #tpu.memory_space<vmem>>, vector<1x16xf32>,
        %get3A_299 = vector.shape_cast %get3A_298 : vector<1x16xf32> to vector<16xf32>
        %add3A_300 = arith.addf %get3A_299, %get3A_239 : vector<16xf32>
        %swap3A_301 = arith.index_cast %scan3A_286 : i32 to index
        %swap3A_302 = arith.constant 16 : index
        %swap3A_303 = tpu.vector_load %arg11[%swap3A_301, %swap3A_302] {strides = array<i32>} : memref<128x128xf32, #tpu.memory_space<vmem>>, vector<1x16xf32>,
        %swap3A_304 = vector.shape_cast %swap3A_303 : vector<1x16xf32> to vector<16xf32>
        %swap3A_305 = vector.shape_cast %add3A_300 : vector<16xf32> to vector<1x16xf32>
        tpu.vector_store %arg11[%swap3A_301, %swap3A_302], %swap3A_305 {strides = array<i32>} : memref<128x128xf32, #tpu.memory_space<vmem>>, vector<1x16xf32>,
        %get3A_306 = arith.index_cast %scan3A_286 : i32 to index
        %get3A_307 = arith.constant 32 : index
        %get3A_308 = tpu.vector_load %arg11[%get3A_306, %get3A_307] {strides = array<i32>} : memref<128x128xf32, #tpu.memory_space<vmem>>, vector<1x16xf32>,
        %get3A_309 = vector.shape_cast %get3A_308 : vector<1x16xf32> to vector<16xf32>
        %add3A_310 = arith.addf %get3A_309, %get3A_243 : vector<16xf32>
        %swap3A_311 = arith.index_cast %scan3A_286 : i32 to index
        %swap3A_312 = arith.constant 32 : index
        %swap3A_313 = tpu.vector_load %arg11[%swap3A_311, %swap3A_312] {strides = array<i32>} : memref<128x128xf32, #tpu.memory_space<vmem>>, vector<1x16xf32>,
        %swap3A_314 = vector.shape_cast %swap3A_313 : vector<1x16xf32> to vector<16xf32>
        %swap3A_315 = vector.shape_cast %add3A_310 : vector<16xf32> to vector<1x16xf32>
        tpu.vector_store %arg11[%swap3A_311, %swap3A_312], %swap3A_315 {strides = array<i32>} : memref<128x128xf32, #tpu.memory_space<vmem>>, vector<1x16xf32>,
        %get3A_316 = arith.index_cast %scan3A_286 : i32 to index
        %get3A_317 = arith.constant 48 : index
        %get3A_318 = tpu.vector_load %arg11[%get3A_316, %get3A_317] {strides = array<i32>} : memref<128x128xf32, #tpu.memory_space<vmem>>, vector<1x16xf32>,
        %get3A_319 = vector.shape_cast %get3A_318 : vector<1x16xf32> to vector<16xf32>
        %add3A_320 = arith.addf %get3A_319, %get3A_247 : vector<16xf32>
        %swap3A_321 = arith.index_cast %scan3A_286 : i32 to index
        %swap3A_322 = arith.constant 48 : index
        %swap3A_323 = tpu.vector_load %arg11[%swap3A_321, %swap3A_322] {strides = array<i32>} : memref<128x128xf32, #tpu.memory_space<vmem>>, vector<1x16xf32>,
        %swap3A_324 = vector.shape_cast %swap3A_323 : vector<1x16xf32> to vector<16xf32>
        %swap3A_325 = vector.shape_cast %add3A_320 : vector<16xf32> to vector<1x16xf32>
        tpu.vector_store %arg11[%swap3A_321, %swap3A_322], %swap3A_325 {strides = array<i32>} : memref<128x128xf32, #tpu.memory_space<vmem>>, vector<1x16xf32>,
        %get3A_326 = arith.index_cast %scan3A_286 : i32 to index
        %get3A_327 = arith.constant 64 : index
        %get3A_328 = tpu.vector_load %arg11[%get3A_326, %get3A_327] {strides = array<i32>} : memref<128x128xf32, #tpu.memory_space<vmem>>, vector<1x16xf32>,
        %get3A_329 = vector.shape_cast %get3A_328 : vector<1x16xf32> to vector<16xf32>
        %add3A_330 = arith.addf %get3A_329, %get3A_251 : vector<16xf32>
        %swap3A_331 = arith.index_cast %scan3A_286 : i32 to index
        %swap3A_332 = arith.constant 64 : index
        %swap3A_333 = tpu.vector_load %arg11[%swap3A_331, %swap3A_332] {strides = array<i32>} : memref<128x128xf32, #tpu.memory_space<vmem>>, vector<1x16xf32>,
        %swap3A_334 = vector.shape_cast %swap3A_333 : vector<1x16xf32> to vector<16xf32>
        %swap3A_335 = vector.shape_cast %add3A_330 : vector<16xf32> to vector<1x16xf32>
        tpu.vector_store %arg11[%swap3A_331, %swap3A_332], %swap3A_335 {strides = array<i32>} : memref<128x128xf32, #tpu.memory_space<vmem>>, vector<1x16xf32>,
        %get3A_336 = arith.index_cast %scan3A_286 : i32 to index
        %get3A_337 = arith.constant 80 : index
        %get3A_338 = tpu.vector_load %arg11[%get3A_336, %get3A_337] {strides = array<i32>} : memref<128x128xf32, #tpu.memory_space<vmem>>, vector<1x16xf32>,
        %get3A_339 = vector.shape_cast %get3A_338 : vector<1x16xf32> to vector<16xf32>
        %add3A_340 = arith.addf %get3A_339, %get3A_255 : vector<16xf32>
        %swap3A_341 = arith.index_cast %scan3A_286 : i32 to index
        %swap3A_342 = arith.constant 80 : index
        %swap3A_343 = tpu.vector_load %arg11[%swap3A_341, %swap3A_342] {strides = array<i32>} : memref<128x128xf32, #tpu.memory_space<vmem>>, vector<1x16xf32>,
        %swap3A_344 = vector.shape_cast %swap3A_343 : vector<1x16xf32> to vector<16xf32>
        %swap3A_345 = vector.shape_cast %add3A_340 : vector<16xf32> to vector<1x16xf32>
        tpu.vector_store %arg11[%swap3A_341, %swap3A_342], %swap3A_345 {strides = array<i32>} : memref<128x128xf32, #tpu.memory_space<vmem>>, vector<1x16xf32>,
        %get3A_346 = arith.index_cast %scan3A_286 : i32 to index
        %get3A_347 = arith.constant 96 : index
        %get3A_348 = tpu.vector_load %arg11[%get3A_346, %get3A_347] {strides = array<i32>} : memref<128x128xf32, #tpu.memory_space<vmem>>, vector<1x16xf32>,
        %get3A_349 = vector.shape_cast %get3A_348 : vector<1x16xf32> to vector<16xf32>
        %add3A_350 = arith.addf %get3A_349, %get3A_259 : vector<16xf32>
        %swap3A_351 = arith.index_cast %scan3A_286 : i32 to index
        %swap3A_352 = arith.constant 96 : index
        %swap3A_353 = tpu.vector_load %arg11[%swap3A_351, %swap3A_352] {strides = array<i32>} : memref<128x128xf32, #tpu.memory_space<vmem>>, vector<1x16xf32>,
        %swap3A_354 = vector.shape_cast %swap3A_353 : vector<1x16xf32> to vector<16xf32>
        %swap3A_355 = vector.shape_cast %add3A_350 : vector<16xf32> to vector<1x16xf32>
        tpu.vector_store %arg11[%swap3A_351, %swap3A_352], %swap3A_355 {strides = array<i32>} : memref<128x128xf32, #tpu.memory_space<vmem>>, vector<1x16xf32>,
        %get3A_356 = arith.index_cast %scan3A_286 : i32 to index
        %get3A_357 = arith.constant 112 : index
        %get3A_358 = tpu.vector_load %arg11[%get3A_356, %get3A_357] {strides = array<i32>} : memref<128x128xf32, #tpu.memory_space<vmem>>, vector<1x16xf32>,
        %get3A_359 = vector.shape_cast %get3A_358 : vector<1x16xf32> to vector<16xf32>
        %add3A_360 = arith.addf %get3A_359, %get3A_263 : vector<16xf32>
        %swap3A_361 = arith.index_cast %scan3A_286 : i32 to index
        %swap3A_362 = arith.constant 112 : index
        %swap3A_363 = tpu.vector_load %arg11[%swap3A_361, %swap3A_362] {strides = array<i32>} : memref<128x128xf32, #tpu.memory_space<vmem>>, vector<1x16xf32>,
        %swap3A_364 = vector.shape_cast %swap3A_363 : vector<1x16xf32> to vector<16xf32>
        %swap3A_365 = vector.shape_cast %add3A_360 : vector<16xf32> to vector<1x16xf32>
        tpu.vector_store %arg11[%swap3A_361, %swap3A_362], %swap3A_365 {strides = array<i32>} : memref<128x128xf32, #tpu.memory_space<vmem>>, vector<1x16xf32>,
        %scan3A_366 = arith.constant 1 : i32
        %scan3A_367 = arith.addi %scan3A_286, %scan3A_366 : i32
        %get3A_368 = arith.index_cast %scan3A_367 : i32 to index
        %get3A_369 = arith.constant 0 : index
        %get3A_370 = tpu.vector_load %arg11[%get3A_368, %get3A_369] {strides = array<i32>} : memref<128x128xf32, #tpu.memory_space<vmem>>, vector<1x16xf32>,
        %get3A_371 = vector.shape_cast %get3A_370 : vector<1x16xf32> to vector<16xf32>
        %add3A_372 = arith.addf %get3A_371, %get3A_235 : vector<16xf32>
        %swap3A_373 = arith.index_cast %scan3A_367 : i32 to index
        %swap3A_374 = arith.constant 0 : index
        %swap3A_375 = tpu.vector_load %arg11[%swap3A_373, %swap3A_374] {strides = array<i32>} : memref<128x128xf32, #tpu.memory_space<vmem>>, vector<1x16xf32>,
        %swap3A_376 = vector.shape_cast %swap3A_375 : vector<1x16xf32> to vector<16xf32>
        %swap3A_377 = vector.shape_cast %add3A_372 : vector<16xf32> to vector<1x16xf32>
        tpu.vector_store %arg11[%swap3A_373, %swap3A_374], %swap3A_377 {strides = array<i32>} : memref<128x128xf32, #tpu.memory_space<vmem>>, vector<1x16xf32>,
        %get3A_378 = arith.index_cast %scan3A_367 : i32 to index
        %get3A_379 = arith.constant 16 : index
        %get3A_380 = tpu.vector_load %arg11[%get3A_378, %get3A_379] {strides = array<i32>} : memref<128x128xf32, #tpu.memory_space<vmem>>, vector<1x16xf32>,
        %get3A_381 = vector.shape_cast %get3A_380 : vector<1x16xf32> to vector<16xf32>
        %add3A_382 = arith.addf %get3A_381, %get3A_239 : vector<16xf32>
        %swap3A_383 = arith.index_cast %scan3A_367 : i32 to index
        %swap3A_384 = arith.constant 16 : index
        %swap3A_385 = tpu.vector_load %arg11[%swap3A_383, %swap3A_384] {strides = array<i32>} : memref<128x128xf32, #tpu.memory_space<vmem>>, vector<1x16xf32>,
        %swap3A_386 = vector.shape_cast %swap3A_385 : vector<1x16xf32> to vector<16xf32>
        %swap3A_387 = vector.shape_cast %add3A_382 : vector<16xf32> to vector<1x16xf32>
        tpu.vector_store %arg11[%swap3A_383, %swap3A_384], %swap3A_387 {strides = array<i32>} : memref<128x128xf32, #tpu.memory_space<vmem>>, vector<1x16xf32>,
        %get3A_388 = arith.index_cast %scan3A_367 : i32 to index
        %get3A_389 = arith.constant 32 : index
        %get3A_390 = tpu.vector_load %arg11[%get3A_388, %get3A_389] {strides = array<i32>} : memref<128x128xf32, #tpu.memory_space<vmem>>, vector<1x16xf32>,
        %get3A_391 = vector.shape_cast %get3A_390 : vector<1x16xf32> to vector<16xf32>
        %add3A_392 = arith.addf %get3A_391, %get3A_243 : vector<16xf32>
        %swap3A_393 = arith.index_cast %scan3A_367 : i32 to index
        %swap3A_394 = arith.constant 32 : index
        %swap3A_395 = tpu.vector_load %arg11[%swap3A_393, %swap3A_394] {strides = array<i32>} : memref<128x128xf32, #tpu.memory_space<vmem>>, vector<1x16xf32>,
        %swap3A_396 = vector.shape_cast %swap3A_395 : vector<1x16xf32> to vector<16xf32>
        %swap3A_397 = vector.shape_cast %add3A_392 : vector<16xf32> to vector<1x16xf32>
        tpu.vector_store %arg11[%swap3A_393, %swap3A_394], %swap3A_397 {strides = array<i32>} : memref<128x128xf32, #tpu.memory_space<vmem>>, vector<1x16xf32>,
        %get3A_398 = arith.index_cast %scan3A_367 : i32 to index
        %get3A_399 = arith.constant 48 : index
        %get3A_400 = tpu.vector_load %arg11[%get3A_398, %get3A_399] {strides = array<i32>} : memref<128x128xf32, #tpu.memory_space<vmem>>, vector<1x16xf32>,
        %get3A_401 = vector.shape_cast %get3A_400 : vector<1x16xf32> to vector<16xf32>
        %add3A_402 = arith.addf %get3A_401, %get3A_247 : vector<16xf32>
        %swap3A_403 = arith.index_cast %scan3A_367 : i32 to index
        %swap3A_404 = arith.constant 48 : index
        %swap3A_405 = tpu.vector_load %arg11[%swap3A_403, %swap3A_404] {strides = array<i32>} : memref<128x128xf32, #tpu.memory_space<vmem>>, vector<1x16xf32>,
        %swap3A_406 = vector.shape_cast %swap3A_405 : vector<1x16xf32> to vector<16xf32>
        %swap3A_407 = vector.shape_cast %add3A_402 : vector<16xf32> to vector<1x16xf32>
        tpu.vector_store %arg11[%swap3A_403, %swap3A_404], %swap3A_407 {strides = array<i32>} : memref<128x128xf32, #tpu.memory_space<vmem>>, vector<1x16xf32>,
        %get3A_408 = arith.index_cast %scan3A_367 : i32 to index
        %get3A_409 = arith.constant 64 : index
        %get3A_410 = tpu.vector_load %arg11[%get3A_408, %get3A_409] {strides = array<i32>} : memref<128x128xf32, #tpu.memory_space<vmem>>, vector<1x16xf32>,
        %get3A_411 = vector.shape_cast %get3A_410 : vector<1x16xf32> to vector<16xf32>
        %add3A_412 = arith.addf %get3A_411, %get3A_251 : vector<16xf32>
        %swap3A_413 = arith.index_cast %scan3A_367 : i32 to index
        %swap3A_414 = arith.constant 64 : index
        %swap3A_415 = tpu.vector_load %arg11[%swap3A_413, %swap3A_414] {strides = array<i32>} : memref<128x128xf32, #tpu.memory_space<vmem>>, vector<1x16xf32>,
        %swap3A_416 = vector.shape_cast %swap3A_415 : vector<1x16xf32> to vector<16xf32>
        %swap3A_417 = vector.shape_cast %add3A_412 : vector<16xf32> to vector<1x16xf32>
        tpu.vector_store %arg11[%swap3A_413, %swap3A_414], %swap3A_417 {strides = array<i32>} : memref<128x128xf32, #tpu.memory_space<vmem>>, vector<1x16xf32>,
        %get3A_418 = arith.index_cast %scan3A_367 : i32 to index
        %get3A_419 = arith.constant 80 : index
        %get3A_420 = tpu.vector_load %arg11[%get3A_418, %get3A_419] {strides = array<i32>} : memref<128x128xf32, #tpu.memory_space<vmem>>, vector<1x16xf32>,
        %get3A_421 = vector.shape_cast %get3A_420 : vector<1x16xf32> to vector<16xf32>
        %add3A_422 = arith.addf %get3A_421, %get3A_255 : vector<16xf32>
        %swap3A_423 = arith.index_cast %scan3A_367 : i32 to index
        %swap3A_424 = arith.constant 80 : index
        %swap3A_425 = tpu.vector_load %arg11[%swap3A_423, %swap3A_424] {strides = array<i32>} : memref<128x128xf32, #tpu.memory_space<vmem>>, vector<1x16xf32>,
        %swap3A_426 = vector.shape_cast %swap3A_425 : vector<1x16xf32> to vector<16xf32>
        %swap3A_427 = vector.shape_cast %add3A_422 : vector<16xf32> to vector<1x16xf32>
        tpu.vector_store %arg11[%swap3A_423, %swap3A_424], %swap3A_427 {strides = array<i32>} : memref<128x128xf32, #tpu.memory_space<vmem>>, vector<1x16xf32>,
        %get3A_428 = arith.index_cast %scan3A_367 : i32 to index
        %get3A_429 = arith.constant 96 : index
        %get3A_430 = tpu.vector_load %arg11[%get3A_428, %get3A_429] {strides = array<i32>} : memref<128x128xf32, #tpu.memory_space<vmem>>, vector<1x16xf32>,
        %get3A_431 = vector.shape_cast %get3A_430 : vector<1x16xf32> to vector<16xf32>
        %add3A_432 = arith.addf %get3A_431, %get3A_259 : vector<16xf32>
        %swap3A_433 = arith.index_cast %scan3A_367 : i32 to index
        %swap3A_434 = arith.constant 96 : index
        %swap3A_435 = tpu.vector_load %arg11[%swap3A_433, %swap3A_434] {strides = array<i32>} : memref<128x128xf32, #tpu.memory_space<vmem>>, vector<1x16xf32>,
        %swap3A_436 = vector.shape_cast %swap3A_435 : vector<1x16xf32> to vector<16xf32>
        %swap3A_437 = vector.shape_cast %add3A_432 : vector<16xf32> to vector<1x16xf32>
        tpu.vector_store %arg11[%swap3A_433, %swap3A_434], %swap3A_437 {strides = array<i32>} : memref<128x128xf32, #tpu.memory_space<vmem>>, vector<1x16xf32>,
        %get3A_438 = arith.index_cast %scan3A_367 : i32 to index
        %get3A_439 = arith.constant 112 : index
        %get3A_440 = tpu.vector_load %arg11[%get3A_438, %get3A_439] {strides = array<i32>} : memref<128x128xf32, #tpu.memory_space<vmem>>, vector<1x16xf32>,
        %get3A_441 = vector.shape_cast %get3A_440 : vector<1x16xf32> to vector<16xf32>
        %add3A_442 = arith.addf %get3A_441, %get3A_263 : vector<16xf32>
        %swap3A_443 = arith.index_cast %scan3A_367 : i32 to index
        %swap3A_444 = arith.constant 112 : index
        %swap3A_445 = tpu.vector_load %arg11[%swap3A_443, %swap3A_444] {strides = array<i32>} : memref<128x128xf32, #tpu.memory_space<vmem>>, vector<1x16xf32>,
        %swap3A_446 = vector.shape_cast %swap3A_445 : vector<1x16xf32> to vector<16xf32>
        %swap3A_447 = vector.shape_cast %add3A_442 : vector<16xf32> to vector<1x16xf32>
        tpu.vector_store %arg11[%swap3A_443, %swap3A_444], %swap3A_447 {strides = array<i32>} : memref<128x128xf32, #tpu.memory_space<vmem>>, vector<1x16xf32>,
        %scan3A_448 = arith.constant 2 : i32
        %scan3A_449 = arith.addi %scan3A_286, %scan3A_448 : i32
        %get3A_450 = arith.index_cast %scan3A_449 : i32 to index
        %get3A_451 = arith.constant 0 : index
        %get3A_452 = tpu.vector_load %arg11[%get3A_450, %get3A_451] {strides = array<i32>} : memref<128x128xf32, #tpu.memory_space<vmem>>, vector<1x16xf32>,
        %get3A_453 = vector.shape_cast %get3A_452 : vector<1x16xf32> to vector<16xf32>
        %add3A_454 = arith.addf %get3A_453, %get3A_235 : vector<16xf32>
        %swap3A_455 = arith.index_cast %scan3A_449 : i32 to index
        %swap3A_456 = arith.constant 0 : index
        %swap3A_457 = tpu.vector_load %arg11[%swap3A_455, %swap3A_456] {strides = array<i32>} : memref<128x128xf32, #tpu.memory_space<vmem>>, vector<1x16xf32>,
        %swap3A_458 = vector.shape_cast %swap3A_457 : vector<1x16xf32> to vector<16xf32>
        %swap3A_459 = vector.shape_cast %add3A_454 : vector<16xf32> to vector<1x16xf32>
        tpu.vector_store %arg11[%swap3A_455, %swap3A_456], %swap3A_459 {strides = array<i32>} : memref<128x128xf32, #tpu.memory_space<vmem>>, vector<1x16xf32>,
        %get3A_460 = arith.index_cast %scan3A_449 : i32 to index
        %get3A_461 = arith.constant 16 : index
        %get3A_462 = tpu.vector_load %arg11[%get3A_460, %get3A_461] {strides = array<i32>} : memref<128x128xf32, #tpu.memory_space<vmem>>, vector<1x16xf32>,
        %get3A_463 = vector.shape_cast %get3A_462 : vector<1x16xf32> to vector<16xf32>
        %add3A_464 = arith.addf %get3A_463, %get3A_239 : vector<16xf32>
        %swap3A_465 = arith.index_cast %scan3A_449 : i32 to index
        %swap3A_466 = arith.constant 16 : index
        %swap3A_467 = tpu.vector_load %arg11[%swap3A_465, %swap3A_466] {strides = array<i32>} : memref<128x128xf32, #tpu.memory_space<vmem>>, vector<1x16xf32>,
        %swap3A_468 = vector.shape_cast %swap3A_467 : vector<1x16xf32> to vector<16xf32>
        %swap3A_469 = vector.shape_cast %add3A_464 : vector<16xf32> to vector<1x16xf32>
        tpu.vector_store %arg11[%swap3A_465, %swap3A_466], %swap3A_469 {strides = array<i32>} : memref<128x128xf32, #tpu.memory_space<vmem>>, vector<1x16xf32>,
        %get3A_470 = arith.index_cast %scan3A_449 : i32 to index
        %get3A_471 = arith.constant 32 : index
        %get3A_472 = tpu.vector_load %arg11[%get3A_470, %get3A_471] {strides = array<i32>} : memref<128x128xf32, #tpu.memory_space<vmem>>, vector<1x16xf32>,
        %get3A_473 = vector.shape_cast %get3A_472 : vector<1x16xf32> to vector<16xf32>
        %add3A_474 = arith.addf %get3A_473, %get3A_243 : vector<16xf32>
        %swap3A_475 = arith.index_cast %scan3A_449 : i32 to index
        %swap3A_476 = arith.constant 32 : index
        %swap3A_477 = tpu.vector_load %arg11[%swap3A_475, %swap3A_476] {strides = array<i32>} : memref<128x128xf32, #tpu.memory_space<vmem>>, vector<1x16xf32>,
        %swap3A_478 = vector.shape_cast %swap3A_477 : vector<1x16xf32> to vector<16xf32>
        %swap3A_479 = vector.shape_cast %add3A_474 : vector<16xf32> to vector<1x16xf32>
        tpu.vector_store %arg11[%swap3A_475, %swap3A_476], %swap3A_479 {strides = array<i32>} : memref<128x128xf32, #tpu.memory_space<vmem>>, vector<1x16xf32>,
        %get3A_480 = arith.index_cast %scan3A_449 : i32 to index
        %get3A_481 = arith.constant 48 : index
        %get3A_482 = tpu.vector_load %arg11[%get3A_480, %get3A_481] {strides = array<i32>} : memref<128x128xf32, #tpu.memory_space<vmem>>, vector<1x16xf32>,
        %get3A_483 = vector.shape_cast %get3A_482 : vector<1x16xf32> to vector<16xf32>
        %add3A_484 = arith.addf %get3A_483, %get3A_247 : vector<16xf32>
        %swap3A_485 = arith.index_cast %scan3A_449 : i32 to index
        %swap3A_486 = arith.constant 48 : index
        %swap3A_487 = tpu.vector_load %arg11[%swap3A_485, %swap3A_486] {strides = array<i32>} : memref<128x128xf32, #tpu.memory_space<vmem>>, vector<1x16xf32>,
        %swap3A_488 = vector.shape_cast %swap3A_487 : vector<1x16xf32> to vector<16xf32>
        %swap3A_489 = vector.shape_cast %add3A_484 : vector<16xf32> to vector<1x16xf32>
        tpu.vector_store %arg11[%swap3A_485, %swap3A_486], %swap3A_489 {strides = array<i32>} : memref<128x128xf32, #tpu.memory_space<vmem>>, vector<1x16xf32>,
        %get3A_490 = arith.index_cast %scan3A_449 : i32 to index
        %get3A_491 = arith.constant 64 : index
        %get3A_492 = tpu.vector_load %arg11[%get3A_490, %get3A_491] {strides = array<i32>} : memref<128x128xf32, #tpu.memory_space<vmem>>, vector<1x16xf32>,
        %get3A_493 = vector.shape_cast %get3A_492 : vector<1x16xf32> to vector<16xf32>
        %add3A_494 = arith.addf %get3A_493, %get3A_251 : vector<16xf32>
        %swap3A_495 = arith.index_cast %scan3A_449 : i32 to index
        %swap3A_496 = arith.constant 64 : index
        %swap3A_497 = tpu.vector_load %arg11[%swap3A_495, %swap3A_496] {strides = array<i32>} : memref<128x128xf32, #tpu.memory_space<vmem>>, vector<1x16xf32>,
        %swap3A_498 = vector.shape_cast %swap3A_497 : vector<1x16xf32> to vector<16xf32>
        %swap3A_499 = vector.shape_cast %add3A_494 : vector<16xf32> to vector<1x16xf32>
        tpu.vector_store %arg11[%swap3A_495, %swap3A_496], %swap3A_499 {strides = array<i32>} : memref<128x128xf32, #tpu.memory_space<vmem>>, vector<1x16xf32>,
        %get3A_500 = arith.index_cast %scan3A_449 : i32 to index
        %get3A_501 = arith.constant 80 : index
        %get3A_502 = tpu.vector_load %arg11[%get3A_500, %get3A_501] {strides = array<i32>} : memref<128x128xf32, #tpu.memory_space<vmem>>, vector<1x16xf32>,
        %get3A_503 = vector.shape_cast %get3A_502 : vector<1x16xf32> to vector<16xf32>
        %add3A_504 = arith.addf %get3A_503, %get3A_255 : vector<16xf32>
        %swap3A_505 = arith.index_cast %scan3A_449 : i32 to index
        %swap3A_506 = arith.constant 80 : index
        %swap3A_507 = tpu.vector_load %arg11[%swap3A_505, %swap3A_506] {strides = array<i32>} : memref<128x128xf32, #tpu.memory_space<vmem>>, vector<1x16xf32>,
        %swap3A_508 = vector.shape_cast %swap3A_507 : vector<1x16xf32> to vector<16xf32>
        %swap3A_509 = vector.shape_cast %add3A_504 : vector<16xf32> to vector<1x16xf32>
        tpu.vector_store %arg11[%swap3A_505, %swap3A_506], %swap3A_509 {strides = array<i32>} : memref<128x128xf32, #tpu.memory_space<vmem>>, vector<1x16xf32>,
        %get3A_510 = arith.index_cast %scan3A_449 : i32 to index
        %get3A_511 = arith.constant 96 : index
        %get3A_512 = tpu.vector_load %arg11[%get3A_510, %get3A_511] {strides = array<i32>} : memref<128x128xf32, #tpu.memory_space<vmem>>, vector<1x16xf32>,
        %get3A_513 = vector.shape_cast %get3A_512 : vector<1x16xf32> to vector<16xf32>
        %add3A_514 = arith.addf %get3A_513, %get3A_259 : vector<16xf32>
        %swap3A_515 = arith.index_cast %scan3A_449 : i32 to index
        %swap3A_516 = arith.constant 96 : index
        %swap3A_517 = tpu.vector_load %arg11[%swap3A_515, %swap3A_516] {strides = array<i32>} : memref<128x128xf32, #tpu.memory_space<vmem>>, vector<1x16xf32>,
        %swap3A_518 = vector.shape_cast %swap3A_517 : vector<1x16xf32> to vector<16xf32>
        %swap3A_519 = vector.shape_cast %add3A_514 : vector<16xf32> to vector<1x16xf32>
        tpu.vector_store %arg11[%swap3A_515, %swap3A_516], %swap3A_519 {strides = array<i32>} : memref<128x128xf32, #tpu.memory_space<vmem>>, vector<1x16xf32>,
        %get3A_520 = arith.index_cast %scan3A_449 : i32 to index
        %get3A_521 = arith.constant 112 : index
        %get3A_522 = tpu.vector_load %arg11[%get3A_520, %get3A_521] {strides = array<i32>} : memref<128x128xf32, #tpu.memory_space<vmem>>, vector<1x16xf32>,
        %get3A_523 = vector.shape_cast %get3A_522 : vector<1x16xf32> to vector<16xf32>
        %add3A_524 = arith.addf %get3A_523, %get3A_263 : vector<16xf32>
        %swap3A_525 = arith.index_cast %scan3A_449 : i32 to index
        %swap3A_526 = arith.constant 112 : index
        %swap3A_527 = tpu.vector_load %arg11[%swap3A_525, %swap3A_526] {strides = array<i32>} : memref<128x128xf32, #tpu.memory_space<vmem>>, vector<1x16xf32>,
        %swap3A_528 = vector.shape_cast %swap3A_527 : vector<1x16xf32> to vector<16xf32>
        %swap3A_529 = vector.shape_cast %add3A_524 : vector<16xf32> to vector<1x16xf32>
        tpu.vector_store %arg11[%swap3A_525, %swap3A_526], %swap3A_529 {strides = array<i32>} : memref<128x128xf32, #tpu.memory_space<vmem>>, vector<1x16xf32>,
        %scan3A_530 = arith.constant 3 : i32
        %scan3A_531 = arith.addi %scan3A_286, %scan3A_530 : i32
        %get3A_532 = arith.index_cast %scan3A_531 : i32 to index
        %get3A_533 = arith.constant 0 : index
        %get3A_534 = tpu.vector_load %arg11[%get3A_532, %get3A_533] {strides = array<i32>} : memref<128x128xf32, #tpu.memory_space<vmem>>, vector<1x16xf32>,
        %get3A_535 = vector.shape_cast %get3A_534 : vector<1x16xf32> to vector<16xf32>
        %add3A_536 = arith.addf %get3A_535, %get3A_235 : vector<16xf32>
        %swap3A_537 = arith.index_cast %scan3A_531 : i32 to index
        %swap3A_538 = arith.constant 0 : index
        %swap3A_539 = tpu.vector_load %arg11[%swap3A_537, %swap3A_538] {strides = array<i32>} : memref<128x128xf32, #tpu.memory_space<vmem>>, vector<1x16xf32>,
        %swap3A_540 = vector.shape_cast %swap3A_539 : vector<1x16xf32> to vector<16xf32>
        %swap3A_541 = vector.shape_cast %add3A_536 : vector<16xf32> to vector<1x16xf32>
        tpu.vector_store %arg11[%swap3A_537, %swap3A_538], %swap3A_541 {strides = array<i32>} : memref<128x128xf32, #tpu.memory_space<vmem>>, vector<1x16xf32>,
        %get3A_542 = arith.index_cast %scan3A_531 : i32 to index
        %get3A_543 = arith.constant 16 : index
        %get3A_544 = tpu.vector_load %arg11[%get3A_542, %get3A_543] {strides = array<i32>} : memref<128x128xf32, #tpu.memory_space<vmem>>, vector<1x16xf32>,
        %get3A_545 = vector.shape_cast %get3A_544 : vector<1x16xf32> to vector<16xf32>
        %add3A_546 = arith.addf %get3A_545, %get3A_239 : vector<16xf32>
        %swap3A_547 = arith.index_cast %scan3A_531 : i32 to index
        %swap3A_548 = arith.constant 16 : index
        %swap3A_549 = tpu.vector_load %arg11[%swap3A_547, %swap3A_548] {strides = array<i32>} : memref<128x128xf32, #tpu.memory_space<vmem>>, vector<1x16xf32>,
        %swap3A_550 = vector.shape_cast %swap3A_549 : vector<1x16xf32> to vector<16xf32>
        %swap3A_551 = vector.shape_cast %add3A_546 : vector<16xf32> to vector<1x16xf32>
        tpu.vector_store %arg11[%swap3A_547, %swap3A_548], %swap3A_551 {strides = array<i32>} : memref<128x128xf32, #tpu.memory_space<vmem>>, vector<1x16xf32>,
        %get3A_552 = arith.index_cast %scan3A_531 : i32 to index
        %get3A_553 = arith.constant 32 : index
        %get3A_554 = tpu.vector_load %arg11[%get3A_552, %get3A_553] {strides = array<i32>} : memref<128x128xf32, #tpu.memory_space<vmem>>, vector<1x16xf32>,
        %get3A_555 = vector.shape_cast %get3A_554 : vector<1x16xf32> to vector<16xf32>
        %add3A_556 = arith.addf %get3A_555, %get3A_243 : vector<16xf32>
        %swap3A_557 = arith.index_cast %scan3A_531 : i32 to index
        %swap3A_558 = arith.constant 32 : index
        %swap3A_559 = tpu.vector_load %arg11[%swap3A_557, %swap3A_558] {strides = array<i32>} : memref<128x128xf32, #tpu.memory_space<vmem>>, vector<1x16xf32>,
        %swap3A_560 = vector.shape_cast %swap3A_559 : vector<1x16xf32> to vector<16xf32>
        %swap3A_561 = vector.shape_cast %add3A_556 : vector<16xf32> to vector<1x16xf32>
        tpu.vector_store %arg11[%swap3A_557, %swap3A_558], %swap3A_561 {strides = array<i32>} : memref<128x128xf32, #tpu.memory_space<vmem>>, vector<1x16xf32>,
        %get3A_562 = arith.index_cast %scan3A_531 : i32 to index
        %get3A_563 = arith.constant 48 : index
        %get3A_564 = tpu.vector_load %arg11[%get3A_562, %get3A_563] {strides = array<i32>} : memref<128x128xf32, #tpu.memory_space<vmem>>, vector<1x16xf32>,
        %get3A_565 = vector.shape_cast %get3A_564 : vector<1x16xf32> to vector<16xf32>
        %add3A_566 = arith.addf %get3A_565, %get3A_247 : vector<16xf32>
        %swap3A_567 = arith.index_cast %scan3A_531 : i32 to index
        %swap3A_568 = arith.constant 48 : index
        %swap3A_569 = tpu.vector_load %arg11[%swap3A_567, %swap3A_568] {strides = array<i32>} : memref<128x128xf32, #tpu.memory_space<vmem>>, vector<1x16xf32>,
        %swap3A_570 = vector.shape_cast %swap3A_569 : vector<1x16xf32> to vector<16xf32>
        %swap3A_571 = vector.shape_cast %add3A_566 : vector<16xf32> to vector<1x16xf32>
        tpu.vector_store %arg11[%swap3A_567, %swap3A_568], %swap3A_571 {strides = array<i32>} : memref<128x128xf32, #tpu.memory_space<vmem>>, vector<1x16xf32>,
        %get3A_572 = arith.index_cast %scan3A_531 : i32 to index
        %get3A_573 = arith.constant 64 : index
        %get3A_574 = tpu.vector_load %arg11[%get3A_572, %get3A_573] {strides = array<i32>} : memref<128x128xf32, #tpu.memory_space<vmem>>, vector<1x16xf32>,
        %get3A_575 = vector.shape_cast %get3A_574 : vector<1x16xf32> to vector<16xf32>
        %add3A_576 = arith.addf %get3A_575, %get3A_251 : vector<16xf32>
        %swap3A_577 = arith.index_cast %scan3A_531 : i32 to index
        %swap3A_578 = arith.constant 64 : index
        %swap3A_579 = tpu.vector_load %arg11[%swap3A_577, %swap3A_578] {strides = array<i32>} : memref<128x128xf32, #tpu.memory_space<vmem>>, vector<1x16xf32>,
        %swap3A_580 = vector.shape_cast %swap3A_579 : vector<1x16xf32> to vector<16xf32>
        %swap3A_581 = vector.shape_cast %add3A_576 : vector<16xf32> to vector<1x16xf32>
        tpu.vector_store %arg11[%swap3A_577, %swap3A_578], %swap3A_581 {strides = array<i32>} : memref<128x128xf32, #tpu.memory_space<vmem>>, vector<1x16xf32>,
        %get3A_582 = arith.index_cast %scan3A_531 : i32 to index
        %get3A_583 = arith.constant 80 : index
        %get3A_584 = tpu.vector_load %arg11[%get3A_582, %get3A_583] {strides = array<i32>} : memref<128x128xf32, #tpu.memory_space<vmem>>, vector<1x16xf32>,
        %get3A_585 = vector.shape_cast %get3A_584 : vector<1x16xf32> to vector<16xf32>
        %add3A_586 = arith.addf %get3A_585, %get3A_255 : vector<16xf32>
        %swap3A_587 = arith.index_cast %scan3A_531 : i32 to index
        %swap3A_588 = arith.constant 80 : index
        %swap3A_589 = tpu.vector_load %arg11[%swap3A_587, %swap3A_588] {strides = array<i32>} : memref<128x128xf32, #tpu.memory_space<vmem>>, vector<1x16xf32>,
        %swap3A_590 = vector.shape_cast %swap3A_589 : vector<1x16xf32> to vector<16xf32>
        %swap3A_591 = vector.shape_cast %add3A_586 : vector<16xf32> to vector<1x16xf32>
        tpu.vector_store %arg11[%swap3A_587, %swap3A_588], %swap3A_591 {strides = array<i32>} : memref<128x128xf32, #tpu.memory_space<vmem>>, vector<1x16xf32>,
        %get3A_592 = arith.index_cast %scan3A_531 : i32 to index
        %get3A_593 = arith.constant 96 : index
        %get3A_594 = tpu.vector_load %arg11[%get3A_592, %get3A_593] {strides = array<i32>} : memref<128x128xf32, #tpu.memory_space<vmem>>, vector<1x16xf32>,
        %get3A_595 = vector.shape_cast %get3A_594 : vector<1x16xf32> to vector<16xf32>
        %add3A_596 = arith.addf %get3A_595, %get3A_259 : vector<16xf32>
        %swap3A_597 = arith.index_cast %scan3A_531 : i32 to index
        %swap3A_598 = arith.constant 96 : index
        %swap3A_599 = tpu.vector_load %arg11[%swap3A_597, %swap3A_598] {strides = array<i32>} : memref<128x128xf32, #tpu.memory_space<vmem>>, vector<1x16xf32>,
        %swap3A_600 = vector.shape_cast %swap3A_599 : vector<1x16xf32> to vector<16xf32>
        %swap3A_601 = vector.shape_cast %add3A_596 : vector<16xf32> to vector<1x16xf32>
        tpu.vector_store %arg11[%swap3A_597, %swap3A_598], %swap3A_601 {strides = array<i32>} : memref<128x128xf32, #tpu.memory_space<vmem>>, vector<1x16xf32>,
        %get3A_602 = arith.index_cast %scan3A_531 : i32 to index
        %get3A_603 = arith.constant 112 : index
        %get3A_604 = tpu.vector_load %arg11[%get3A_602, %get3A_603] {strides = array<i32>} : memref<128x128xf32, #tpu.memory_space<vmem>>, vector<1x16xf32>,
        %get3A_605 = vector.shape_cast %get3A_604 : vector<1x16xf32> to vector<16xf32>
        %add3A_606 = arith.addf %get3A_605, %get3A_263 : vector<16xf32>
        %swap3A_607 = arith.index_cast %scan3A_531 : i32 to index
        %swap3A_608 = arith.constant 112 : index
        %swap3A_609 = tpu.vector_load %arg11[%swap3A_607, %swap3A_608] {strides = array<i32>} : memref<128x128xf32, #tpu.memory_space<vmem>>, vector<1x16xf32>,
        %swap3A_610 = vector.shape_cast %swap3A_609 : vector<1x16xf32> to vector<16xf32>
        %swap3A_611 = vector.shape_cast %add3A_606 : vector<16xf32> to vector<1x16xf32>
        tpu.vector_store %arg11[%swap3A_607, %swap3A_608], %swap3A_611 {strides = array<i32>} : memref<128x128xf32, #tpu.memory_space<vmem>>, vector<1x16xf32>,
      }
      %scan3A_269 = arith.constant 128 : i32
      %dma_start3A_270 = arith.constant 0 : i32
      %dma_start3A_271 = tpu.memref_slice %arg5[%mul3A_2, %add3A_225, %dma_start3A_270] : memref<4096x200x128xf32, #tpu.memory_space<hbm>> -> memref<128x1x128xf32, #tpu.memory_space<hbm>>
      %dma_start3A_272 = tpu.memref_squeeze %dma_start3A_271 : memref<128x1x128xf32, #tpu.memory_space<hbm>> -> memref<128x128xf32, #tpu.memory_space<hbm>>
      %dma_start3A_273 = arith.constant 0 : i32
      %dma_start3A_274 = tpu.memref_slice %arg5[%mul3A_2, %add3A_225, %dma_start3A_273] : memref<4096x200x128xf32, #tpu.memory_space<hbm>> -> memref<128x1x128xf32, #tpu.memory_space<hbm>>
      %dma_start3A_275 = tpu.memref_squeeze %dma_start3A_274 : memref<128x1x128xf32, #tpu.memory_space<hbm>> -> memref<128x128xf32, #tpu.memory_space<hbm>>
      tpu.enqueue_dma source(%arg11 : memref<128x128xf32, #tpu.memory_space<vmem>>) target(%dma_start3A_275 : memref<128x128xf32, #tpu.memory_space<hbm>>) target_semaphore(%arg19 : memref<!tpu.dma_semaphore, #tpu.memory_space<semaphore_mem>>)
      %ge3A_276 = arith.constant 2 : i32
      %ge3A_277 = arith.cmpi sge, %add3A_225, %ge3A_276 : i32
      %convert_element_type3A_278 = arith.extui %ge3A_277 : i1 to i32
      %cond3A_279 = arith.constant 0 : i32
      %cond3A_280 = arith.cmpi ne, %convert_element_type3A_278, %cond3A_279 : i32
      scf.if %cond3A_280 {
        %sub3A = arith.constant 2 : i32
        %sub3A_286 = arith.subi %add3A_225, %sub3A : i32
        %dma_wait3A_287 = arith.constant 0 : i32
        %dma_wait3A_288 = tpu.memref_slice %arg5[%mul3A_2, %sub3A_286, %dma_wait3A_287] : memref<4096x200x128xf32, #tpu.memory_space<hbm>> -> memref<128x1x128xf32, #tpu.memory_space<hbm>>
        %dma_wait3A_289 = tpu.memref_squeeze %dma_wait3A_288 : memref<128x1x128xf32, #tpu.memory_space<hbm>> -> memref<128x128xf32, #tpu.memory_space<hbm>>
        %dma_wait3A_290 = arith.constant 0 : i32
        %dma_wait3A_291 = tpu.memref_slice %arg5[%mul3A_2, %sub3A_286, %dma_wait3A_290] : memref<4096x200x128xf32, #tpu.memory_space<hbm>> -> memref<128x1x128xf32, #tpu.memory_space<hbm>>
        %dma_wait3A_292 = tpu.memref_squeeze %dma_wait3A_291 : memref<128x1x128xf32, #tpu.memory_space<hbm>> -> memref<128x128xf32, #tpu.memory_space<hbm>>
        tpu.wait_dma2 semaphore(%arg17 : memref<!tpu.dma_semaphore, #tpu.memory_space<semaphore_mem>>) src(%arg9 : memref<128x128xf32, #tpu.memory_space<vmem>>) dst(%dma_wait3A_292 : memref<128x128xf32, #tpu.memory_space<hbm>>)
      } else {
      }
      %lt3A_281 = arith.constant 198 : i32
      %lt3A_282 = arith.cmpi slt, %add3A_225, %lt3A_281 : i32
      %convert_element_type3A_283 = arith.extui %lt3A_282 : i1 to i32
      %cond3A_284 = arith.constant 0 : i32
      %cond3A_285 = arith.cmpi ne, %convert_element_type3A_283, %cond3A_284 : i32
      scf.if %cond3A_285 {
        %add3A_286 = arith.constant 2 : i32
        %add3A_287 = arith.addi %add3A_225, %add3A_286 : i32
        %dma_start3A_288 = arith.constant 0 : i32
        %dma_start3A_289 = tpu.memref_slice %arg6[%add3A_287, %dma_start3A_288] : memref<200x128xi32, #tpu.memory_space<vmem>> -> memref<1x128xi32, #tpu.memory_space<vmem>>
        %dma_start3A_290 = tpu.memref_squeeze %dma_start3A_289 : memref<1x128xi32, #tpu.memory_space<vmem>> -> memref<128xi32, #tpu.memory_space<vmem>>
        %dma_start3A_291 = arith.constant 0 : i32
        %dma_start3A_292 = arith.constant 0 : i32
        %dma_start3A_293 = tpu.memref_slice %arg3[%dma_start3A_291, %dma_start3A_292] : memref<100000x128xf32, #tpu.memory_space<hbm>> -> memref<100000x128xf32, #tpu.memory_space<hbm>>
        tpu.enqueue_indirect_dma source(%dma_start3A_293 : memref<100000x128xf32, #tpu.memory_space<hbm>>) target(%arg9 : memref<128x128xf32, #tpu.memory_space<vmem>>) offsets(%dma_start3A_290 : memref<128xi32, #tpu.memory_space<vmem>>) semaphore(%arg13 : memref<!tpu.dma_semaphore, #tpu.memory_space<semaphore_mem>>)
      } else {
      }
    }
    %scan3A_20 = arith.constant 50 : i32
    %dma_wait3A = arith.constant 198 : i32
    %dma_wait3A_21 = arith.constant 0 : i32
    %dma_wait3A_22 = tpu.memref_slice %arg5[%mul3A_2, %dma_wait3A, %dma_wait3A_21] : memref<4096x200x128xf32, #tpu.memory_space<hbm>> -> memref<128x1x128xf32, #tpu.memory_space<hbm>>
    %dma_wait3A_23 = tpu.memref_squeeze %dma_wait3A_22 : memref<128x1x128xf32, #tpu.memory_space<hbm>> -> memref<128x128xf32, #tpu.memory_space<hbm>>
    %dma_wait3A_24 = arith.constant 0 : i32
    %dma_wait3A_25 = tpu.memref_slice %arg5[%mul3A_2, %dma_wait3A, %dma_wait3A_24] : memref<4096x200x128xf32, #tpu.memory_space<hbm>> -> memref<128x1x128xf32, #tpu.memory_space<hbm>>
    %dma_wait3A_26 = tpu.memref_squeeze %dma_wait3A_25 : memref<128x1x128xf32, #tpu.memory_space<hbm>> -> memref<128x128xf32, #tpu.memory_space<hbm>>
    tpu.wait_dma2 semaphore(%arg18 : memref<!tpu.dma_semaphore, #tpu.memory_space<semaphore_mem>>) src(%arg10 : memref<128x128xf32, #tpu.memory_space<vmem>>) dst(%dma_wait3A_26 : memref<128x128xf32, #tpu.memory_space<hbm>>)
    %dma_wait3A_27 = arith.constant 199 : i32
    %dma_wait3A_28 = arith.constant 0 : i32
    %dma_wait3A_29 = tpu.memref_slice %arg5[%mul3A_2, %dma_wait3A_27, %dma_wait3A_28] : memref<4096x200x128xf32, #tpu.memory_space<hbm>> -> memref<128x1x128xf32, #tpu.memory_space<hbm>>
    %dma_wait3A_30 = tpu.memref_squeeze %dma_wait3A_29 : memref<128x1x128xf32, #tpu.memory_space<hbm>> -> memref<128x128xf32, #tpu.memory_space<hbm>>
    %dma_wait3A_31 = arith.constant 0 : i32
    %dma_wait3A_32 = tpu.memref_slice %arg5[%mul3A_2, %dma_wait3A_27, %dma_wait3A_31] : memref<4096x200x128xf32, #tpu.memory_space<hbm>> -> memref<128x1x128xf32, #tpu.memory_space<hbm>>
    %dma_wait3A_33 = tpu.memref_squeeze %dma_wait3A_32 : memref<128x1x128xf32, #tpu.memory_space<hbm>> -> memref<128x128xf32, #tpu.memory_space<hbm>>
    tpu.wait_dma2 semaphore(%arg19 : memref<!tpu.dma_semaphore, #tpu.memory_space<semaphore_mem>>) src(%arg11 : memref<128x128xf32, #tpu.memory_space<vmem>>) dst(%dma_wait3A_33 : memref<128x128xf32, #tpu.memory_space<hbm>>)
    return
  }
}

</mosaic_0001>

<sc_bundles>
// kernel: _run.3.cloned.1.call-start
scs
__scs_entry_jumppad:
0x0: {  	(pc) =	sbr.rel $0x88, $3  }
0x1: {  	(tag) =	ssettag $0x0;
	lr =	simm.s32 $0x1  }
0x2: {  	[smem:$0x3F9E] =	sst lr;
	_ =	strace $0xD0000000  }
0x3: {  	_ = 	snop  }
0x4: {  	_ = 	snop  }
0x5: {  	_ = 	snop  }
0x6: {  	_ = 	snop  }
0x7: {  	_ = 	snop  }
__scs_overlays_trampoline_lowered:
0x8: {  	[smem:$0x3FAD] =	sst s0  }
0x9: {  	[smem:$0x3FAE] =	sst s1  }
0xa: {  	[smem:$0x3FAF] =	sst s2  }
0xb: {  	[smem:$0x3FB0] =	sst s3  }
0xc: {  	[smem:$0x3FB1] =	sst s4  }
0xd: {  	[smem:$0x3FB2] =	sst s5  }
0xe: {  	[smem:$0x3FB3] =	sst s6  }
0xf: {  	[smem:$0x3FB4] =	sst s7  }
0x10: {  	[smem:$0x3FB5] =	sst s8  }
0x11: {  	[smem:$0x3FB6] =	sst s9;
	s0 =	simm.s32 @!p0 $0x0  }
0x12: {  	s1 =	sld [smem:$0x3F9C];
	s0 =	simm.s32 @p0 $0x1  }
0x13: {  	[smem:$0x3FB7] =	sst s0;
	s0 =	simm.s32 @!p1 $0x0  }
0x14: {  	s2 =	sld [smem:$0x3F9B];
	s0 =	simm.s32 @p1 $0x1  }
0x15: {  	[smem:$0x3FB8] =	sst s0;
	s0 =	simm.s32 @!p2 $0x0  }
0x16: {  	s3 =	sld [smem:$0x3FDB];
	s0 =	simm.s32 @p2 $0x1  }
0x17: {  	s4 =	simm.s32 $0x1BF5;
	[smem:$0x3FBA] =	sst s0  }
0x18: {  	s0 =	sld [smem:$0x3F9D];
	_ =	swait.ge [sflag:s4], $0x0  }
0x19: {  	s7 =	sld [smem:$0x3F9E]  }
0x1a: {  	s8 =	sadd.s32 $0xFFFFE003, lr  }
0x1b: {  	s9 =	sadd.s32 $0xFFFFFEF7, lr;
	s5 =	simm.s32 $0xFFFFFFFF;
	p2 =	slt.u32 s8, $0xFFFFF086  }
0x1c: {  	p1 =	slt.u32 s9, $0xF7A;
	s5 =	simm.s32 @!p2 $0x0  }
0x1d: {  	s5 =	simm.s32 @p1 $0x1;
	p0 =	seq.s32 s7, s2  }
0x1e: {  	s7 =	smul.u32 @!p0 $0xF7A, s2;
	p2 =	seq.s32 @!p0 s5, $0x0  }
0x1f: {  	s9 =	smul.u32 $0xF7A, s1;
	s8 =	simm.s32 @!p0 $0x1BF5;
	p2 =	por !p2, p0  }
0x20: {  	[sflag:s8] =	ssyncset.s32 @!p0 $0xFFFFF086;
	s6 =	sadd.s32 @!p0 s3, s7;
	s7 =	simm.s32 @!p0 $0x108  }
0x21: {  	s3 =	sadd.s32 s3, s9;
	s6 =	sadd.s32 @!p0 $0x88, s6;
	s7 =	simm.s32 @p2 $0x1082  }
0x22: {  	[simem:s7], [sflag:s8] =	dma.local @!p0 [hbm:s6], $0xF7A  }
0x23: {  	s9 =	sor.u32 $0xD0000000, s2;
	s6 =	simm.s32 $0x108;
	_ =	swait.ge @!p0 [sflag:s8], $0x0  }
0x24: {  	s3 =	sadd.s32 $0x88, s3;
	s6 =	simm.s32 @!p1 $0x1082;
	[sflag:s4] =	ssyncset.s32 $0xFFFFF086  }
0x25: {  	[simem:s6], [sflag:s4] =	dma.local [hbm:s3], $0xF7A  }
0x26: {  	[smem:$0x3F9E] =	sst s1;
	(tag) =	ssettag s2;
	_ =	strace s9  }
0x27: {  	s1 =	sld [smem:$0x3FAE]  }
0x28: {  	s2 =	sld [smem:$0x3FAF]  }
0x29: {  	s4 =	sld [smem:$0x3FB1]  }
0x2a: {  	p0 =	seq.s32 s5, $0x0;
	s5 =	sld [smem:$0x3FB2]  }
0x2b: {  	s6 =	sld [smem:$0x3FB3]  }
0x2c: {  	s7 =	sld [smem:$0x3FB4]  }
0x2d: {  	s3 =	simm.s32 $0x108;
	s8 =	sld [smem:$0x3FB5]  }
0x2e: {  	s3 =	simm.s32 @!p0 $0x1082;
	s9 =	sld [smem:$0x3FB6]  }
0x2f: {  	lr =	sadd.s32 s0, s3;
	s0 =	sld [smem:$0x3FAD]  }
0x30: {  	s3 =	sld [smem:$0x3FB0]  }
0x31: {  	[smem:$0x3FB9] =	sst s10  }
0x32: {  	s10 =	sld [smem:$0x3FB7];
	_ =	sdelay $0x3  }
0x33: {  	p0 =	seq.s32 s10, $0x1;
	s10 =	sld [smem:$0x3FB9];
	_ =	sdelay $0x3  }
0x34: {  	[smem:$0x3FB9] =	sst s10  }
0x35: {  	s10 =	sld [smem:$0x3FB8];
	_ =	sdelay $0x3  }
0x36: {  	p1 =	seq.s32 s10, $0x1;
	s10 =	sld [smem:$0x3FB9];
	_ =	sdelay $0x3  }
0x37: {  	[smem:$0x3FB9] =	sst s10  }
0x38: {  	s10 =	sld [smem:$0x3FBA]  }
0x39: {  	_ = 	snop;
	(pc) =	sbr.ind lr, $3  }
0x3a: {  	_ = 	snop  }
0x3b: {  	_ = 	snop  }
0x3c: {  	p2 =	seq.s32 s10, $0x1;
	s10 =	sld [smem:$0x3FB9]  }
0x3d: {  	_ =	shalt  }
0x3e: {  	_ =	shalt  }
0x3f: {  	_ =	shalt  }
0x40: {  	_ =	shalt  }
0x41: {  	_ =	shalt  }
0x42: {  	_ =	shalt  }
0x43: {  	_ =	shalt  }
0x44: {  	_ =	shalt  }
0x45: {  	_ =	shalt  }
0x46: {  	_ =	shalt  }
0x47: {  	_ =	shalt  }
0x48: {  	_ =	shalt  }
0x49: {  	_ =	shalt  }
0x4a: {  	_ =	shalt  }
0x4b: {  	_ =	shalt  }
0x4c: {  	_ =	shalt  }
0x4d: {  	_ =	shalt  }
0x4e: {  	_ =	shalt  }
0x4f: {  	_ =	shalt  }
0x50: {  	_ =	shalt  }
0x51: {  	_ =	shalt  }
0x52: {  	_ =	shalt  }
0x53: {  	_ =	shalt  }
0x54: {  	_ =	shalt  }
0x55: {  	_ =	shalt  }
0x56: {  	_ =	shalt  }
0x57: {  	_ =	shalt  }
0x58: {  	_ =	shalt  }
0x59: {  	_ =	shalt  }
0x5a: {  	_ =	shalt  }
0x5b: {  	_ =	shalt  }
0x5c: {  	_ =	shalt  }
0x5d: {  	_ =	shalt  }
0x5e: {  	_ =	shalt  }
0x5f: {  	_ =	shalt  }
0x60: {  	_ =	shalt  }
0x61: {  	_ =	shalt  }
0x62: {  	_ =	shalt  }
0x63: {  	_ =	shalt  }
0x64: {  	_ =	shalt  }
0x65: {  	_ =	shalt  }
0x66: {  	_ =	shalt  }
0x67: {  	_ =	shalt  }
0x68: {  	_ =	shalt  }
0x69: {  	_ =	shalt  }
0x6a: {  	_ =	shalt  }
0x6b: {  	_ =	shalt  }
0x6c: {  	_ =	shalt  }
0x6d: {  	_ =	shalt  }
0x6e: {  	_ =	shalt  }
0x6f: {  	_ =	shalt  }
0x70: {  	_ =	shalt  }
0x71: {  	_ =	shalt  }
0x72: {  	_ =	shalt  }
0x73: {  	_ =	shalt  }
0x74: {  	_ =	shalt  }
0x75: {  	_ =	shalt  }
0x76: {  	_ =	shalt  }
0x77: {  	_ =	shalt  }
0x78: {  	_ =	shalt  }
0x79: {  	_ =	shalt  }
0x7a: {  	_ =	shalt  }
0x7b: {  	_ =	shalt  }
0x7c: {  	_ =	shalt  }
0x7d: {  	_ =	shalt  }
0x7e: {  	_ =	shalt  }
0x7f: {  	_ =	shalt  }
0x80: {  	_ =	shalt  }
0x81: {  	_ =	shalt  }
0x82: {  	_ =	shalt  }
0x83: {  	_ =	shalt  }
0x84: {  	_ =	shalt  }
0x85: {  	_ =	shalt  }
0x86: {  	_ =	shalt  }
0x87: {  	_ =	shalt  }
.Lfunc_end0:
.L_simem_size_0:
called_computation_lowered:
.L_overlay_start_0:
0x88: {  	s2 =	sld [smem:$0x3FD9]  }
0x89: {  	s3 =	sld [smem:$0x3FFE];
	_ =	sdelay $0x1  }
0x8a: {  	s1 =	srdreg.scid  }
0x8b: {  	s0 =	sand.u32 $0x1, s1  }
0x8c: {  	s18 =	sshll.u32 s0, $0xA;
	s2 =	sadd.s32 s3, s2  }
0x8d: {  	s2 =	sadd.s32 s2, s18  }
0x8e: {  	[smem:$0x3FC5] =	sst s2  }
0x8f: {  	_ = 	snop  }
0x90: {  	s2 =	sld [smem:$0x3FC9]  }
0x91: {  	s19 =	sld [smem:$0x3FC8]  }
0x92: {  	s4 =	sld [smem:$0x3FC7]  }
0x93: {  	s5 =	sld [smem:$0x3FD0];
	(tm) =	ssettm $0x1  }
0x94: {  	s6 =	sld [smem:$0x3FFB];
	_ =	sdelay $0x3  }
0x95: {  	_ =	strace s6  }
0x96: {  	s6 =	sld [smem:$0x3FFC];
	_ =	sdelay $0x3  }
0x97: {  	_ =	strace s6  }
0x98: {  	s6 =	sld [smem:$0x3FFD];
	_ =	sdelay $0x3  }
0x99: {  	_ =	strace s6  }
0x9a: {  	_ =	strace $0x8FFFFFFF  }
0x9b: {  	s20 =	sld [smem:$0x3FDB];
	_ =	sdelay $0x1  }
0x9c: {  	s7 =	simm.s32 $_scs_section_size  }
0x9d: {  	s8 =	simm.s32 $_size__tile_overlayer_lowered;
	s9 =	simm.s32 $_tile_overlayer_lowered  }
0x9e: {  	s23 =	simm.s32 $0x1BFF;
	s22 =	sshll.u32 s9, $0x1;
	s6 =	sadd.s32 s7, s20  }
0x9f: {  	s10 =	simm.s32 $0x0;
	s21 =	sshll.u32 s8, $0x1;
	s8 =	sadd.s32 s22, s6  }
0xa0: {  	[timem:s10], [sflag:s23] =	dma.local [hbm:s8], s21  }
0xa1: {  	_ =	swait.ge [sflag:s23], s21  }
0xa2: {  	s7 =	ssub.s32 $0x0, s21;
	[sflag:s23] =	ssyncset.done $0x0  }
0xa3: {  	[sflag:s23] =	ssyncadd.s32 s7;
	_ =	sdelay $0x1  }
0xa4: {  	s24 =	simm.s32 $0x1B8B  }
0xa5: {  	_ =	swait.ge [sflag:s24], $0x1  }
0xa6: {  	[sflag:s24] =	ssyncset.done $0x0  }
0xa7: {  	s25 =	simm.s32 $0x1B8E;
	[sflag:s24] =	ssyncadd.s32 $0xFFFFFFFF  }
0xa8: {  	s26 =	simm.s32 $execute0_lowered;
	[smem:$0x3FD2] =	sst s25  }
0xa9: {  	s7 =	sshll.u32 s26, $0x1;
	_ =	strace $0x80000046;
	[dreg:$0x1] =	wrdreg $0xFFFFFFFF  }
0xaa: {  	s28 =	simm.s32 $_size_execute0_lowered;
	s6 =	sadd.s32 s6, s7;
	[dreg:$0x0] =	wrdreg $0x0  }
0xab: {  	s7 =	sshll.u32 s28, $0x1;
	[dreg:$0x2] =	wrdreg s6  }
0xac: {  	[dreg:$0x3] =	wrdreg s7  }
0xad: {  	[dreg:$0x4] =	wrdreg $0xC0  }
0xae: {  	_ =	task [dreg:s10], $0x5FFFF  }
0xaf: {  	[dreg:$0x1] =	wrdreg $0xFFFFFFFF  }
0xb0: {  	[dreg:$0x0] =	wrdreg $0x60  }
0xb1: {  	[dreg:$0x2] =	wrdreg s2  }
0xb2: {  	[dreg:$0x3] =	wrdreg s19  }
0xb3: {  	[dreg:$0x4] =	wrdreg s4  }
0xb4: {  	[dreg:$0x5] =	wrdreg s5  }
0xb5: {  	[dreg:$0x6] =	wrdreg $0x9  }
0xb6: {  	_ =	task.clear_ibuf [dreg:s10], $0x7FFFF;
	_ =	strace $0x90000046  }
0xb7: {  	s29 =	simm.s32 $0x9;
	_ =	strace $0x80000048  }
0xb8: {  	_ =	swait.ge [sflag:s29], $0x1  }
0xb9: {  	[sflag:s29] =	ssyncadd.s32 $0xFFFFFFFF  }
0xba: {  	_ =	strace $0x90000048  }
0xbb: {  	_ =	sfence  }
0xbc: {  	s30 =	sld [smem:$0x0];
	_ =	sdelay $0x2  }
0xbd: {  	s31 =	sshll.u32 s1, $0xD;
	s1 =	sshrl.u32 s1, $0x2  }
0xbe: {  	s3 =	sand.u32 $0x4000, s31;
	s1 =	sadd.s32 s1, s30  }
0xbf: {  	s0 =	sor.u32 s3, s0;
	s1 =	sshll.u32 s1, $0x11  }
0xc0: {  	s0 =	sor.u32 s1, s0  }
0xc1: {  	s0 =	sadd.s32 $0x8F2B, s0  }
0xc2: {  	[sflag:s0] =	ssyncadd.remote.s32 $0x1  }
0xc3: {  	_ =	sfence.sel $0xFFFF  }
0xc4: {  	[dreg:$0x0] =	wrdreg $0xFFFFFFFF;
	(pc) =	sbr.abs _section_cstart, $3  }
0xc5: {  	[dreg:$0x1] =	wrdreg $0xFFFFFFFF  }
0xc6: {  	_ =	task.clear_ibuf [dreg:s10], $0x2FFFF;
	_ =	strace $0x9FFFFFFF  }
0xc7: {  	(tm) =	ssettm $0x7FFFFFFF  }
tec
execute0_lowered:
.L_overlay_start_1:
0x0: {  	(tag) =	ssettag $0x1  }
0x1: {  	s0 =	rddreg [dreg:$0x0]  }
0x2: {  	s1 =	rddreg [dreg:$0x1]  }
0x3: {  	s4 =	rddreg [dreg:$0x3];
	s2 =	srdreg.scid  }
0x4: {  	s6 =	stileid.u32;
	s5 =	simm.s32 $0x0;
	s11 =	simm.s32 $0x9  }
0x5: {  	s12 =	simm.s32 $0x80;
	s13 =	simm.s32 $0xC800;
	s14 =	simm.s32 $0x10800  }
0x6: {  	s15 =	simm.s32 $0x6400;
	s16 =	simm.s32 $0x1;
	s17 =	simm.s32 $0x14800  }
0x7: {  	s18 =	simm.s32 $0x2;
	s19 =	simm.s32 $0x18800;
	s20 =	simm.s32 $0x3  }
0x8: {  	s21 =	simm.s32 $0x5;
	s22 =	simm.s32 $0x4;
	s23 =	simm.s32 $0x6  }
0x9: {  	s24 =	simm.s32 $0x7;
	s25 =	simm.s32 $0x8;
	s2 =	sand.u32 $0x1, s2  }
0xa: {  	s26 =	simm.s32 $0x0;
	s6 =	sshll.u32 s6, $0x1;
	s3 =	ssub.s32 $0x2, s2  }
0xb: {  	[smem:$0x7FF] =	sst s5;
	s2 =	sor.u32 s2, s6;
	s7 =	sshrl.u32 s3, $0x1  }
0xc: {  	_ =	strace $0x80000047;
	s6 =	sshll.u32 s2, $0x7;
	s3 =	ssub.s32 s3, s7  }
0xd: {  	s6 =	sadd.s32 s0, s6;
	s7 =	smul.u32 $0x320000, s2;
	s8 =	smax.u32 s3, $0x1  }
.LBB2_1:
0xe: {  	s0 =	simm.s32 $0x400;
	s2 =	simm.s32 $0x8000  }
0xf: {  	[tilespmem:s5], [sflag:$0x9] =	stream.strided.gather [hbm4b:s6+s0], $0x6400, s2, s0, $0x38;
	[tilespmem:$0x1C800] =	vst v63  }
0x10: {  	_ =	swait.ge [sflag:s11], $0x6400  }
0x11: {  	[sflag:s11] =	ssyncset.done $0x0  }
0x12: {  	[sflag:s11] =	ssyncadd.s32 $0xFFFF9C00  }
0x13: {  	[tilespmem:s13], [sflag:$0x1] =	stream.indirect.gather [hbm4b:s1+s12], $0x80, s5, s12, $0xb8;
	[tilespmem:$0x1C800] =	vst v63  }
0x14: {  	_ = 	snop  }
0x15: {  	[tilespmem:s14], [sflag:$0x2] =	stream.indirect.gather [hbm4b:s1+s12], $0x80, s12, s12, $0xb8;
	[tilespmem:$0x1C800] =	vst v63  }
0x16: {  	s31 =	rddreg [dreg:$0x2]  }
0x17: {  	[tilespmem:s15], [sflag:$0x9] =	stream.linear.gather [hbm4b:s31+s5], $0x6400, $0x38;
	[tilespmem:$0x1C800] =	vst v63  }
0x18: {  	_ =	swait.ge [sflag:s11], $0x6400  }
0x19: {  	[sflag:s11] =	ssyncset.done $0x0  }
0x1a: {  	s28 =	simm.s32 $0x0;
	[sflag:s11] =	ssyncadd.s32 $0xFFFF9C00  }
.LBB2_2:
0x1b: {  	_ =	swait.ge [sflag:s16], $0x4000  }
0x1c: {  	[sflag:s16] =	ssyncset.done $0x0  }
0x1d: {  	s0 =	sshll.u32 s28, $0x9;
	[sflag:s16] =	ssyncadd.s32 $0xFFFFC000  }
0x1e: {  	v2 =	vld [tilespmem:s0+$0x6400]  }
0x1f: {  	v4 =	vld [tilespmem:s0+$0x6410]  }
0x20: {  	v6 =	vld [tilespmem:s0+$0x6420]  }
0x21: {  	v7 =	vld [tilespmem:s0+$0x6430]  }
0x22: {  	v5 =	vld [tilespmem:s0+$0x6440]  }
0x23: {  	v3 =	vld [tilespmem:s0+$0x6450]  }
0x24: {  	v1 =	vld [tilespmem:s0+$0x6460]  }
0x25: {  	s2 =	simm.s32 $0xC900;
	v0 =	vld [tilespmem:s0+$0x6470]  }
0x26: {  	v8 =	vld [tilespmem:s2+$0xFFFFFF00]  }
0x27: {  	v9 =	vld [tilespmem:s2+$0xFFFFFF10]  }
0x28: {  	v10 =	vld [tilespmem:s2+$0xFFFFFF20]  }
0x29: {  	v11 =	vld [tilespmem:s2+$0xFFFFFF30]  }
0x2a: {  	v12 =	vld [tilespmem:s2+$0xFFFFFF40]  }
0x2b: {  	v13 =	vld [tilespmem:s2+$0xFFFFFF50];
	v8 =	vadd.f32 v8, v2  }
0x2c: {  	v14 =	vld [tilespmem:s2+$0xFFFFFF60];
	v9 =	vadd.f32 v9, v4  }
0x2d: {  	[tilespmem:s2+$0xFFFFFF00] =	vst v8;
	v8 =	vadd.f32 v10, v6;
	v10 =	vld [tilespmem:s2+$0xFFFFFF70]  }
0x2e: {  	[tilespmem:s2+$0xFFFFFF10] =	vst v9;
	v9 =	vadd.f32 v11, v7;
	v11 =	vld [tilespmem:s2+$0xFFFFFF80]  }
0x2f: {  	[tilespmem:s2+$0xFFFFFF20] =	vst v8;
	v8 =	vadd.f32 v12, v5;
	v12 =	vld [tilespmem:s2+$0xFFFFFF90]  }
0x30: {  	[tilespmem:s2+$0xFFFFFF30] =	vst v9;
	v9 =	vadd.f32 v13, v3;
	v13 =	vld [tilespmem:s2+$0xFFFFFFA0]  }
0x31: {  	[tilespmem:s2+$0xFFFFFF40] =	vst v8;
	v8 =	vadd.f32 v14, v1;
	v14 =	vld [tilespmem:s2+$0xFFFFFFB0]  }
0x32: {  	[tilespmem:s2+$0xFFFFFF50] =	vst v9;
	v9 =	vadd.f32 v10, v0;
	v10 =	vld [tilespmem:s2+$0xFFFFFFC0]  }
0x33: {  	[tilespmem:s2+$0xFFFFFF60] =	vst v8;
	v8 =	vadd.f32 v11, v2;
	v11 =	vld [tilespmem:s2+$0xFFFFFFD0]  }
0x34: {  	[tilespmem:s2+$0xFFFFFF70] =	vst v9;
	v9 =	vadd.f32 v12, v4;
	v12 =	vld [tilespmem:s2+$0xFFFFFFE0]  }
0x35: {  	[tilespmem:s2+$0xFFFFFF80] =	vst v8;
	v8 =	vadd.f32 v13, v6;
	v13 =	vld [tilespmem:s2+$0x0]  }
0x36: {  	[tilespmem:s2+$0xFFFFFF90] =	vst v9;
	v9 =	vadd.f32 v14, v7;
	v14 =	vld [tilespmem:s2+$0x10]  }
0x37: {  	[tilespmem:s2+$0xFFFFFFA0] =	vst v8;
	v8 =	vadd.f32 v10, v5;
	v10 =	vld [tilespmem:s2+$0x20]  }
0x38: {  	[tilespmem:s2+$0xFFFFFFB0] =	vst v9;
	v9 =	vadd.f32 v11, v3;
	v11 =	vld [tilespmem:s2+$0x30]  }
0x39: {  	[tilespmem:s2+$0xFFFFFFC0] =	vst v8;
	v8 =	vadd.f32 v12, v1;
	v12 =	vld [tilespmem:s2+$0x40]  }
0x3a: {  	[tilespmem:s2+$0xFFFFFFD0] =	vst v9;
	v9 =	vadd.f32 v13, v2;
	v13 =	vld [tilespmem:s2+$0x50]  }
0x3b: {  	[tilespmem:s2+$0xFFFFFFE0] =	vst v8;
	v8 =	vadd.f32 v14, v4;
	v14 =	vld [tilespmem:s2+$0x60]  }
0x3c: {  	[tilespmem:s2+$0x0] =	vst v9;
	v9 =	vadd.f32 v10, v6;
	v10 =	vld [tilespmem:s2+$0x70]  }
0x3d: {  	[tilespmem:s2+$0x10] =	vst v8;
	v8 =	vadd.f32 v11, v7;
	v11 =	vld [tilespmem:s2+$0x80]  }
0x3e: {  	[tilespmem:s2+$0x20] =	vst v9;
	v9 =	vadd.f32 v12, v5;
	v12 =	vld [tilespmem:s2+$0x90]  }
0x3f: {  	[tilespmem:s2+$0x30] =	vst v8;
	v8 =	vadd.f32 v13, v3;
	v13 =	vld [tilespmem:s2+$0xA0]  }
0x40: {  	[tilespmem:s2+$0x40] =	vst v9;
	v9 =	vadd.f32 v14, v1;
	v14 =	vld [tilespmem:s2+$0xB0]  }
0x41: {  	[tilespmem:s2+$0x50] =	vst v8;
	v10 =	vadd.f32 v10, v0;
	v8 =	vld [tilespmem:s2+$0xC0]  }
0x42: {  	[tilespmem:s2+$0x60] =	vst v9;
	v11 =	vadd.f32 v11, v2;
	v9 =	vld [tilespmem:s2+$0xD0]  }
0x43: {  	[tilespmem:s2+$0x70] =	vst v10;
	v15 =	vadd.f32 v12, v4;
	v10 =	vld [tilespmem:s2+$0xE0]  }
0x44: {  	[tilespmem:s2+$0x80] =	vst v11;
	v11 =	vld [tilespmem:s2+$0xF0];
	v13 =	vadd.f32 v13, v6  }
0x45: {  	s3 =	simm.s32 $0x0;
	s9 =	simm.s32 $0xCB00;
	v12 =	vld [tilespmem:s2+$0xFFFFFFF0];
	[tilespmem:s2+$0x90] =	vst v15;
	v14 =	vadd.f32 v14, v7  }
.LBB2_3:
0x46: {  	v15 =	vld [tilespmem:s9+$0xFFFFFF00];
	[tilespmem:s2+$0xA0] =	vst v13;
	v8 =	vadd.f32 v8, v5  }
0x47: {  	v13 =	vld [tilespmem:s9+$0xFFFFFF10];
	[tilespmem:s2+$0xB0] =	vst v14;
	v9 =	vadd.f32 v9, v3  }
0x48: {  	v14 =	vld [tilespmem:s9+$0xFFFFFF20];
	[tilespmem:s2+$0xC0] =	vst v8;
	v8 =	vadd.f32 v10, v1  }
0x49: {  	v10 =	vld [tilespmem:s9+$0xFFFFFF30];
	[tilespmem:s2+$0xD0] =	vst v9;
	v9 =	vadd.f32 v11, v0  }
0x4a: {  	v11 =	vld [tilespmem:s9+$0xFFFFFF40];
	v12 =	vadd.f32 v12, v0;
	[tilespmem:s2+$0xE0] =	vst v8  }
0x4b: {  	v8 =	vadd.f32 v15, v2;
	v15 =	vld [tilespmem:s9+$0xFFFFFF50];
	[tilespmem:s2+$0xF0] =	vst v9  }
0x4c: {  	v9 =	vadd.f32 v13, v4;
	v13 =	vld [tilespmem:s9+$0xFFFFFF60];
	[tilespmem:s2+$0xFFFFFFF0] =	vst v12;
	s2 =	smov.u32 s9  }
0x4d: {  	[tilespmem:s9+$0xFFFFFF00] =	vst v8;
	v8 =	vadd.f32 v14, v6;
	v12 =	vld [tilespmem:s9+$0xFFFFFF70]  }
0x4e: {  	[tilespmem:s9+$0xFFFFFF10] =	vst v9;
	v9 =	vadd.f32 v10, v7;
	v10 =	vld [tilespmem:s9+$0xFFFFFF80]  }
0x4f: {  	[tilespmem:s9+$0xFFFFFF20] =	vst v8;
	v8 =	vadd.f32 v11, v5;
	v11 =	vld [tilespmem:s9+$0xFFFFFF90]  }
0x50: {  	[tilespmem:s9+$0xFFFFFF30] =	vst v9;
	v9 =	vadd.f32 v15, v3;
	v14 =	vld [tilespmem:s9+$0xFFFFFFA0]  }
0x51: {  	[tilespmem:s9+$0xFFFFFF40] =	vst v8;
	v8 =	vadd.f32 v13, v1;
	v13 =	vld [tilespmem:s9+$0xFFFFFFB0]  }
0x52: {  	[tilespmem:s9+$0xFFFFFF50] =	vst v9;
	v9 =	vadd.f32 v12, v0;
	v12 =	vld [tilespmem:s9+$0xFFFFFFC0]  }
0x53: {  	[tilespmem:s9+$0xFFFFFF60] =	vst v8;
	v8 =	vadd.f32 v10, v2;
	v10 =	vld [tilespmem:s9+$0xFFFFFFD0]  }
0x54: {  	[tilespmem:s9+$0xFFFFFF70] =	vst v9;
	v9 =	vadd.f32 v11, v4;
	v11 =	vld [tilespmem:s9+$0xFFFFFFE0]  }
0x55: {  	[tilespmem:s9+$0xFFFFFF80] =	vst v8;
	v8 =	vadd.f32 v14, v6;
	v14 =	vld [tilespmem:s9+$0x0]  }
0x56: {  	[tilespmem:s9+$0xFFFFFF90] =	vst v9;
	v9 =	vadd.f32 v13, v7;
	v13 =	vld [tilespmem:s9+$0x10]  }
0x57: {  	[tilespmem:s9+$0xFFFFFFA0] =	vst v8;
	v8 =	vadd.f32 v12, v5;
	v12 =	vld [tilespmem:s9+$0x20]  }
0x58: {  	[tilespmem:s9+$0xFFFFFFB0] =	vst v9;
	v9 =	vadd.f32 v10, v3;
	v10 =	vld [tilespmem:s9+$0x30]  }
0x59: {  	[tilespmem:s9+$0xFFFFFFC0] =	vst v8;
	v8 =	vadd.f32 v11, v1;
	v11 =	vld [tilespmem:s9+$0x40]  }
0x5a: {  	[tilespmem:s9+$0xFFFFFFD0] =	vst v9;
	v9 =	vadd.f32 v14, v2;
	v14 =	vld [tilespmem:s9+$0x50]  }
0x5b: {  	[tilespmem:s9+$0xFFFFFFE0] =	vst v8;
	v8 =	vadd.f32 v13, v4;
	v13 =	vld [tilespmem:s9+$0x60]  }
0x5c: {  	[tilespmem:s9+$0x0] =	vst v9;
	v9 =	vadd.f32 v12, v6;
	v12 =	vld [tilespmem:s9+$0x70]  }
0x5d: {  	[tilespmem:s9+$0x10] =	vst v8;
	v8 =	vadd.f32 v10, v7;
	v10 =	vld [tilespmem:s9+$0x80]  }
0x5e: {  	[tilespmem:s9+$0x20] =	vst v9;
	v9 =	vadd.f32 v11, v5;
	v11 =	vld [tilespmem:s9+$0x90]  }
0x5f: {  	s3 =	sadd.s32 $0x4, s3;
	[tilespmem:s9+$0x30] =	vst v8;
	v8 =	vadd.f32 v14, v3;
	v14 =	vld [tilespmem:s9+$0xA0]  }
0x60: {  	p0 =	slt.u32 s3, $0x7C;
	[tilespmem:s9+$0x40] =	vst v9;
	v9 =	vadd.f32 v13, v1;
	v15 =	vld [tilespmem:s9+$0xB0]  }
.Ltmp0:
0x61: {  	[tilespmem:s9+$0x50] =	vst v8;
	v12 =	vadd.f32 v12, v0;
	v8 =	vld [tilespmem:s9+$0xC0];
	(pc) =	sbr.rel @p0 .LBB2_3-.Ltmp0, $4  }
0x62: {  	[tilespmem:s9+$0x60] =	vst v9;
	v13 =	vadd.f32 v10, v2;
	v9 =	vld [tilespmem:s9+$0xD0]  }
0x63: {  	[tilespmem:s9+$0x70] =	vst v12;
	v16 =	vadd.f32 v11, v4;
	v10 =	vld [tilespmem:s9+$0xE0]  }
0x64: {  	[tilespmem:s9+$0x80] =	vst v13;
	v13 =	vadd.f32 v14, v6;
	v11 =	vld [tilespmem:s9+$0xF0]  }
0x65: {  	s9 =	sadd.s32 $0x200, s9;
	v12 =	vld [tilespmem:s2+$0xFFFFFFF0];
	[tilespmem:s2+$0x90] =	vst v16;
	v14 =	vadd.f32 v15, v7  }
0x66: {  	[tilespmem:s2+$0xA0] =	vst v13;
	v2 =	vadd.f32 v8, v5  }
0x67: {  	[tilespmem:s2+$0xB0] =	vst v14;
	v3 =	vadd.f32 v9, v3  }
0x68: {  	[tilespmem:s2+$0xC0] =	vst v2;
	v1 =	vadd.f32 v10, v1  }
0x69: {  	[tilespmem:s2+$0xD0] =	vst v3;
	v2 =	vadd.f32 v11, v0  }
0x6a: {  	s3 =	sor.u32 s7, s0;
	v0 =	vadd.f32 v12, v0;
	[tilespmem:s2+$0xE0] =	vst v1  }
0x6b: {  	p0 =	seq.s32 s28, $0x0;
	s3 =	sshrl.u32 s3, $0x3;
	[tilespmem:s2+$0xF0] =	vst v2  }
0x6c: {  	s9 =	sadd.s32 s4, s3;
	[tilespmem:s2+$0xFFFFFFF0] =	vst v0;
	s2 =	simm.s32 @!p0 $0x7  }
0x6d: {  	[hbm4b:s9+s12] =	stream.strided.scatter [tilespmem:s13], [sflag:$0x5], $0x4000, s15, s12, $0x38;
	[tilespmem:$0x1C800] =	vst v63  }
0x6e: {  	_ =	swait.ge @!p0 [sflag:s2], $0x4000  }
0x6f: {  	s29 =	sand.u32 $0x3FFFFE00, s0;
	[sflag:s2] =	ssyncset.done @!p0 $0x0  }
0x70: {  	s10 =	sor.u32 $0x100, s29;
	[sflag:s2] =	ssyncadd.s32 @!p0 $0xFFFFC000  }
0x71: {  	[tilespmem:s17], [sflag:$0x3] =	stream.indirect.gather [hbm4b:s1+s12], $0x80, s10, s12, $0xb8;
	[tilespmem:$0x1C800] =	vst v63  }
0x72: {  	_ =	swait.ge [sflag:s18], $0x4000  }
0x73: {  	[sflag:s18] =	ssyncset.done $0x0  }
0x74: {  	[sflag:s18] =	ssyncadd.s32 $0xFFFFC000  }
0x75: {  	v2 =	vld [tilespmem:s0+$0x6480]  }
0x76: {  	v4 =	vld [tilespmem:s0+$0x6490]  }
0x77: {  	v6 =	vld [tilespmem:s0+$0x64A0]  }
0x78: {  	v7 =	vld [tilespmem:s0+$0x64B0]  }
0x79: {  	v5 =	vld [tilespmem:s0+$0x64C0]  }
0x7a: {  	v3 =	vld [tilespmem:s0+$0x64D0]  }
0x7b: {  	v1 =	vld [tilespmem:s0+$0x64E0]  }
0x7c: {  	s2 =	simm.s32 $0x10900;
	v0 =	vld [tilespmem:s0+$0x64F0]  }
0x7d: {  	v8 =	vld [tilespmem:s2+$0xFFFFFF00]  }
0x7e: {  	v9 =	vld [tilespmem:s2+$0xFFFFFF10]  }
0x7f: {  	v10 =	vld [tilespmem:s2+$0xFFFFFF20]  }
0x80: {  	v11 =	vld [tilespmem:s2+$0xFFFFFF30]  }
0x81: {  	v12 =	vld [tilespmem:s2+$0xFFFFFF40]  }
0x82: {  	v13 =	vld [tilespmem:s2+$0xFFFFFF50];
	v8 =	vadd.f32 v8, v2  }
0x83: {  	v14 =	vld [tilespmem:s2+$0xFFFFFF60];
	v9 =	vadd.f32 v9, v4  }
0x84: {  	[tilespmem:s2+$0xFFFFFF00] =	vst v8;
	v8 =	vadd.f32 v10, v6;
	v10 =	vld [tilespmem:s2+$0xFFFFFF70]  }
0x85: {  	[tilespmem:s2+$0xFFFFFF10] =	vst v9;
	v9 =	vadd.f32 v11, v7;
	v11 =	vld [tilespmem:s2+$0xFFFFFF80]  }
0x86: {  	[tilespmem:s2+$0xFFFFFF20] =	vst v8;
	v8 =	vadd.f32 v12, v5;
	v12 =	vld [tilespmem:s2+$0xFFFFFF90]  }
0x87: {  	[tilespmem:s2+$0xFFFFFF30] =	vst v9;
	v9 =	vadd.f32 v13, v3;
	v13 =	vld [tilespmem:s2+$0xFFFFFFA0]  }
0x88: {  	[tilespmem:s2+$0xFFFFFF40] =	vst v8;
	v8 =	vadd.f32 v14, v1;
	v14 =	vld [tilespmem:s2+$0xFFFFFFB0]  }
0x89: {  	[tilespmem:s2+$0xFFFFFF50] =	vst v9;
	v9 =	vadd.f32 v10, v0;
	v10 =	vld [tilespmem:s2+$0xFFFFFFC0]  }
0x8a: {  	[tilespmem:s2+$0xFFFFFF60] =	vst v8;
	v8 =	vadd.f32 v11, v2;
	v11 =	vld [tilespmem:s2+$0xFFFFFFD0]  }
0x8b: {  	[tilespmem:s2+$0xFFFFFF70] =	vst v9;
	v9 =	vadd.f32 v12, v4;
	v12 =	vld [tilespmem:s2+$0xFFFFFFE0]  }
0x8c: {  	[tilespmem:s2+$0xFFFFFF80] =	vst v8;
	v8 =	vadd.f32 v13, v6;
	v13 =	vld [tilespmem:s2+$0x0]  }
0x8d: {  	[tilespmem:s2+$0xFFFFFF90] =	vst v9;
	v9 =	vadd.f32 v14, v7;
	v14 =	vld [tilespmem:s2+$0x10]  }
0x8e: {  	[tilespmem:s2+$0xFFFFFFA0] =	vst v8;
	v8 =	vadd.f32 v10, v5;
	v10 =	vld [tilespmem:s2+$0x20]  }
0x8f: {  	[tilespmem:s2+$0xFFFFFFB0] =	vst v9;
	v9 =	vadd.f32 v11, v3;
	v11 =	vld [tilespmem:s2+$0x30]  }
0x90: {  	[tilespmem:s2+$0xFFFFFFC0] =	vst v8;
	v8 =	vadd.f32 v12, v1;
	v12 =	vld [tilespmem:s2+$0x40]  }
0x91: {  	[tilespmem:s2+$0xFFFFFFD0] =	vst v9;
	v9 =	vadd.f32 v13, v2;
	v13 =	vld [tilespmem:s2+$0x50]  }
0x92: {  	[tilespmem:s2+$0xFFFFFFE0] =	vst v8;
	v8 =	vadd.f32 v14, v4;
	v14 =	vld [tilespmem:s2+$0x60]  }
0x93: {  	[tilespmem:s2+$0x0] =	vst v9;
	v9 =	vadd.f32 v10, v6;
	v10 =	vld [tilespmem:s2+$0x70]  }
0x94: {  	[tilespmem:s2+$0x10] =	vst v8;
	v8 =	vadd.f32 v11, v7;
	v11 =	vld [tilespmem:s2+$0x80]  }
0x95: {  	[tilespmem:s2+$0x20] =	vst v9;
	v9 =	vadd.f32 v12, v5;
	v12 =	vld [tilespmem:s2+$0x90]  }
0x96: {  	[tilespmem:s2+$0x30] =	vst v8;
	v8 =	vadd.f32 v13, v3;
	v13 =	vld [tilespmem:s2+$0xA0]  }
0x97: {  	[tilespmem:s2+$0x40] =	vst v9;
	v9 =	vadd.f32 v14, v1;
	v14 =	vld [tilespmem:s2+$0xB0]  }
0x98: {  	[tilespmem:s2+$0x50] =	vst v8;
	v10 =	vadd.f32 v10, v0;
	v8 =	vld [tilespmem:s2+$0xC0]  }
0x99: {  	[tilespmem:s2+$0x60] =	vst v9;
	v11 =	vadd.f32 v11, v2;
	v9 =	vld [tilespmem:s2+$0xD0]  }
0x9a: {  	[tilespmem:s2+$0x70] =	vst v10;
	v15 =	vadd.f32 v12, v4;
	v10 =	vld [tilespmem:s2+$0xE0]  }
0x9b: {  	s31 =	sshll.u32 s28, $0x2;
	s30 =	sand.u32 $0x7C00, s0;
	[tilespmem:s2+$0x80] =	vst v11;
	v11 =	vld [tilespmem:s2+$0xF0];
	v13 =	vadd.f32 v13, v6  }
0x9c: {  	s3 =	simm.s32 $0x0;
	s9 =	simm.s32 $0x10B00;
	s0 =	sor.u32 $0x80, s0;
	v12 =	vld [tilespmem:s2+$0xFFFFFFF0];
	[tilespmem:s2+$0x90] =	vst v15;
	v14 =	vadd.f32 v14, v7  }
.LBB2_5:
0x9d: {  	v15 =	vld [tilespmem:s9+$0xFFFFFF00];
	[tilespmem:s2+$0xA0] =	vst v13;
	v8 =	vadd.f32 v8, v5  }
0x9e: {  	v13 =	vld [tilespmem:s9+$0xFFFFFF10];
	[tilespmem:s2+$0xB0] =	vst v14;
	v9 =	vadd.f32 v9, v3  }
0x9f: {  	v14 =	vld [tilespmem:s9+$0xFFFFFF20];
	[tilespmem:s2+$0xC0] =	vst v8;
	v8 =	vadd.f32 v10, v1  }
0xa0: {  	v10 =	vld [tilespmem:s9+$0xFFFFFF30];
	[tilespmem:s2+$0xD0] =	vst v9;
	v9 =	vadd.f32 v11, v0  }
0xa1: {  	v11 =	vld [tilespmem:s9+$0xFFFFFF40];
	v12 =	vadd.f32 v12, v0;
	[tilespmem:s2+$0xE0] =	vst v8  }
0xa2: {  	v8 =	vadd.f32 v15, v2;
	v15 =	vld [tilespmem:s9+$0xFFFFFF50];
	[tilespmem:s2+$0xF0] =	vst v9  }
0xa3: {  	v9 =	vadd.f32 v13, v4;
	v13 =	vld [tilespmem:s9+$0xFFFFFF60];
	[tilespmem:s2+$0xFFFFFFF0] =	vst v12;
	s2 =	smov.u32 s9  }
0xa4: {  	[tilespmem:s9+$0xFFFFFF00] =	vst v8;
	v8 =	vadd.f32 v14, v6;
	v12 =	vld [tilespmem:s9+$0xFFFFFF70]  }
0xa5: {  	[tilespmem:s9+$0xFFFFFF10] =	vst v9;
	v9 =	vadd.f32 v10, v7;
	v10 =	vld [tilespmem:s9+$0xFFFFFF80]  }
0xa6: {  	[tilespmem:s9+$0xFFFFFF20] =	vst v8;
	v8 =	vadd.f32 v11, v5;
	v11 =	vld [tilespmem:s9+$0xFFFFFF90]  }
0xa7: {  	[tilespmem:s9+$0xFFFFFF30] =	vst v9;
	v9 =	vadd.f32 v15, v3;
	v14 =	vld [tilespmem:s9+$0xFFFFFFA0]  }
0xa8: {  	[tilespmem:s9+$0xFFFFFF40] =	vst v8;
	v8 =	vadd.f32 v13, v1;
	v13 =	vld [tilespmem:s9+$0xFFFFFFB0]  }
0xa9: {  	[tilespmem:s9+$0xFFFFFF50] =	vst v9;
	v9 =	vadd.f32 v12, v0;
	v12 =	vld [tilespmem:s9+$0xFFFFFFC0]  }
0xaa: {  	[tilespmem:s9+$0xFFFFFF60] =	vst v8;
	v8 =	vadd.f32 v10, v2;
	v10 =	vld [tilespmem:s9+$0xFFFFFFD0]  }
0xab: {  	[tilespmem:s9+$0xFFFFFF70] =	vst v9;
	v9 =	vadd.f32 v11, v4;
	v11 =	vld [tilespmem:s9+$0xFFFFFFE0]  }
0xac: {  	[tilespmem:s9+$0xFFFFFF80] =	vst v8;
	v8 =	vadd.f32 v14, v6;
	v14 =	vld [tilespmem:s9+$0x0]  }
0xad: {  	[tilespmem:s9+$0xFFFFFF90] =	vst v9;
	v9 =	vadd.f32 v13, v7;
	v13 =	vld [tilespmem:s9+$0x10]  }
0xae: {  	[tilespmem:s9+$0xFFFFFFA0] =	vst v8;
	v8 =	vadd.f32 v12, v5;
	v12 =	vld [tilespmem:s9+$0x20]  }
0xaf: {  	[tilespmem:s9+$0xFFFFFFB0] =	vst v9;
	v9 =	vadd.f32 v10, v3;
	v10 =	vld [tilespmem:s9+$0x30]  }
0xb0: {  	[tilespmem:s9+$0xFFFFFFC0] =	vst v8;
	v8 =	vadd.f32 v11, v1;
	v11 =	vld [tilespmem:s9+$0x40]  }
0xb1: {  	[tilespmem:s9+$0xFFFFFFD0] =	vst v9;
	v9 =	vadd.f32 v14, v2;
	v14 =	vld [tilespmem:s9+$0x50]  }
0xb2: {  	[tilespmem:s9+$0xFFFFFFE0] =	vst v8;
	v8 =	vadd.f32 v13, v4;
	v13 =	vld [tilespmem:s9+$0x60]  }
0xb3: {  	[tilespmem:s9+$0x0] =	vst v9;
	v9 =	vadd.f32 v12, v6;
	v12 =	vld [tilespmem:s9+$0x70]  }
0xb4: {  	[tilespmem:s9+$0x10] =	vst v8;
	v8 =	vadd.f32 v10, v7;
	v10 =	vld [tilespmem:s9+$0x80]  }
0xb5: {  	[tilespmem:s9+$0x20] =	vst v9;
	v9 =	vadd.f32 v11, v5;
	v11 =	vld [tilespmem:s9+$0x90]  }
0xb6: {  	s3 =	sadd.s32 $0x4, s3;
	[tilespmem:s9+$0x30] =	vst v8;
	v8 =	vadd.f32 v14, v3;
	v14 =	vld [tilespmem:s9+$0xA0]  }
0xb7: {  	p1 =	slt.u32 s3, $0x7C;
	[tilespmem:s9+$0x40] =	vst v9;
	v9 =	vadd.f32 v13, v1;
	v15 =	vld [tilespmem:s9+$0xB0]  }
.Ltmp1:
0xb8: {  	[tilespmem:s9+$0x50] =	vst v8;
	v12 =	vadd.f32 v12, v0;
	v8 =	vld [tilespmem:s9+$0xC0];
	(pc) =	sbr.rel @p1 .LBB2_5-.Ltmp1, $4  }
0xb9: {  	[tilespmem:s9+$0x60] =	vst v9;
	v13 =	vadd.f32 v10, v2;
	v9 =	vld [tilespmem:s9+$0xD0]  }
0xba: {  	[tilespmem:s9+$0x70] =	vst v12;
	v16 =	vadd.f32 v11, v4;
	v10 =	vld [tilespmem:s9+$0xE0]  }
0xbb: {  	[tilespmem:s9+$0x80] =	vst v13;
	v13 =	vadd.f32 v14, v6;
	v11 =	vld [tilespmem:s9+$0xF0]  }
0xbc: {  	s9 =	sadd.s32 $0x200, s9;
	v12 =	vld [tilespmem:s2+$0xFFFFFFF0];
	[tilespmem:s2+$0x90] =	vst v16;
	v14 =	vadd.f32 v15, v7  }
0xbd: {  	[tilespmem:s2+$0xA0] =	vst v13;
	v2 =	vadd.f32 v8, v5  }
0xbe: {  	[tilespmem:s2+$0xB0] =	vst v14;
	v3 =	vadd.f32 v9, v3  }
0xbf: {  	s0 =	sand.u32 $0x280, s0;
	[tilespmem:s2+$0xC0] =	vst v2;
	v1 =	vadd.f32 v10, v1  }
0xc0: {  	s0 =	sor.u32 s0, s7;
	[tilespmem:s2+$0xD0] =	vst v3;
	v2 =	vadd.f32 v11, v0  }
0xc1: {  	s0 =	sor.u32 s30, s0;
	v0 =	vadd.f32 v12, v0;
	[tilespmem:s2+$0xE0] =	vst v1  }
0xc2: {  	s0 =	sshrl.u32 s0, $0x3;
	[tilespmem:s2+$0xF0] =	vst v2  }
0xc3: {  	s0 =	sadd.s32 s4, s0;
	[tilespmem:s2+$0xFFFFFFF0] =	vst v0  }
0xc4: {  	[hbm4b:s0+s12] =	stream.strided.scatter [tilespmem:s14], [sflag:$0x6], $0x4000, s15, s12, $0x38;
	[tilespmem:$0x1C800] =	vst v63  }
0xc5: {  	s0 =	simm.s32 @!p0 $0x8  }
0xc6: {  	_ =	swait.ge @!p0 [sflag:s0], $0x4000  }
0xc7: {  	[sflag:s0] =	ssyncset.done @!p0 $0x0  }
0xc8: {  	s10 =	sadd.s32 $0x180, s29;
	[sflag:s0] =	ssyncadd.s32 @!p0 $0xFFFFC000  }
0xc9: {  	[tilespmem:s19], [sflag:$0x4] =	stream.indirect.gather [hbm4b:s1+s12], $0x80, s10, s12, $0xb8;
	[tilespmem:$0x1C800] =	vst v63  }
0xca: {  	_ =	swait.ge [sflag:s20], $0x4000  }
0xcb: {  	s0 =	sor.u32 $0x2, s31;
	[sflag:s20] =	ssyncset.done $0x0  }
0xcc: {  	s2 =	sshll.u32 s0, $0x7;
	[sflag:s20] =	ssyncadd.s32 $0xFFFFC000  }
0xcd: {  	v2 =	vld [tilespmem:s2+$0x6400]  }
0xce: {  	v4 =	vld [tilespmem:s2+$0x6410]  }
0xcf: {  	v6 =	vld [tilespmem:s2+$0x6420]  }
0xd0: {  	v7 =	vld [tilespmem:s2+$0x6430]  }
0xd1: {  	v5 =	vld [tilespmem:s2+$0x6440]  }
0xd2: {  	v3 =	vld [tilespmem:s2+$0x6450]  }
0xd3: {  	v1 =	vld [tilespmem:s2+$0x6460]  }
0xd4: {  	s3 =	simm.s32 $0x14900;
	v0 =	vld [tilespmem:s2+$0x6470]  }
0xd5: {  	v8 =	vld [tilespmem:s3+$0xFFFFFF00]  }
0xd6: {  	v9 =	vld [tilespmem:s3+$0xFFFFFF10]  }
0xd7: {  	v10 =	vld [tilespmem:s3+$0xFFFFFF20]  }
0xd8: {  	v11 =	vld [tilespmem:s3+$0xFFFFFF30]  }
0xd9: {  	v12 =	vld [tilespmem:s3+$0xFFFFFF40]  }
0xda: {  	v13 =	vld [tilespmem:s3+$0xFFFFFF50];
	v8 =	vadd.f32 v8, v2  }
0xdb: {  	v14 =	vld [tilespmem:s3+$0xFFFFFF60];
	v9 =	vadd.f32 v9, v4  }
0xdc: {  	[tilespmem:s3+$0xFFFFFF00] =	vst v8;
	v8 =	vadd.f32 v10, v6;
	v10 =	vld [tilespmem:s3+$0xFFFFFF70]  }
0xdd: {  	[tilespmem:s3+$0xFFFFFF10] =	vst v9;
	v9 =	vadd.f32 v11, v7;
	v11 =	vld [tilespmem:s3+$0xFFFFFF80]  }
0xde: {  	[tilespmem:s3+$0xFFFFFF20] =	vst v8;
	v8 =	vadd.f32 v12, v5;
	v12 =	vld [tilespmem:s3+$0xFFFFFF90]  }
0xdf: {  	[tilespmem:s3+$0xFFFFFF30] =	vst v9;
	v9 =	vadd.f32 v13, v3;
	v13 =	vld [tilespmem:s3+$0xFFFFFFA0]  }
0xe0: {  	[tilespmem:s3+$0xFFFFFF40] =	vst v8;
	v8 =	vadd.f32 v14, v1;
	v14 =	vld [tilespmem:s3+$0xFFFFFFB0]  }
0xe1: {  	[tilespmem:s3+$0xFFFFFF50] =	vst v9;
	v9 =	vadd.f32 v10, v0;
	v10 =	vld [tilespmem:s3+$0xFFFFFFC0]  }
0xe2: {  	[tilespmem:s3+$0xFFFFFF60] =	vst v8;
	v8 =	vadd.f32 v11, v2;
	v11 =	vld [tilespmem:s3+$0xFFFFFFD0]  }
0xe3: {  	[tilespmem:s3+$0xFFFFFF70] =	vst v9;
	v9 =	vadd.f32 v12, v4;
	v12 =	vld [tilespmem:s3+$0xFFFFFFE0]  }
0xe4: {  	[tilespmem:s3+$0xFFFFFF80] =	vst v8;
	v8 =	vadd.f32 v13, v6;
	v13 =	vld [tilespmem:s3+$0x0]  }
0xe5: {  	[tilespmem:s3+$0xFFFFFF90] =	vst v9;
	v9 =	vadd.f32 v14, v7;
	v14 =	vld [tilespmem:s3+$0x10]  }
0xe6: {  	[tilespmem:s3+$0xFFFFFFA0] =	vst v8;
	v8 =	vadd.f32 v10, v5;
	v10 =	vld [tilespmem:s3+$0x20]  }
0xe7: {  	[tilespmem:s3+$0xFFFFFFB0] =	vst v9;
	v9 =	vadd.f32 v11, v3;
	v11 =	vld [tilespmem:s3+$0x30]  }
0xe8: {  	[tilespmem:s3+$0xFFFFFFC0] =	vst v8;
	v8 =	vadd.f32 v12, v1;
	v12 =	vld [tilespmem:s3+$0x40]  }
0xe9: {  	[tilespmem:s3+$0xFFFFFFD0] =	vst v9;
	v9 =	vadd.f32 v13, v2;
	v13 =	vld [tilespmem:s3+$0x50]  }
0xea: {  	[tilespmem:s3+$0xFFFFFFE0] =	vst v8;
	v8 =	vadd.f32 v14, v4;
	v14 =	vld [tilespmem:s3+$0x60]  }
0xeb: {  	[tilespmem:s3+$0x0] =	vst v9;
	v9 =	vadd.f32 v10, v6;
	v10 =	vld [tilespmem:s3+$0x70]  }
0xec: {  	[tilespmem:s3+$0x10] =	vst v8;
	v8 =	vadd.f32 v11, v7;
	v11 =	vld [tilespmem:s3+$0x80]  }
0xed: {  	[tilespmem:s3+$0x20] =	vst v9;
	v9 =	vadd.f32 v12, v5;
	v12 =	vld [tilespmem:s3+$0x90]  }
0xee: {  	[tilespmem:s3+$0x30] =	vst v8;
	v8 =	vadd.f32 v13, v3;
	v13 =	vld [tilespmem:s3+$0xA0]  }
0xef: {  	[tilespmem:s3+$0x40] =	vst v9;
	v9 =	vadd.f32 v14, v1;
	v14 =	vld [tilespmem:s3+$0xB0]  }
0xf0: {  	[tilespmem:s3+$0x50] =	vst v8;
	v10 =	vadd.f32 v10, v0;
	v8 =	vld [tilespmem:s3+$0xC0]  }
0xf1: {  	[tilespmem:s3+$0x60] =	vst v9;
	v15 =	vadd.f32 v11, v2;
	v9 =	vld [tilespmem:s3+$0xD0]  }
0xf2: {  	v11 =	vld [tilespmem:s3+$0xE0];
	[tilespmem:s3+$0x70] =	vst v10;
	v16 =	vadd.f32 v12, v4  }
0xf3: {  	v10 =	vld [tilespmem:s3+$0xF0];
	[tilespmem:s3+$0x80] =	vst v15;
	v13 =	vadd.f32 v13, v6  }
0xf4: {  	s9 =	simm.s32 $0x0;
	s10 =	simm.s32 $0x14B00;
	v12 =	vld [tilespmem:s3+$0xFFFFFFF0];
	[tilespmem:s3+$0x90] =	vst v16;
	v14 =	vadd.f32 v14, v7  }
.LBB2_7:
0xf5: {  	v15 =	vld [tilespmem:s10+$0xFFFFFF00];
	[tilespmem:s3+$0xA0] =	vst v13;
	v8 =	vadd.f32 v8, v5  }
0xf6: {  	v13 =	vld [tilespmem:s10+$0xFFFFFF10];
	[tilespmem:s3+$0xB0] =	vst v14;
	v9 =	vadd.f32 v9, v3  }
0xf7: {  	v14 =	vld [tilespmem:s10+$0xFFFFFF20];
	[tilespmem:s3+$0xC0] =	vst v8;
	v8 =	vadd.f32 v11, v1  }
0xf8: {  	v11 =	vld [tilespmem:s10+$0xFFFFFF30];
	[tilespmem:s3+$0xD0] =	vst v9;
	v9 =	vadd.f32 v10, v0  }
0xf9: {  	v10 =	vld [tilespmem:s10+$0xFFFFFF40];
	v12 =	vadd.f32 v12, v0;
	[tilespmem:s3+$0xE0] =	vst v8  }
0xfa: {  	v8 =	vadd.f32 v15, v2;
	v15 =	vld [tilespmem:s10+$0xFFFFFF50];
	[tilespmem:s3+$0xF0] =	vst v9  }
0xfb: {  	v9 =	vadd.f32 v13, v4;
	v13 =	vld [tilespmem:s10+$0xFFFFFF60];
	[tilespmem:s3+$0xFFFFFFF0] =	vst v12;
	s3 =	smov.u32 s10  }
0xfc: {  	[tilespmem:s10+$0xFFFFFF00] =	vst v8;
	v8 =	vadd.f32 v14, v6;
	v12 =	vld [tilespmem:s10+$0xFFFFFF70]  }
0xfd: {  	[tilespmem:s10+$0xFFFFFF10] =	vst v9;
	v9 =	vadd.f32 v11, v7;
	v11 =	vld [tilespmem:s10+$0xFFFFFF80]  }
0xfe: {  	[tilespmem:s10+$0xFFFFFF20] =	vst v8;
	v8 =	vadd.f32 v10, v5;
	v10 =	vld [tilespmem:s10+$0xFFFFFF90]  }
0xff: {  	[tilespmem:s10+$0xFFFFFF30] =	vst v9;
	v9 =	vadd.f32 v15, v3;
	v14 =	vld [tilespmem:s10+$0xFFFFFFA0]  }
0x100: {  	[tilespmem:s10+$0xFFFFFF40] =	vst v8;
	v8 =	vadd.f32 v13, v1;
	v13 =	vld [tilespmem:s10+$0xFFFFFFB0]  }
0x101: {  	[tilespmem:s10+$0xFFFFFF50] =	vst v9;
	v9 =	vadd.f32 v12, v0;
	v12 =	vld [tilespmem:s10+$0xFFFFFFC0]  }
0x102: {  	[tilespmem:s10+$0xFFFFFF60] =	vst v8;
	v8 =	vadd.f32 v11, v2;
	v11 =	vld [tilespmem:s10+$0xFFFFFFD0]  }
0x103: {  	[tilespmem:s10+$0xFFFFFF70] =	vst v9;
	v9 =	vadd.f32 v10, v4;
	v10 =	vld [tilespmem:s10+$0xFFFFFFE0]  }
0x104: {  	[tilespmem:s10+$0xFFFFFF80] =	vst v8;
	v8 =	vadd.f32 v14, v6;
	v14 =	vld [tilespmem:s10+$0x0]  }
0x105: {  	[tilespmem:s10+$0xFFFFFF90] =	vst v9;
	v9 =	vadd.f32 v13, v7;
	v13 =	vld [tilespmem:s10+$0x10]  }
0x106: {  	[tilespmem:s10+$0xFFFFFFA0] =	vst v8;
	v8 =	vadd.f32 v12, v5;
	v12 =	vld [tilespmem:s10+$0x20]  }
0x107: {  	[tilespmem:s10+$0xFFFFFFB0] =	vst v9;
	v9 =	vadd.f32 v11, v3;
	v11 =	vld [tilespmem:s10+$0x30]  }
0x108: {  	[tilespmem:s10+$0xFFFFFFC0] =	vst v8;
	v8 =	vadd.f32 v10, v1;
	v10 =	vld [tilespmem:s10+$0x40]  }
0x109: {  	[tilespmem:s10+$0xFFFFFFD0] =	vst v9;
	v9 =	vadd.f32 v14, v2;
	v14 =	vld [tilespmem:s10+$0x50]  }
0x10a: {  	[tilespmem:s10+$0xFFFFFFE0] =	vst v8;
	v8 =	vadd.f32 v13, v4;
	v13 =	vld [tilespmem:s10+$0x60]  }
0x10b: {  	[tilespmem:s10+$0x0] =	vst v9;
	v9 =	vadd.f32 v12, v6;
	v12 =	vld [tilespmem:s10+$0x70]  }
0x10c: {  	[tilespmem:s10+$0x10] =	vst v8;
	v8 =	vadd.f32 v11, v7;
	v11 =	vld [tilespmem:s10+$0x80]  }
0x10d: {  	[tilespmem:s10+$0x20] =	vst v9;
	v9 =	vadd.f32 v10, v5;
	v10 =	vld [tilespmem:s10+$0x90]  }
0x10e: {  	s9 =	sadd.s32 $0x4, s9;
	[tilespmem:s10+$0x30] =	vst v8;
	v8 =	vadd.f32 v14, v3;
	v14 =	vld [tilespmem:s10+$0xA0]  }
0x10f: {  	p0 =	slt.u32 s9, $0x7C;
	[tilespmem:s10+$0x40] =	vst v9;
	v9 =	vadd.f32 v13, v1;
	v15 =	vld [tilespmem:s10+$0xB0]  }
.Ltmp2:
0x110: {  	[tilespmem:s10+$0x50] =	vst v8;
	v12 =	vadd.f32 v12, v0;
	v8 =	vld [tilespmem:s10+$0xC0];
	(pc) =	sbr.rel @p0 .LBB2_7-.Ltmp2, $4  }
0x111: {  	[tilespmem:s10+$0x60] =	vst v9;
	v13 =	vadd.f32 v11, v2;
	v9 =	vld [tilespmem:s10+$0xD0]  }
0x112: {  	[tilespmem:s10+$0x70] =	vst v12;
	v16 =	vadd.f32 v10, v4;
	v11 =	vld [tilespmem:s10+$0xE0]  }
0x113: {  	[tilespmem:s10+$0x80] =	vst v13;
	v13 =	vadd.f32 v14, v6;
	v10 =	vld [tilespmem:s10+$0xF0]  }
0x114: {  	s10 =	sadd.s32 $0x200, s10;
	v12 =	vld [tilespmem:s3+$0xFFFFFFF0];
	[tilespmem:s3+$0x90] =	vst v16;
	v14 =	vadd.f32 v15, v7  }
0x115: {  	[tilespmem:s3+$0xA0] =	vst v13;
	v2 =	vadd.f32 v8, v5  }
0x116: {  	[tilespmem:s3+$0xB0] =	vst v14;
	v3 =	vadd.f32 v9, v3  }
0x117: {  	s2 =	sand.u32 $0x300, s2;
	[tilespmem:s3+$0xC0] =	vst v2;
	v1 =	vadd.f32 v11, v1  }
0x118: {  	s2 =	sor.u32 s2, s7;
	[tilespmem:s3+$0xD0] =	vst v3;
	v2 =	vadd.f32 v10, v0  }
0x119: {  	s2 =	sor.u32 s30, s2;
	v0 =	vadd.f32 v12, v0;
	[tilespmem:s3+$0xE0] =	vst v1  }
0x11a: {  	s2 =	sshrl.u32 s2, $0x3;
	[tilespmem:s3+$0xF0] =	vst v2  }
0x11b: {  	s2 =	sadd.s32 s4, s2;
	[tilespmem:s3+$0xFFFFFFF0] =	vst v0  }
0x11c: {  	[hbm4b:s2+s12] =	stream.strided.scatter [tilespmem:s17], [sflag:$0x7], $0x4000, s15, s12, $0x38;
	[tilespmem:$0x1C800] =	vst v63  }
0x11d: {  	p0 =	sgt.u32 s0, $0xC5;
	_ =	swait.ge [sflag:s21], $0x4000  }
0x11e: {  	s0 =	sadd.s32 @!p0 $0x200, s29;
	[sflag:s21] =	ssyncset.done $0x0  }
0x11f: {  	s3 =	simm.s32 @!p0 $0xC800;
	s2 =	simm.s32 @!p0 $0x80;
	[sflag:s21] =	ssyncadd.s32 $0xFFFFC000  }
0x120: {  	[tilespmem:s3], [sflag:$0x1] =	stream.indirect.gather @!p0 [hbm4b:s1+s2], $0x80, s0, s2, $0xb8;
	[tilespmem:$0x1C800] =	vst v63  }
0x121: {  	_ =	swait.ge [sflag:s22], $0x4000  }
0x122: {  	s0 =	sor.u32 $0x3, s31;
	[sflag:s22] =	ssyncset.done $0x0  }
0x123: {  	s2 =	sshll.u32 s0, $0x7;
	[sflag:s22] =	ssyncadd.s32 $0xFFFFC000  }
0x124: {  	v2 =	vld [tilespmem:s2+$0x6400]  }
0x125: {  	v4 =	vld [tilespmem:s2+$0x6410]  }
0x126: {  	v6 =	vld [tilespmem:s2+$0x6420]  }
0x127: {  	v7 =	vld [tilespmem:s2+$0x6430]  }
0x128: {  	v5 =	vld [tilespmem:s2+$0x6440]  }
0x129: {  	v3 =	vld [tilespmem:s2+$0x6450]  }
0x12a: {  	v1 =	vld [tilespmem:s2+$0x6460]  }
0x12b: {  	s3 =	simm.s32 $0x18900;
	v0 =	vld [tilespmem:s2+$0x6470]  }
0x12c: {  	v8 =	vld [tilespmem:s3+$0xFFFFFF00]  }
0x12d: {  	v9 =	vld [tilespmem:s3+$0xFFFFFF10]  }
0x12e: {  	v10 =	vld [tilespmem:s3+$0xFFFFFF20]  }
0x12f: {  	v11 =	vld [tilespmem:s3+$0xFFFFFF30]  }
0x130: {  	v12 =	vld [tilespmem:s3+$0xFFFFFF40]  }
0x131: {  	v13 =	vld [tilespmem:s3+$0xFFFFFF50];
	v8 =	vadd.f32 v8, v2  }
0x132: {  	v14 =	vld [tilespmem:s3+$0xFFFFFF60];
	v9 =	vadd.f32 v9, v4  }
0x133: {  	[tilespmem:s3+$0xFFFFFF00] =	vst v8;
	v8 =	vadd.f32 v10, v6;
	v10 =	vld [tilespmem:s3+$0xFFFFFF70]  }
0x134: {  	[tilespmem:s3+$0xFFFFFF10] =	vst v9;
	v9 =	vadd.f32 v11, v7;
	v11 =	vld [tilespmem:s3+$0xFFFFFF80]  }
0x135: {  	[tilespmem:s3+$0xFFFFFF20] =	vst v8;
	v8 =	vadd.f32 v12, v5;
	v12 =	vld [tilespmem:s3+$0xFFFFFF90]  }
0x136: {  	[tilespmem:s3+$0xFFFFFF30] =	vst v9;
	v9 =	vadd.f32 v13, v3;
	v13 =	vld [tilespmem:s3+$0xFFFFFFA0]  }
0x137: {  	[tilespmem:s3+$0xFFFFFF40] =	vst v8;
	v8 =	vadd.f32 v14, v1;
	v14 =	vld [tilespmem:s3+$0xFFFFFFB0]  }
0x138: {  	[tilespmem:s3+$0xFFFFFF50] =	vst v9;
	v9 =	vadd.f32 v10, v0;
	v10 =	vld [tilespmem:s3+$0xFFFFFFC0]  }
0x139: {  	[tilespmem:s3+$0xFFFFFF60] =	vst v8;
	v8 =	vadd.f32 v11, v2;
	v11 =	vld [tilespmem:s3+$0xFFFFFFD0]  }
0x13a: {  	[tilespmem:s3+$0xFFFFFF70] =	vst v9;
	v9 =	vadd.f32 v12, v4;
	v12 =	vld [tilespmem:s3+$0xFFFFFFE0]  }
0x13b: {  	[tilespmem:s3+$0xFFFFFF80] =	vst v8;
	v8 =	vadd.f32 v13, v6;
	v13 =	vld [tilespmem:s3+$0x0]  }
0x13c: {  	[tilespmem:s3+$0xFFFFFF90] =	vst v9;
	v9 =	vadd.f32 v14, v7;
	v14 =	vld [tilespmem:s3+$0x10]  }
0x13d: {  	[tilespmem:s3+$0xFFFFFFA0] =	vst v8;
	v8 =	vadd.f32 v10, v5;
	v10 =	vld [tilespmem:s3+$0x20]  }
0x13e: {  	[tilespmem:s3+$0xFFFFFFB0] =	vst v9;
	v9 =	vadd.f32 v11, v3;
	v11 =	vld [tilespmem:s3+$0x30]  }
0x13f: {  	[tilespmem:s3+$0xFFFFFFC0] =	vst v8;
	v8 =	vadd.f32 v12, v1;
	v12 =	vld [tilespmem:s3+$0x40]  }
0x140: {  	[tilespmem:s3+$0xFFFFFFD0] =	vst v9;
	v9 =	vadd.f32 v13, v2;
	v13 =	vld [tilespmem:s3+$0x50]  }
0x141: {  	[tilespmem:s3+$0xFFFFFFE0] =	vst v8;
	v8 =	vadd.f32 v14, v4;
	v14 =	vld [tilespmem:s3+$0x60]  }
0x142: {  	[tilespmem:s3+$0x0] =	vst v9;
	v9 =	vadd.f32 v10, v6;
	v10 =	vld [tilespmem:s3+$0x70]  }
0x143: {  	[tilespmem:s3+$0x10] =	vst v8;
	v8 =	vadd.f32 v11, v7;
	v11 =	vld [tilespmem:s3+$0x80]  }
0x144: {  	[tilespmem:s3+$0x20] =	vst v9;
	v9 =	vadd.f32 v12, v5;
	v12 =	vld [tilespmem:s3+$0x90]  }
0x145: {  	[tilespmem:s3+$0x30] =	vst v8;
	v8 =	vadd.f32 v13, v3;
	v13 =	vld [tilespmem:s3+$0xA0]  }
0x146: {  	[tilespmem:s3+$0x40] =	vst v9;
	v9 =	vadd.f32 v14, v1;
	v14 =	vld [tilespmem:s3+$0xB0]  }
0x147: {  	[tilespmem:s3+$0x50] =	vst v8;
	v10 =	vadd.f32 v10, v0;
	v8 =	vld [tilespmem:s3+$0xC0]  }
0x148: {  	[tilespmem:s3+$0x60] =	vst v9;
	v15 =	vadd.f32 v11, v2;
	v9 =	vld [tilespmem:s3+$0xD0]  }
0x149: {  	v11 =	vld [tilespmem:s3+$0xE0];
	[tilespmem:s3+$0x70] =	vst v10;
	v16 =	vadd.f32 v12, v4  }
0x14a: {  	v10 =	vld [tilespmem:s3+$0xF0];
	[tilespmem:s3+$0x80] =	vst v15;
	v13 =	vadd.f32 v13, v6  }
0x14b: {  	s9 =	simm.s32 $0x0;
	s10 =	simm.s32 $0x18B00;
	v12 =	vld [tilespmem:s3+$0xFFFFFFF0];
	[tilespmem:s3+$0x90] =	vst v16;
	v14 =	vadd.f32 v14, v7  }
.LBB2_9:
0x14c: {  	v15 =	vld [tilespmem:s10+$0xFFFFFF00];
	[tilespmem:s3+$0xA0] =	vst v13;
	v8 =	vadd.f32 v8, v5  }
0x14d: {  	v13 =	vld [tilespmem:s10+$0xFFFFFF10];
	[tilespmem:s3+$0xB0] =	vst v14;
	v9 =	vadd.f32 v9, v3  }
0x14e: {  	v14 =	vld [tilespmem:s10+$0xFFFFFF20];
	[tilespmem:s3+$0xC0] =	vst v8;
	v8 =	vadd.f32 v11, v1  }
0x14f: {  	v11 =	vld [tilespmem:s10+$0xFFFFFF30];
	[tilespmem:s3+$0xD0] =	vst v9;
	v9 =	vadd.f32 v10, v0  }
0x150: {  	v10 =	vld [tilespmem:s10+$0xFFFFFF40];
	v12 =	vadd.f32 v12, v0;
	[tilespmem:s3+$0xE0] =	vst v8  }
0x151: {  	v8 =	vadd.f32 v15, v2;
	v15 =	vld [tilespmem:s10+$0xFFFFFF50];
	[tilespmem:s3+$0xF0] =	vst v9  }
0x152: {  	v9 =	vadd.f32 v13, v4;
	v13 =	vld [tilespmem:s10+$0xFFFFFF60];
	[tilespmem:s3+$0xFFFFFFF0] =	vst v12;
	s3 =	smov.u32 s10  }
0x153: {  	[tilespmem:s10+$0xFFFFFF00] =	vst v8;
	v8 =	vadd.f32 v14, v6;
	v12 =	vld [tilespmem:s10+$0xFFFFFF70]  }
0x154: {  	[tilespmem:s10+$0xFFFFFF10] =	vst v9;
	v9 =	vadd.f32 v11, v7;
	v11 =	vld [tilespmem:s10+$0xFFFFFF80]  }
0x155: {  	[tilespmem:s10+$0xFFFFFF20] =	vst v8;
	v8 =	vadd.f32 v10, v5;
	v10 =	vld [tilespmem:s10+$0xFFFFFF90]  }
0x156: {  	[tilespmem:s10+$0xFFFFFF30] =	vst v9;
	v9 =	vadd.f32 v15, v3;
	v14 =	vld [tilespmem:s10+$0xFFFFFFA0]  }
0x157: {  	[tilespmem:s10+$0xFFFFFF40] =	vst v8;
	v8 =	vadd.f32 v13, v1;
	v13 =	vld [tilespmem:s10+$0xFFFFFFB0]  }
0x158: {  	[tilespmem:s10+$0xFFFFFF50] =	vst v9;
	v9 =	vadd.f32 v12, v0;
	v12 =	vld [tilespmem:s10+$0xFFFFFFC0]  }
0x159: {  	[tilespmem:s10+$0xFFFFFF60] =	vst v8;
	v8 =	vadd.f32 v11, v2;
	v11 =	vld [tilespmem:s10+$0xFFFFFFD0]  }
0x15a: {  	[tilespmem:s10+$0xFFFFFF70] =	vst v9;
	v9 =	vadd.f32 v10, v4;
	v10 =	vld [tilespmem:s10+$0xFFFFFFE0]  }
0x15b: {  	[tilespmem:s10+$0xFFFFFF80] =	vst v8;
	v8 =	vadd.f32 v14, v6;
	v14 =	vld [tilespmem:s10+$0x0]  }
0x15c: {  	[tilespmem:s10+$0xFFFFFF90] =	vst v9;
	v9 =	vadd.f32 v13, v7;
	v13 =	vld [tilespmem:s10+$0x10]  }
0x15d: {  	[tilespmem:s10+$0xFFFFFFA0] =	vst v8;
	v8 =	vadd.f32 v12, v5;
	v12 =	vld [tilespmem:s10+$0x20]  }
0x15e: {  	[tilespmem:s10+$0xFFFFFFB0] =	vst v9;
	v9 =	vadd.f32 v11, v3;
	v11 =	vld [tilespmem:s10+$0x30]  }
0x15f: {  	[tilespmem:s10+$0xFFFFFFC0] =	vst v8;
	v8 =	vadd.f32 v10, v1;
	v10 =	vld [tilespmem:s10+$0x40]  }
0x160: {  	[tilespmem:s10+$0xFFFFFFD0] =	vst v9;
	v9 =	vadd.f32 v14, v2;
	v14 =	vld [tilespmem:s10+$0x50]  }
0x161: {  	[tilespmem:s10+$0xFFFFFFE0] =	vst v8;
	v8 =	vadd.f32 v13, v4;
	v13 =	vld [tilespmem:s10+$0x60]  }
0x162: {  	[tilespmem:s10+$0x0] =	vst v9;
	v9 =	vadd.f32 v12, v6;
	v12 =	vld [tilespmem:s10+$0x70]  }
0x163: {  	[tilespmem:s10+$0x10] =	vst v8;
	v8 =	vadd.f32 v11, v7;
	v11 =	vld [tilespmem:s10+$0x80]  }
0x164: {  	[tilespmem:s10+$0x20] =	vst v9;
	v9 =	vadd.f32 v10, v5;
	v10 =	vld [tilespmem:s10+$0x90]  }
0x165: {  	s9 =	sadd.s32 $0x4, s9;
	[tilespmem:s10+$0x30] =	vst v8;
	v8 =	vadd.f32 v14, v3;
	v14 =	vld [tilespmem:s10+$0xA0]  }
0x166: {  	p0 =	slt.u32 s9, $0x7C;
	[tilespmem:s10+$0x40] =	vst v9;
	v9 =	vadd.f32 v13, v1;
	v15 =	vld [tilespmem:s10+$0xB0]  }
.Ltmp3:
0x167: {  	[tilespmem:s10+$0x50] =	vst v8;
	v12 =	vadd.f32 v12, v0;
	v8 =	vld [tilespmem:s10+$0xC0];
	(pc) =	sbr.rel @p0 .LBB2_9-.Ltmp3, $4  }
0x168: {  	[tilespmem:s10+$0x60] =	vst v9;
	v13 =	vadd.f32 v11, v2;
	v9 =	vld [tilespmem:s10+$0xD0]  }
0x169: {  	[tilespmem:s10+$0x70] =	vst v12;
	v16 =	vadd.f32 v10, v4;
	v11 =	vld [tilespmem:s10+$0xE0]  }
0x16a: {  	[tilespmem:s10+$0x80] =	vst v13;
	v13 =	vadd.f32 v14, v6;
	v10 =	vld [tilespmem:s10+$0xF0]  }
0x16b: {  	s10 =	sadd.s32 $0x200, s10;
	v12 =	vld [tilespmem:s3+$0xFFFFFFF0];
	[tilespmem:s3+$0x90] =	vst v16;
	v14 =	vadd.f32 v15, v7  }
0x16c: {  	[tilespmem:s3+$0xA0] =	vst v13;
	v2 =	vadd.f32 v8, v5  }
0x16d: {  	[tilespmem:s3+$0xB0] =	vst v14;
	v3 =	vadd.f32 v9, v3  }
0x16e: {  	s2 =	sand.u32 $0x380, s2;
	[tilespmem:s3+$0xC0] =	vst v2;
	v1 =	vadd.f32 v11, v1  }
0x16f: {  	s2 =	sor.u32 s2, s7;
	[tilespmem:s3+$0xD0] =	vst v3;
	v62 =	vadd.f32 v10, v0  }
0x170: {  	s2 =	sor.u32 s30, s2;
	v63 =	vadd.f32 v12, v0;
	[tilespmem:s3+$0xE0] =	vst v1  }
0x171: {  	s2 =	sshrl.u32 s2, $0x3;
	[tilespmem:s3+$0xF0] =	vst v62  }
0x172: {  	s2 =	sadd.s32 s4, s2;
	[tilespmem:s3+$0xFFFFFFF0] =	vst v63  }
0x173: {  	[hbm4b:s2+s12] =	stream.strided.scatter [tilespmem:s19], [sflag:$0x8], $0x4000, s15, s12, $0x38;
	[tilespmem:$0x1C800] =	vst v63  }
0x174: {  	p0 =	sgt.u32 s0, $0xC5;
	_ =	swait.ge [sflag:s23], $0x4000  }
0x175: {  	s28 =	sadd.s32 $0x1, s28;
	s0 =	sadd.s32 @!p0 $0x280, s29;
	[sflag:s23] =	ssyncset.done $0x0  }
0x176: {  	s3 =	simm.s32 @!p0 $0x10800;
	s2 =	simm.s32 @!p0 $0x80;
	[sflag:s23] =	ssyncadd.s32 $0xFFFFC000  }
0x177: {  	[tilespmem:s3], [sflag:$0x2] =	stream.indirect.gather @!p0 [hbm4b:s1+s2], $0x80, s0, s2, $0xb8;
	[tilespmem:$0x1C800] =	vst v63  }
0x178: {  	p0 =	sne.s32 s28, $0x32  }
.Ltmp4:
0x179: {  	_ = 	snop;
	(pc) =	sbr.rel @p0 .LBB2_2-.Ltmp4, $1  }
0x17a: {  	_ =	sdelay $0x3  }
0x17b: {  	s26 =	sadd.s32 $0x1, s26  }
0x17c: {  	_ =	swait.ge [sflag:s24], $0x4000;
	p0 =	sne.s32 s26, s8  }
.Ltmp5:
0x17d: {  	[sflag:s24] =	ssyncset.done $0x0;
	(pc) =	sbr.rel @p0 .LBB2_1-.Ltmp5, $4  }
0x17e: {  	[sflag:s24] =	ssyncadd.s32 $0xFFFFC000  }
0x17f: {  	_ =	swait.ge [sflag:s25], $0x4000  }
0x180: {  	[sflag:s25] =	ssyncset.done $0x0  }
0x181: {  	[sflag:s25] =	ssyncadd.s32 $0xFFFFC000  }
0x182: {  	_ =	sfence.sel $0x180000  }
0x183: {  	[bflag:$0x0] =	sbarrier.arrive $0xFFFF  }
0x184: {  	_ =	strace $0x90000047  }
0x185: {  	s0 =	stileid.u32;
	[bflag:$0x2] =	sbarrier.arrive $0xFFFF  }
0x186: {  	p0 =	sne.s32 s0, $0x0;
	s0 =	rddreg [dreg:$0x4]  }
0x187: {  	s0 =	sadd.s32 @!p0 $0x100000, s0  }
0x188: {  	[sflag:s0] =	ssyncadd.tile.s32 @!p0 $0x1;
	_ =	shalt  }
.Lfunc_end2:
_tile_overlayer_lowered:
.L_overlay_start_2:
0x189: {  	(tag) =	ssettag $0x2  }
0x18a: {  	s0 =	rddreg [dreg:$0x0];
	s2 =	stileid.u32  }
0x18b: {  	s1 =	rddreg [dreg:$0x1];
	p0 =	sne.s32 s2, $0x0  }
0x18c: {  	s3 =	rddreg [dreg:$0x2];
	[bflag:$0x3] =	sbarrier.arrive $0xFFFF;
	s2 =	simm.s32 @!p0 $0x1C09  }
0x18d: {  	[timem:s3], [sflag:s2] =	dma.local @!p0 [hbm:s0], s1  }
0x18e: {  	s0 =	simm.s32 @!p0 $0x9  }
0x18f: {  	_ =	swait.ge @!p0 [sflag:s0], s1  }
0x190: {  	s1 =	ssub.s32 @!p0 $0x0, s1;
	[sflag:s0] =	ssyncset.done @!p0 $0x0  }
0x191: {  	[sflag:s0] =	ssyncadd.s32 @!p0 s1  }
0x192: {  	[bflag:$0x3] =	sbarrier.arrive $0xFFFF  }
0x193: {  	_ =	shalt  }

</sc_bundles>
